<compile_context>
chip_gen: v7x
topology: tpu7x:2x2x1
jax: 0.10.2.dev20260603
libtpu: 0.0.44.dev20260713+nightly
codegen_flags: <defaults>
</compile_context>

<pallas_src>
import jax
import jax.numpy as jnp
from jax import lax
from jax.experimental import pallas as pl
from jax.experimental.pallas import tpu as pltpu
from jax.experimental.pallas import tpu_sc as plsc

N = 10000
E = 320000
D = 128

NC = 2
NS = 16
NW = NC * NS
EPW = E // NW
NPAD = 10240


def _sc_mesh():
    return plsc.VectorSubcoreMesh(core_axis_name="c", subcore_axis_name="s")


FCAP = 10080


def _deg_body(e_src, e_dst, maski, out, fidx, cnt,
              srcv, dstv, maskv, deg_s, deg_d, fsrcv, fdstv, cntv):
    c = lax.axis_index("c")
    s = lax.axis_index("s")
    wid = c * NS + s
    pltpu.sync_copy(e_src.at[c, s], srcv)
    pltpu.sync_copy(e_dst.at[c, s], dstv)
    pltpu.sync_copy(maski, maskv)

    zeros16 = jnp.zeros((16,), jnp.float32)
    iota16 = lax.iota(jnp.int32, 16)

    def zero_body(i, _):
        deg_s[pl.ds(i * 16, 16)] = zeros16
        deg_d[pl.ds(i * 16, 16)] = zeros16
        return _

    lax.fori_loop(0, NPAD // 16, zero_body, None)

    def fill_body(i, _):
        base = i * 16
        fsrcv[pl.ds(base, 16)] = ((wid * 613 + base) % 9984) + iota16
        fdstv[pl.ds(base, 16)] = N + ((base + wid) % 224) + iota16
        return _

    lax.fori_loop(0, FCAP // 16, fill_body, None)

    ones16 = jnp.ones((16,), jnp.float32)

    def hist_body(i, off):
        vs = srcv[pl.ds(i * 16, 16)]
        vd = dstv[pl.ds(i * 16, 16)]
        plsc.addupdate_scatter(deg_s, [vs], ones16)
        plsc.addupdate_scatter(deg_d, [vd], ones16)
        ms = plsc.load_gather(maskv, [vs])
        md = plsc.load_gather(maskv, [vd])
        act = (ms & md) != 0
        plsc.store_compressed(fsrcv.at[pl.ds(off, 16)], vs, mask=act)
        plsc.store_compressed(fdstv.at[pl.ds(off, 16)], vd, mask=act)
        npc = plsc.all_reduce_population_count(act)
        return off + lax.reduce_max(npc, (0,))

    off = lax.fori_loop(0, EPW // 16, hist_body, 0)

    end = ((off + 2 * FC - 1) // (2 * FC)) * (2 * FC)

    def pad_body(i, _):
        base = off + i * 16
        fsrcv[pl.ds(base, 16)] = ((wid * 613 + base) % 9984) + iota16
        fdstv[pl.ds(base, 16)] = N + ((base + wid) % 224) + iota16
        return _

    lax.fori_loop(0, (end - off) // 16, pad_body, None)

    cntv[pl.ds(0, 16)] = jnp.broadcast_to(end // FC, (16,))

    plsc.subcore_barrier()

    pltpu.sync_copy(deg_s, out.at[wid, 0])
    pltpu.sync_copy(deg_d, out.at[wid, 1])
    pltpu.sync_copy(fsrcv, fidx.at[wid, 0])
    pltpu.sync_copy(fdstv, fidx.at[wid, 1])
    pltpu.sync_copy(cntv, cnt.at[wid, 0])


def _degrees(e_src_flat, e_dst_flat, maski):
    k = pl.kernel(
        _deg_body,
        out_type=[
            jax.ShapeDtypeStruct((NW, 2, NPAD), jnp.float32),
            jax.ShapeDtypeStruct((NW, 2, FCAP), jnp.int32),
            jax.ShapeDtypeStruct((NW, 1, 16), jnp.int32),
        ],
        mesh=_sc_mesh(),
        scratch_types=[
            pltpu.VMEM((EPW,), jnp.int32),
            pltpu.VMEM((EPW,), jnp.int32),
            pltpu.VMEM((NPAD,), jnp.int32),
            pltpu.VMEM((NPAD,), jnp.float32),
            pltpu.VMEM((NPAD,), jnp.float32),
            pltpu.VMEM((FCAP,), jnp.int32),
            pltpu.VMEM((FCAP,), jnp.int32),
            pltpu.VMEM((16,), jnp.int32),
        ],
        compiler_params=pltpu.CompilerParams(needs_layout_passes=False),
    )
    return k(e_src_flat, e_dst_flat, maski)


def _scale_mul_body(degp_ref, maskf_ref, h_ref, g0_ref, g1_ref, sdst_ref):
    deg = jnp.sum(degp_ref[...], axis=0)
    m = maskf_ref[...][:, 0][None, :]
    s = lax.rsqrt(jnp.maximum(deg, 1.0)) * m
    g = h_ref[...] * s[0][:, None]
    g0_ref[...] = g[:, :DH]
    g1_ref[...] = g[:, DH:]
    sdst_ref[...] = s[1][:, None]


def _prescale(degp, maskf, h_pad):
    rows = 512
    grid = NPAD // rows
    return pl.pallas_call(
        _scale_mul_body,
        grid=(grid,),
        in_specs=[
            pl.BlockSpec((NW, 2, rows), lambda i: (0, 0, i)),
            pl.BlockSpec((rows, 1), lambda i: (i, 0)),
            pl.BlockSpec((rows, D), lambda i: (i, 0)),
        ],
        out_specs=[
            pl.BlockSpec((rows, DH), lambda i: (i, 0)),
            pl.BlockSpec((rows, DH), lambda i: (i, 0)),
            pl.BlockSpec((rows, 1), lambda i: (i, 0)),
        ],
        out_shape=[
            jax.ShapeDtypeStruct((NPAD, DH), jnp.float32),
            jax.ShapeDtypeStruct((NPAD, DH), jnp.float32),
            jax.ShapeDtypeStruct((NPAD, 1), jnp.float32),
        ],
    )(degp, maskf, h_pad)


DH = D // 2
FC = 80
NFC = FCAP // FC


def _agg_body(g0, g1, e_src, e_dst, cnt, out0, out1,
              srcv, dstv, cntv, bufa, bufb, bounce, a_sh, sem_a, sem_b):
    c = lax.axis_index("c")
    s = lax.axis_index("s")

    zeros16 = jnp.zeros((16,), jnp.float32)

    def zero_body(i, _):
        for kk in range(DH // 16):
            bounce[i, pl.ds(kk * 16, 16)] = zeros16
        return _

    pltpu.sync_copy(e_src.at[c, s], srcv)
    pltpu.sync_copy(e_dst.at[c, s], dstv)
    pltpu.sync_copy(cnt.at[c, s], cntv)
    nch = lax.reduce_max(cntv[0, pl.ds(0, 16)], (0,))
    nch = jnp.minimum(jnp.maximum(nch, 0), NFC)

    for g_hbm, out in ((g0, out0), (g1, out1)):
        lax.fori_loop(0, 128, zero_body, None)
        for kk in range(8):
            pltpu.sync_copy(bounce.at[pl.ds(0, 80)],
                            a_sh.at[pl.ds(s * 640 + kk * 80, 80)])
        plsc.subcore_barrier()

        @pl.when(nch > 0)
        def _():
            pltpu.async_copy(g_hbm.at[srcv.at[0]], bufa, sem_a)

        def edge_pair(j, _):
            a = 2 * j
            pltpu.make_async_copy(g_hbm.at[srcv.at[0]], bufa, sem_a).wait()
            pltpu.async_copy(g_hbm.at[srcv.at[a + 1]], bufb, sem_b)
            pltpu.sync_copy(bufa, a_sh.at[dstv.at[a]], add=True)
            pltpu.make_async_copy(g_hbm.at[srcv.at[0]], bufb, sem_b).wait()

            @pl.when(a + 2 < nch)
            def _():
                pltpu.async_copy(g_hbm.at[srcv.at[a + 2]], bufa, sem_a)

            pltpu.sync_copy(bufb, a_sh.at[dstv.at[a + 1]], add=True)
            return _

        lax.fori_loop(0, nch // 2, edge_pair, None)
        plsc.subcore_barrier()

        for kk in range(5):
            base = s * 640 + kk * 128
            pltpu.sync_copy(a_sh.at[pl.ds(base, 128)], bounce)
            pltpu.sync_copy(bounce, out.at[c, pl.ds(base, 128)])
        plsc.subcore_barrier()


def _aggregate(g0, g1, e_src_chunk, e_dst_chunk, cnt_chunk):
    k = pl.kernel(
        _agg_body,
        out_type=[
            jax.ShapeDtypeStruct((NC, NPAD, DH), jnp.float32),
            jax.ShapeDtypeStruct((NC, NPAD, DH), jnp.float32),
        ],
        mesh=_sc_mesh(),
        scratch_types=[
            pltpu.VMEM((NFC, FC), jnp.int32),
            pltpu.VMEM((NFC, FC), jnp.int32),
            pltpu.VMEM((1, 16), jnp.int32),
            pltpu.VMEM((FC, DH), jnp.float32),
            pltpu.VMEM((FC, DH), jnp.float32),
            pltpu.VMEM((128, DH), jnp.float32),
            pltpu.VMEM_SHARED((NPAD, DH), jnp.float32),
            pltpu.SemaphoreType.DMA,
            pltpu.SemaphoreType.DMA,
        ],
        compiler_params=pltpu.CompilerParams(
            use_tc_tiling_on_sc=False, needs_layout_passes=False),
    )
    return k(g0, g1, e_src_chunk, e_dst_chunk, cnt_chunk)


def _out_body(p0_ref, p1_ref, sdst_ref, w0_ref, w1_ref, b_ref, o_ref):
    sd = sdst_ref[...]
    a0 = (p0_ref[0] + p0_ref[1]) * sd
    a1 = (p1_ref[0] + p1_ref[1]) * sd
    o_ref[...] = (
        jnp.dot(a0, w0_ref[...], preferred_element_type=jnp.float32)
        + jnp.dot(a1, w1_ref[...], preferred_element_type=jnp.float32)
        + b_ref[...]
    )


def _finalize(p0, p1, sdst, W, b2):
    rows = 400
    grid = N // rows
    return pl.pallas_call(
        _out_body,
        grid=(grid,),
        in_specs=[
            pl.BlockSpec((NC, rows, DH), lambda i: (0, i, 0)),
            pl.BlockSpec((NC, rows, DH), lambda i: (0, i, 0)),
            pl.BlockSpec((rows, 1), lambda i: (i, 0)),
            pl.BlockSpec((DH, D), lambda i: (0, 0)),
            pl.BlockSpec((DH, D), lambda i: (0, 0)),
            pl.BlockSpec((1, D), lambda i: (0, 0)),
        ],
        out_specs=pl.BlockSpec((rows, D), lambda i: (i, 0)),
        out_shape=jax.ShapeDtypeStruct((N, D), jnp.float32),
    )(p0, p1, sdst, W[:DH], W[DH:], b2)


def kernel(h, mask, edge_index, W, b):
    src = edge_index[0]
    dst = edge_index[1]
    e_src_flat = src.reshape(NC, NS, EPW)
    e_dst_flat = dst.reshape(NC, NS, EPW)
    maski = jnp.pad(mask.astype(jnp.int32), (0, NPAD - N))
    maskf = jnp.pad(mask.astype(jnp.float32), (0, NPAD - N)).reshape(NPAD, 1)

    h_pad = jnp.pad(h, ((0, NPAD - N), (0, 0)))

    degp, fidx, cnt = _degrees(e_src_flat, e_dst_flat, maski)
    g0, g1, sdst = _prescale(degp, maskf, h_pad)
    p0, p1 = _aggregate(g0, g1,
                        fidx[:, 0].reshape(NC, NS, NFC, FC),
                        fidx[:, 1].reshape(NC, NS, NFC, FC),
                        cnt.reshape(NC, NS, 1, 16))
    return _finalize(p0, p1, sdst, W, b.reshape(1, D))

# --- scband reference (transcript-rebuilt; emitter-appended) ---
"""Pipeline reference for scband-masked-graph-conv-10737418240016 (READ-ONLY COPY).

The authoritative reference and input builder live on the scoring server;
editing this copy changes nothing except your own understanding.
"""

import jax, jax.numpy as jnp
import numpy as np

N = 10000
E = 320000
D_IN = 128
D_OUT = 128


def setup_inputs(seed: int = 0) -> dict:
    key = jax.random.key(seed)
    k1, k2, k3, k4 = jax.random.split(key, 4)
    h = jax.random.normal(k1, (N, D_IN), dtype=jnp.float32)
    mask = jax.random.randint(k2, (N,), 0, 2, dtype=jnp.int32).astype(jnp.bool_)
    edge_index = jax.random.randint(k3, (2, E), 0, N, dtype=jnp.int32)
    # GraphConv learned params: weight (in_feats, out_feats), bias (out_feats,)
    W = jax.random.normal(k4, (D_IN, D_OUT), dtype=jnp.float32) * (1.0 / np.sqrt(D_IN))
    b = jnp.zeros((D_OUT,), dtype=jnp.float32)
    return {"h": h, "mask": mask, "edge_index": edge_index, "W": W, "b": b}


def reference(h, mask, edge_index, W, b):
    # MaskedGraphConv: edge weight = mask[src] & mask[dst] (no pre-existing edge weights),
    # then DGL GraphConv(norm='both', allow_zero_in_degree=True) with that edge_weight.
    src = edge_index[0]
    dst = edge_index[1]
    edge_mask = (mask[src] & mask[dst]).astype(jnp.float32)[:, None]  # [E, 1]

    # norm='both': scale source feats by out_degree^{-1/2} (unweighted degrees, clamped to 1)
    ones_e = jnp.ones((E,), dtype=jnp.float32)
    out_deg = jax.ops.segment_sum(ones_e, src, num_segments=N)
    norm_src = jnp.maximum(out_deg, 1.0) ** -0.5
    feat = h * norm_src[:, None]

    # in_feats == out_feats -> aggregate first (u_mul_e, sum over dst), then matmul
    msgs = feat[src] * edge_mask  # gather + edge-weight multiply
    agg = jax.ops.segment_sum(msgs, dst, num_segments=N)  # scatter-add

    # scale by in_degree^{-1/2}
    in_deg = jax.ops.segment_sum(ones_e, dst, num_segments=N)
    norm_dst = jnp.maximum(in_deg, 1.0) ** -0.5
    rst = agg * norm_dst[:, None]

    rst = rst @ W + b
    return rst

if __name__ == "__main__":
    import jax
    _d = setup_inputs()
    print(jax.jit(kernel)(*tuple(_d.values())))

</pallas_src>

<mosaic_0001>
#map = affine_map<(d0, d1) -> (0, 0)>
#map1 = affine_map<(d0, d1) -> (0, 0, 0, 0)>
#map2 = affine_map<(d0, d1) -> (0, 0, 0)>
module attributes {stable_mosaic.version = 14 : i64} {
  func.func @_agg_body(%arg0: i32, %arg1: i32, %arg2: memref<10240x64xf32, #tpu.memory_space<hbm>>, %arg3: memref<10240x64xf32, #tpu.memory_space<hbm>>, %arg4: memref<2x16x126x80xi32, #tpu.memory_space<hbm>>, %arg5: memref<2x16x126x80xi32, #tpu.memory_space<hbm>>, %arg6: memref<2x16x1x16xi32, #tpu.memory_space<hbm>>, %arg7: memref<2x10240x64xf32, #tpu.memory_space<hbm>>, %arg8: memref<2x10240x64xf32, #tpu.memory_space<hbm>>, %arg9: memref<126x80xi32, #tpu.memory_space<vmem>>, %arg10: memref<126x80xi32, #tpu.memory_space<vmem>>, %arg11: memref<1x16xi32, #tpu.memory_space<vmem>>, %arg12: memref<80x64xf32, #tpu.memory_space<vmem>>, %arg13: memref<80x64xf32, #tpu.memory_space<vmem>>, %arg14: memref<128x64xf32, #tpu.memory_space<vmem>>, %arg15: memref<10240x64xf32, #tpu.memory_space<vmem_shared>>, %arg16: memref<!tpu.dma_semaphore, #tpu.memory_space<semaphore_mem>>, %arg17: memref<!tpu.dma_semaphore, #tpu.memory_space<semaphore_mem>>) attributes {dimension_semantics = [#tpu.dimension_semantics<core_parallel>, #tpu.dimension_semantics<subcore_parallel>], iteration_bounds = array<i64: 2, 16>, scalar_prefetch = 0 : i64, scratch_operands = 9 : i64, tpu.core_type = #tpu.core_type<sc_vector_subcore>, window_params = [{transform_indices = #map}, {transform_indices = #map}, {transform_indices = #map1}, {transform_indices = #map1}, {transform_indices = #map1}, {transform_indices = #map2}, {transform_indices = #map2}]} {
    %broadcast_in_dim3A = arith.constant 0.000000e+00 : f32
    %broadcast_in_dim3A_0 = vector.broadcast %broadcast_in_dim3A : f32 to vector<16xf32>
    "tpu.region"() ({
      %run_scoped3A = tpu.sem_alloc : memref<!tpu.dma_semaphore, #tpu.memory_space<semaphore_mem>>
      %dma_start3A = arith.constant 0 : i32
      %dma_start3A_193 = arith.constant 0 : i32
      %dma_start3A_194 = tpu.memref_slice %arg4[%arg0, %arg1, %dma_start3A, %dma_start3A_193] : memref<2x16x126x80xi32, #tpu.memory_space<hbm>> -> memref<1x1x126x80xi32, #tpu.memory_space<hbm>>
      %dma_start3A_195 = tpu.memref_squeeze %dma_start3A_194 : memref<1x1x126x80xi32, #tpu.memory_space<hbm>> -> memref<126x80xi32, #tpu.memory_space<hbm>>
      %dma_start3A_196 = arith.constant 0 : i32
      %dma_start3A_197 = arith.constant 0 : i32
      %dma_start3A_198 = tpu.memref_slice %arg4[%arg0, %arg1, %dma_start3A_196, %dma_start3A_197] : memref<2x16x126x80xi32, #tpu.memory_space<hbm>> -> memref<1x1x126x80xi32, #tpu.memory_space<hbm>>
      %dma_start3A_199 = tpu.memref_squeeze %dma_start3A_198 : memref<1x1x126x80xi32, #tpu.memory_space<hbm>> -> memref<126x80xi32, #tpu.memory_space<hbm>>
      tpu.enqueue_dma source(%dma_start3A_199 : memref<126x80xi32, #tpu.memory_space<hbm>>) target(%arg9 : memref<126x80xi32, #tpu.memory_space<vmem>>) target_semaphore(%run_scoped3A : memref<!tpu.dma_semaphore, #tpu.memory_space<semaphore_mem>>)
      %dma_wait3A = arith.constant 0 : i32
      %dma_wait3A_200 = arith.constant 0 : i32
      %dma_wait3A_201 = tpu.memref_slice %arg4[%arg0, %arg1, %dma_wait3A, %dma_wait3A_200] : memref<2x16x126x80xi32, #tpu.memory_space<hbm>> -> memref<1x1x126x80xi32, #tpu.memory_space<hbm>>
      %dma_wait3A_202 = tpu.memref_squeeze %dma_wait3A_201 : memref<1x1x126x80xi32, #tpu.memory_space<hbm>> -> memref<126x80xi32, #tpu.memory_space<hbm>>
      %dma_wait3A_203 = arith.constant 0 : i32
      %dma_wait3A_204 = arith.constant 0 : i32
      %dma_wait3A_205 = tpu.memref_slice %arg4[%arg0, %arg1, %dma_wait3A_203, %dma_wait3A_204] : memref<2x16x126x80xi32, #tpu.memory_space<hbm>> -> memref<1x1x126x80xi32, #tpu.memory_space<hbm>>
      %dma_wait3A_206 = tpu.memref_squeeze %dma_wait3A_205 : memref<1x1x126x80xi32, #tpu.memory_space<hbm>> -> memref<126x80xi32, #tpu.memory_space<hbm>>
      tpu.wait_dma2 semaphore(%run_scoped3A : memref<!tpu.dma_semaphore, #tpu.memory_space<semaphore_mem>>) src(%dma_wait3A_206 : memref<126x80xi32, #tpu.memory_space<hbm>>) dst(%arg9 : memref<126x80xi32, #tpu.memory_space<vmem>>)
      tpu.yield
    }) : () -> ()
    "tpu.region"() ({
      %run_scoped3A = tpu.sem_alloc : memref<!tpu.dma_semaphore, #tpu.memory_space<semaphore_mem>>
      %dma_start3A = arith.constant 0 : i32
      %dma_start3A_193 = arith.constant 0 : i32
      %dma_start3A_194 = tpu.memref_slice %arg5[%arg0, %arg1, %dma_start3A, %dma_start3A_193] : memref<2x16x126x80xi32, #tpu.memory_space<hbm>> -> memref<1x1x126x80xi32, #tpu.memory_space<hbm>>
      %dma_start3A_195 = tpu.memref_squeeze %dma_start3A_194 : memref<1x1x126x80xi32, #tpu.memory_space<hbm>> -> memref<126x80xi32, #tpu.memory_space<hbm>>
      %dma_start3A_196 = arith.constant 0 : i32
      %dma_start3A_197 = arith.constant 0 : i32
      %dma_start3A_198 = tpu.memref_slice %arg5[%arg0, %arg1, %dma_start3A_196, %dma_start3A_197] : memref<2x16x126x80xi32, #tpu.memory_space<hbm>> -> memref<1x1x126x80xi32, #tpu.memory_space<hbm>>
      %dma_start3A_199 = tpu.memref_squeeze %dma_start3A_198 : memref<1x1x126x80xi32, #tpu.memory_space<hbm>> -> memref<126x80xi32, #tpu.memory_space<hbm>>
      tpu.enqueue_dma source(%dma_start3A_199 : memref<126x80xi32, #tpu.memory_space<hbm>>) target(%arg10 : memref<126x80xi32, #tpu.memory_space<vmem>>) target_semaphore(%run_scoped3A : memref<!tpu.dma_semaphore, #tpu.memory_space<semaphore_mem>>)
      %dma_wait3A = arith.constant 0 : i32
      %dma_wait3A_200 = arith.constant 0 : i32
      %dma_wait3A_201 = tpu.memref_slice %arg5[%arg0, %arg1, %dma_wait3A, %dma_wait3A_200] : memref<2x16x126x80xi32, #tpu.memory_space<hbm>> -> memref<1x1x126x80xi32, #tpu.memory_space<hbm>>
      %dma_wait3A_202 = tpu.memref_squeeze %dma_wait3A_201 : memref<1x1x126x80xi32, #tpu.memory_space<hbm>> -> memref<126x80xi32, #tpu.memory_space<hbm>>
      %dma_wait3A_203 = arith.constant 0 : i32
      %dma_wait3A_204 = arith.constant 0 : i32
      %dma_wait3A_205 = tpu.memref_slice %arg5[%arg0, %arg1, %dma_wait3A_203, %dma_wait3A_204] : memref<2x16x126x80xi32, #tpu.memory_space<hbm>> -> memref<1x1x126x80xi32, #tpu.memory_space<hbm>>
      %dma_wait3A_206 = tpu.memref_squeeze %dma_wait3A_205 : memref<1x1x126x80xi32, #tpu.memory_space<hbm>> -> memref<126x80xi32, #tpu.memory_space<hbm>>
      tpu.wait_dma2 semaphore(%run_scoped3A : memref<!tpu.dma_semaphore, #tpu.memory_space<semaphore_mem>>) src(%dma_wait3A_206 : memref<126x80xi32, #tpu.memory_space<hbm>>) dst(%arg10 : memref<126x80xi32, #tpu.memory_space<vmem>>)
      tpu.yield
    }) : () -> ()
    "tpu.region"() ({
      %run_scoped3A = tpu.sem_alloc : memref<!tpu.dma_semaphore, #tpu.memory_space<semaphore_mem>>
      %dma_start3A = arith.constant 0 : i32
      %dma_start3A_193 = arith.constant 0 : i32
      %dma_start3A_194 = tpu.memref_slice %arg6[%arg0, %arg1, %dma_start3A, %dma_start3A_193] : memref<2x16x1x16xi32, #tpu.memory_space<hbm>> -> memref<1x1x1x16xi32, #tpu.memory_space<hbm>>
      %dma_start3A_195 = tpu.memref_squeeze %dma_start3A_194 : memref<1x1x1x16xi32, #tpu.memory_space<hbm>> -> memref<1x16xi32, #tpu.memory_space<hbm>>
      %dma_start3A_196 = arith.constant 0 : i32
      %dma_start3A_197 = arith.constant 0 : i32
      %dma_start3A_198 = tpu.memref_slice %arg6[%arg0, %arg1, %dma_start3A_196, %dma_start3A_197] : memref<2x16x1x16xi32, #tpu.memory_space<hbm>> -> memref<1x1x1x16xi32, #tpu.memory_space<hbm>>
      %dma_start3A_199 = tpu.memref_squeeze %dma_start3A_198 : memref<1x1x1x16xi32, #tpu.memory_space<hbm>> -> memref<1x16xi32, #tpu.memory_space<hbm>>
      tpu.enqueue_dma source(%dma_start3A_199 : memref<1x16xi32, #tpu.memory_space<hbm>>) target(%arg11 : memref<1x16xi32, #tpu.memory_space<vmem>>) target_semaphore(%run_scoped3A : memref<!tpu.dma_semaphore, #tpu.memory_space<semaphore_mem>>)
      %dma_wait3A = arith.constant 0 : i32
      %dma_wait3A_200 = arith.constant 0 : i32
      %dma_wait3A_201 = tpu.memref_slice %arg6[%arg0, %arg1, %dma_wait3A, %dma_wait3A_200] : memref<2x16x1x16xi32, #tpu.memory_space<hbm>> -> memref<1x1x1x16xi32, #tpu.memory_space<hbm>>
      %dma_wait3A_202 = tpu.memref_squeeze %dma_wait3A_201 : memref<1x1x1x16xi32, #tpu.memory_space<hbm>> -> memref<1x16xi32, #tpu.memory_space<hbm>>
      %dma_wait3A_203 = arith.constant 0 : i32
      %dma_wait3A_204 = arith.constant 0 : i32
      %dma_wait3A_205 = tpu.memref_slice %arg6[%arg0, %arg1, %dma_wait3A_203, %dma_wait3A_204] : memref<2x16x1x16xi32, #tpu.memory_space<hbm>> -> memref<1x1x1x16xi32, #tpu.memory_space<hbm>>
      %dma_wait3A_206 = tpu.memref_squeeze %dma_wait3A_205 : memref<1x1x1x16xi32, #tpu.memory_space<hbm>> -> memref<1x16xi32, #tpu.memory_space<hbm>>
      tpu.wait_dma2 semaphore(%run_scoped3A : memref<!tpu.dma_semaphore, #tpu.memory_space<semaphore_mem>>) src(%dma_wait3A_206 : memref<1x16xi32, #tpu.memory_space<hbm>>) dst(%arg11 : memref<1x16xi32, #tpu.memory_space<vmem>>)
      tpu.yield
    }) : () -> ()
    %get3A = arith.constant 0 : i32
    %get3A_1 = arith.index_cast %get3A : i32 to index
    %get3A_2 = arith.constant 0 : index
    %get3A_3 = tpu.vector_load %arg11[%get3A_1, %get3A_2] {strides = array<i32>} : memref<1x16xi32, #tpu.memory_space<vmem>>, vector<16xi32>,
    %reduce_max3A = arith.constant true
    %reduce_max3A_4 = vector.broadcast %reduce_max3A : i1 to vector<16xi1>
    %reduce_max3A_5 = arith.constant -2147483648 : i32
    %reduce_max3A_6 = vector.broadcast %reduce_max3A_5 : i32 to vector<16xi32>
    %reduce_max3A_7 = arith.xori %get3A_3, %reduce_max3A_6 : vector<16xi32>
    %reduce_max3A_8 = tpu.scan <max>, %reduce_max3A_7 masked %reduce_max3A_4 : vector<16xi32>, vector<16xi1> -> vector<16xi32>
    %reduce_max3A_9 = arith.xori %reduce_max3A_8, %reduce_max3A_6 : vector<16xi32>
    %reduce_max3A_10 = vector.extract %reduce_max3A_9[15] : i32 from vector<16xi32>
    %max3A = arith.constant 0 : i32
    %max3A_11 = arith.maxsi %reduce_max3A_10, %max3A : i32
    %min3A = arith.constant 126 : i32
    %min3A_12 = arith.minsi %max3A_11, %min3A : i32
    %scan3A = arith.constant 0 : i32
    %scan3A_13 = arith.constant 128 : i32
    %scan3A_14 = arith.addi %scan3A, %scan3A_13 : i32
    %scan3A_15 = arith.constant 1 : i32
    scf.for %scan3A_193 = %scan3A to %scan3A_14 step %scan3A_15  : i32 {
      %swap3A = arith.index_cast %scan3A_193 : i32 to index
      %swap3A_194 = arith.constant 0 : index
      %swap3A_195 = tpu.vector_load %arg14[%swap3A, %swap3A_194] {strides = array<i32>} : memref<128x64xf32, #tpu.memory_space<vmem>>, vector<16xf32>,
      tpu.vector_store %arg14[%swap3A, %swap3A_194], %broadcast_in_dim3A_0 {strides = array<i32>} : memref<128x64xf32, #tpu.memory_space<vmem>>, vector<16xf32>,
      %swap3A_196 = arith.index_cast %scan3A_193 : i32 to index
      %swap3A_197 = arith.constant 16 : index
      %swap3A_198 = tpu.vector_load %arg14[%swap3A_196, %swap3A_197] {strides = array<i32>} : memref<128x64xf32, #tpu.memory_space<vmem>>, vector<16xf32>,
      tpu.vector_store %arg14[%swap3A_196, %swap3A_197], %broadcast_in_dim3A_0 {strides = array<i32>} : memref<128x64xf32, #tpu.memory_space<vmem>>, vector<16xf32>,
      %swap3A_199 = arith.index_cast %scan3A_193 : i32 to index
      %swap3A_200 = arith.constant 32 : index
      %swap3A_201 = tpu.vector_load %arg14[%swap3A_199, %swap3A_200] {strides = array<i32>} : memref<128x64xf32, #tpu.memory_space<vmem>>, vector<16xf32>,
      tpu.vector_store %arg14[%swap3A_199, %swap3A_200], %broadcast_in_dim3A_0 {strides = array<i32>} : memref<128x64xf32, #tpu.memory_space<vmem>>, vector<16xf32>,
      %swap3A_202 = arith.index_cast %scan3A_193 : i32 to index
      %swap3A_203 = arith.constant 48 : index
      %swap3A_204 = tpu.vector_load %arg14[%swap3A_202, %swap3A_203] {strides = array<i32>} : memref<128x64xf32, #tpu.memory_space<vmem>>, vector<16xf32>,
      tpu.vector_store %arg14[%swap3A_202, %swap3A_203], %broadcast_in_dim3A_0 {strides = array<i32>} : memref<128x64xf32, #tpu.memory_space<vmem>>, vector<16xf32>,
    }
    %scan3A_16 = arith.constant 128 : i32
    %mul3A = arith.constant 640 : i32
    %mul3A_17 = arith.muli %arg1, %mul3A : i32
    %add3A = arith.constant 0 : i32
    %add3A_18 = arith.addi %mul3A_17, %add3A : i32
    "tpu.region"() ({
      %run_scoped3A = tpu.sem_alloc : memref<!tpu.dma_semaphore, #tpu.memory_space<semaphore_mem>>
      %dma_start3A = arith.constant 0 : i32
      %dma_start3A_193 = arith.constant 0 : i32
      %dma_start3A_194 = tpu.memref_slice %arg14[%dma_start3A, %dma_start3A_193] : memref<128x64xf32, #tpu.memory_space<vmem>> -> memref<80x64xf32, #tpu.memory_space<vmem>>
      %dma_start3A_195 = arith.constant 0 : i32
      %dma_start3A_196 = tpu.memref_slice %arg15[%add3A_18, %dma_start3A_195] : memref<10240x64xf32, #tpu.memory_space<vmem_shared>> -> memref<80x64xf32, #tpu.memory_space<vmem_shared>>
      %dma_start3A_197 = arith.constant 0 : i32
      %dma_start3A_198 = tpu.memref_slice %arg15[%add3A_18, %dma_start3A_197] : memref<10240x64xf32, #tpu.memory_space<vmem_shared>> -> memref<80x64xf32, #tpu.memory_space<vmem_shared>>
      %dma_start3A_199 = arith.constant 0 : i32
      %dma_start3A_200 = arith.constant 0 : i32
      %dma_start3A_201 = tpu.memref_slice %arg14[%dma_start3A_199, %dma_start3A_200] : memref<128x64xf32, #tpu.memory_space<vmem>> -> memref<80x64xf32, #tpu.memory_space<vmem>>
      tpu.enqueue_dma source(%dma_start3A_201 : memref<80x64xf32, #tpu.memory_space<vmem>>) target(%dma_start3A_198 : memref<80x64xf32, #tpu.memory_space<vmem_shared>>) target_semaphore(%run_scoped3A : memref<!tpu.dma_semaphore, #tpu.memory_space<semaphore_mem>>)
      %dma_wait3A = arith.constant 0 : i32
      %dma_wait3A_202 = arith.constant 0 : i32
      %dma_wait3A_203 = tpu.memref_slice %arg14[%dma_wait3A, %dma_wait3A_202] : memref<128x64xf32, #tpu.memory_space<vmem>> -> memref<80x64xf32, #tpu.memory_space<vmem>>
      %dma_wait3A_204 = arith.constant 0 : i32
      %dma_wait3A_205 = tpu.memref_slice %arg15[%add3A_18, %dma_wait3A_204] : memref<10240x64xf32, #tpu.memory_space<vmem_shared>> -> memref<80x64xf32, #tpu.memory_space<vmem_shared>>
      %dma_wait3A_206 = arith.constant 0 : i32
      %dma_wait3A_207 = tpu.memref_slice %arg15[%add3A_18, %dma_wait3A_206] : memref<10240x64xf32, #tpu.memory_space<vmem_shared>> -> memref<80x64xf32, #tpu.memory_space<vmem_shared>>
      %dma_wait3A_208 = arith.constant 0 : i32
      %dma_wait3A_209 = arith.constant 0 : i32
      %dma_wait3A_210 = tpu.memref_slice %arg14[%dma_wait3A_208, %dma_wait3A_209] : memref<128x64xf32, #tpu.memory_space<vmem>> -> memref<80x64xf32, #tpu.memory_space<vmem>>
      tpu.wait_dma2 semaphore(%run_scoped3A : memref<!tpu.dma_semaphore, #tpu.memory_space<semaphore_mem>>) src(%dma_wait3A_210 : memref<80x64xf32, #tpu.memory_space<vmem>>) dst(%dma_wait3A_207 : memref<80x64xf32, #tpu.memory_space<vmem_shared>>)
      tpu.yield
    }) : () -> ()
    %mul3A_19 = arith.constant 640 : i32
    %mul3A_20 = arith.muli %arg1, %mul3A_19 : i32
    %add3A_21 = arith.constant 80 : i32
    %add3A_22 = arith.addi %mul3A_20, %add3A_21 : i32
    "tpu.region"() ({
      %run_scoped3A = tpu.sem_alloc : memref<!tpu.dma_semaphore, #tpu.memory_space<semaphore_mem>>
      %dma_start3A = arith.constant 0 : i32
      %dma_start3A_193 = arith.constant 0 : i32
      %dma_start3A_194 = tpu.memref_slice %arg14[%dma_start3A, %dma_start3A_193] : memref<128x64xf32, #tpu.memory_space<vmem>> -> memref<80x64xf32, #tpu.memory_space<vmem>>
      %dma_start3A_195 = arith.constant 0 : i32
      %dma_start3A_196 = tpu.memref_slice %arg15[%add3A_22, %dma_start3A_195] : memref<10240x64xf32, #tpu.memory_space<vmem_shared>> -> memref<80x64xf32, #tpu.memory_space<vmem_shared>>
      %dma_start3A_197 = arith.constant 0 : i32
      %dma_start3A_198 = tpu.memref_slice %arg15[%add3A_22, %dma_start3A_197] : memref<10240x64xf32, #tpu.memory_space<vmem_shared>> -> memref<80x64xf32, #tpu.memory_space<vmem_shared>>
      %dma_start3A_199 = arith.constant 0 : i32
      %dma_start3A_200 = arith.constant 0 : i32
      %dma_start3A_201 = tpu.memref_slice %arg14[%dma_start3A_199, %dma_start3A_200] : memref<128x64xf32, #tpu.memory_space<vmem>> -> memref<80x64xf32, #tpu.memory_space<vmem>>
      tpu.enqueue_dma source(%dma_start3A_201 : memref<80x64xf32, #tpu.memory_space<vmem>>) target(%dma_start3A_198 : memref<80x64xf32, #tpu.memory_space<vmem_shared>>) target_semaphore(%run_scoped3A : memref<!tpu.dma_semaphore, #tpu.memory_space<semaphore_mem>>)
      %dma_wait3A = arith.constant 0 : i32
      %dma_wait3A_202 = arith.constant 0 : i32
      %dma_wait3A_203 = tpu.memref_slice %arg14[%dma_wait3A, %dma_wait3A_202] : memref<128x64xf32, #tpu.memory_space<vmem>> -> memref<80x64xf32, #tpu.memory_space<vmem>>
      %dma_wait3A_204 = arith.constant 0 : i32
      %dma_wait3A_205 = tpu.memref_slice %arg15[%add3A_22, %dma_wait3A_204] : memref<10240x64xf32, #tpu.memory_space<vmem_shared>> -> memref<80x64xf32, #tpu.memory_space<vmem_shared>>
      %dma_wait3A_206 = arith.constant 0 : i32
      %dma_wait3A_207 = tpu.memref_slice %arg15[%add3A_22, %dma_wait3A_206] : memref<10240x64xf32, #tpu.memory_space<vmem_shared>> -> memref<80x64xf32, #tpu.memory_space<vmem_shared>>
      %dma_wait3A_208 = arith.constant 0 : i32
      %dma_wait3A_209 = arith.constant 0 : i32
      %dma_wait3A_210 = tpu.memref_slice %arg14[%dma_wait3A_208, %dma_wait3A_209] : memref<128x64xf32, #tpu.memory_space<vmem>> -> memref<80x64xf32, #tpu.memory_space<vmem>>
      tpu.wait_dma2 semaphore(%run_scoped3A : memref<!tpu.dma_semaphore, #tpu.memory_space<semaphore_mem>>) src(%dma_wait3A_210 : memref<80x64xf32, #tpu.memory_space<vmem>>) dst(%dma_wait3A_207 : memref<80x64xf32, #tpu.memory_space<vmem_shared>>)
      tpu.yield
    }) : () -> ()
    %mul3A_23 = arith.constant 640 : i32
    %mul3A_24 = arith.muli %arg1, %mul3A_23 : i32
    %add3A_25 = arith.constant 160 : i32
    %add3A_26 = arith.addi %mul3A_24, %add3A_25 : i32
    "tpu.region"() ({
      %run_scoped3A = tpu.sem_alloc : memref<!tpu.dma_semaphore, #tpu.memory_space<semaphore_mem>>
      %dma_start3A = arith.constant 0 : i32
      %dma_start3A_193 = arith.constant 0 : i32
      %dma_start3A_194 = tpu.memref_slice %arg14[%dma_start3A, %dma_start3A_193] : memref<128x64xf32, #tpu.memory_space<vmem>> -> memref<80x64xf32, #tpu.memory_space<vmem>>
      %dma_start3A_195 = arith.constant 0 : i32
      %dma_start3A_196 = tpu.memref_slice %arg15[%add3A_26, %dma_start3A_195] : memref<10240x64xf32, #tpu.memory_space<vmem_shared>> -> memref<80x64xf32, #tpu.memory_space<vmem_shared>>
      %dma_start3A_197 = arith.constant 0 : i32
      %dma_start3A_198 = tpu.memref_slice %arg15[%add3A_26, %dma_start3A_197] : memref<10240x64xf32, #tpu.memory_space<vmem_shared>> -> memref<80x64xf32, #tpu.memory_space<vmem_shared>>
      %dma_start3A_199 = arith.constant 0 : i32
      %dma_start3A_200 = arith.constant 0 : i32
      %dma_start3A_201 = tpu.memref_slice %arg14[%dma_start3A_199, %dma_start3A_200] : memref<128x64xf32, #tpu.memory_space<vmem>> -> memref<80x64xf32, #tpu.memory_space<vmem>>
      tpu.enqueue_dma source(%dma_start3A_201 : memref<80x64xf32, #tpu.memory_space<vmem>>) target(%dma_start3A_198 : memref<80x64xf32, #tpu.memory_space<vmem_shared>>) target_semaphore(%run_scoped3A : memref<!tpu.dma_semaphore, #tpu.memory_space<semaphore_mem>>)
      %dma_wait3A = arith.constant 0 : i32
      %dma_wait3A_202 = arith.constant 0 : i32
      %dma_wait3A_203 = tpu.memref_slice %arg14[%dma_wait3A, %dma_wait3A_202] : memref<128x64xf32, #tpu.memory_space<vmem>> -> memref<80x64xf32, #tpu.memory_space<vmem>>
      %dma_wait3A_204 = arith.constant 0 : i32
      %dma_wait3A_205 = tpu.memref_slice %arg15[%add3A_26, %dma_wait3A_204] : memref<10240x64xf32, #tpu.memory_space<vmem_shared>> -> memref<80x64xf32, #tpu.memory_space<vmem_shared>>
      %dma_wait3A_206 = arith.constant 0 : i32
      %dma_wait3A_207 = tpu.memref_slice %arg15[%add3A_26, %dma_wait3A_206] : memref<10240x64xf32, #tpu.memory_space<vmem_shared>> -> memref<80x64xf32, #tpu.memory_space<vmem_shared>>
      %dma_wait3A_208 = arith.constant 0 : i32
      %dma_wait3A_209 = arith.constant 0 : i32
      %dma_wait3A_210 = tpu.memref_slice %arg14[%dma_wait3A_208, %dma_wait3A_209] : memref<128x64xf32, #tpu.memory_space<vmem>> -> memref<80x64xf32, #tpu.memory_space<vmem>>
      tpu.wait_dma2 semaphore(%run_scoped3A : memref<!tpu.dma_semaphore, #tpu.memory_space<semaphore_mem>>) src(%dma_wait3A_210 : memref<80x64xf32, #tpu.memory_space<vmem>>) dst(%dma_wait3A_207 : memref<80x64xf32, #tpu.memory_space<vmem_shared>>)
      tpu.yield
    }) : () -> ()
    %mul3A_27 = arith.constant 640 : i32
    %mul3A_28 = arith.muli %arg1, %mul3A_27 : i32
    %add3A_29 = arith.constant 240 : i32
    %add3A_30 = arith.addi %mul3A_28, %add3A_29 : i32
    "tpu.region"() ({
      %run_scoped3A = tpu.sem_alloc : memref<!tpu.dma_semaphore, #tpu.memory_space<semaphore_mem>>
      %dma_start3A = arith.constant 0 : i32
      %dma_start3A_193 = arith.constant 0 : i32
      %dma_start3A_194 = tpu.memref_slice %arg14[%dma_start3A, %dma_start3A_193] : memref<128x64xf32, #tpu.memory_space<vmem>> -> memref<80x64xf32, #tpu.memory_space<vmem>>
      %dma_start3A_195 = arith.constant 0 : i32
      %dma_start3A_196 = tpu.memref_slice %arg15[%add3A_30, %dma_start3A_195] : memref<10240x64xf32, #tpu.memory_space<vmem_shared>> -> memref<80x64xf32, #tpu.memory_space<vmem_shared>>
      %dma_start3A_197 = arith.constant 0 : i32
      %dma_start3A_198 = tpu.memref_slice %arg15[%add3A_30, %dma_start3A_197] : memref<10240x64xf32, #tpu.memory_space<vmem_shared>> -> memref<80x64xf32, #tpu.memory_space<vmem_shared>>
      %dma_start3A_199 = arith.constant 0 : i32
      %dma_start3A_200 = arith.constant 0 : i32
      %dma_start3A_201 = tpu.memref_slice %arg14[%dma_start3A_199, %dma_start3A_200] : memref<128x64xf32, #tpu.memory_space<vmem>> -> memref<80x64xf32, #tpu.memory_space<vmem>>
      tpu.enqueue_dma source(%dma_start3A_201 : memref<80x64xf32, #tpu.memory_space<vmem>>) target(%dma_start3A_198 : memref<80x64xf32, #tpu.memory_space<vmem_shared>>) target_semaphore(%run_scoped3A : memref<!tpu.dma_semaphore, #tpu.memory_space<semaphore_mem>>)
      %dma_wait3A = arith.constant 0 : i32
      %dma_wait3A_202 = arith.constant 0 : i32
      %dma_wait3A_203 = tpu.memref_slice %arg14[%dma_wait3A, %dma_wait3A_202] : memref<128x64xf32, #tpu.memory_space<vmem>> -> memref<80x64xf32, #tpu.memory_space<vmem>>
      %dma_wait3A_204 = arith.constant 0 : i32
      %dma_wait3A_205 = tpu.memref_slice %arg15[%add3A_30, %dma_wait3A_204] : memref<10240x64xf32, #tpu.memory_space<vmem_shared>> -> memref<80x64xf32, #tpu.memory_space<vmem_shared>>
      %dma_wait3A_206 = arith.constant 0 : i32
      %dma_wait3A_207 = tpu.memref_slice %arg15[%add3A_30, %dma_wait3A_206] : memref<10240x64xf32, #tpu.memory_space<vmem_shared>> -> memref<80x64xf32, #tpu.memory_space<vmem_shared>>
      %dma_wait3A_208 = arith.constant 0 : i32
      %dma_wait3A_209 = arith.constant 0 : i32
      %dma_wait3A_210 = tpu.memref_slice %arg14[%dma_wait3A_208, %dma_wait3A_209] : memref<128x64xf32, #tpu.memory_space<vmem>> -> memref<80x64xf32, #tpu.memory_space<vmem>>
      tpu.wait_dma2 semaphore(%run_scoped3A : memref<!tpu.dma_semaphore, #tpu.memory_space<semaphore_mem>>) src(%dma_wait3A_210 : memref<80x64xf32, #tpu.memory_space<vmem>>) dst(%dma_wait3A_207 : memref<80x64xf32, #tpu.memory_space<vmem_shared>>)
      tpu.yield
    }) : () -> ()
    %mul3A_31 = arith.constant 640 : i32
    %mul3A_32 = arith.muli %arg1, %mul3A_31 : i32
    %add3A_33 = arith.constant 320 : i32
    %add3A_34 = arith.addi %mul3A_32, %add3A_33 : i32
    "tpu.region"() ({
      %run_scoped3A = tpu.sem_alloc : memref<!tpu.dma_semaphore, #tpu.memory_space<semaphore_mem>>
      %dma_start3A = arith.constant 0 : i32
      %dma_start3A_193 = arith.constant 0 : i32
      %dma_start3A_194 = tpu.memref_slice %arg14[%dma_start3A, %dma_start3A_193] : memref<128x64xf32, #tpu.memory_space<vmem>> -> memref<80x64xf32, #tpu.memory_space<vmem>>
      %dma_start3A_195 = arith.constant 0 : i32
      %dma_start3A_196 = tpu.memref_slice %arg15[%add3A_34, %dma_start3A_195] : memref<10240x64xf32, #tpu.memory_space<vmem_shared>> -> memref<80x64xf32, #tpu.memory_space<vmem_shared>>
      %dma_start3A_197 = arith.constant 0 : i32
      %dma_start3A_198 = tpu.memref_slice %arg15[%add3A_34, %dma_start3A_197] : memref<10240x64xf32, #tpu.memory_space<vmem_shared>> -> memref<80x64xf32, #tpu.memory_space<vmem_shared>>
      %dma_start3A_199 = arith.constant 0 : i32
      %dma_start3A_200 = arith.constant 0 : i32
      %dma_start3A_201 = tpu.memref_slice %arg14[%dma_start3A_199, %dma_start3A_200] : memref<128x64xf32, #tpu.memory_space<vmem>> -> memref<80x64xf32, #tpu.memory_space<vmem>>
      tpu.enqueue_dma source(%dma_start3A_201 : memref<80x64xf32, #tpu.memory_space<vmem>>) target(%dma_start3A_198 : memref<80x64xf32, #tpu.memory_space<vmem_shared>>) target_semaphore(%run_scoped3A : memref<!tpu.dma_semaphore, #tpu.memory_space<semaphore_mem>>)
      %dma_wait3A = arith.constant 0 : i32
      %dma_wait3A_202 = arith.constant 0 : i32
      %dma_wait3A_203 = tpu.memref_slice %arg14[%dma_wait3A, %dma_wait3A_202] : memref<128x64xf32, #tpu.memory_space<vmem>> -> memref<80x64xf32, #tpu.memory_space<vmem>>
      %dma_wait3A_204 = arith.constant 0 : i32
      %dma_wait3A_205 = tpu.memref_slice %arg15[%add3A_34, %dma_wait3A_204] : memref<10240x64xf32, #tpu.memory_space<vmem_shared>> -> memref<80x64xf32, #tpu.memory_space<vmem_shared>>
      %dma_wait3A_206 = arith.constant 0 : i32
      %dma_wait3A_207 = tpu.memref_slice %arg15[%add3A_34, %dma_wait3A_206] : memref<10240x64xf32, #tpu.memory_space<vmem_shared>> -> memref<80x64xf32, #tpu.memory_space<vmem_shared>>
      %dma_wait3A_208 = arith.constant 0 : i32
      %dma_wait3A_209 = arith.constant 0 : i32
      %dma_wait3A_210 = tpu.memref_slice %arg14[%dma_wait3A_208, %dma_wait3A_209] : memref<128x64xf32, #tpu.memory_space<vmem>> -> memref<80x64xf32, #tpu.memory_space<vmem>>
      tpu.wait_dma2 semaphore(%run_scoped3A : memref<!tpu.dma_semaphore, #tpu.memory_space<semaphore_mem>>) src(%dma_wait3A_210 : memref<80x64xf32, #tpu.memory_space<vmem>>) dst(%dma_wait3A_207 : memref<80x64xf32, #tpu.memory_space<vmem_shared>>)
      tpu.yield
    }) : () -> ()
    %mul3A_35 = arith.constant 640 : i32
    %mul3A_36 = arith.muli %arg1, %mul3A_35 : i32
    %add3A_37 = arith.constant 400 : i32
    %add3A_38 = arith.addi %mul3A_36, %add3A_37 : i32
    "tpu.region"() ({
      %run_scoped3A = tpu.sem_alloc : memref<!tpu.dma_semaphore, #tpu.memory_space<semaphore_mem>>
      %dma_start3A = arith.constant 0 : i32
      %dma_start3A_193 = arith.constant 0 : i32
      %dma_start3A_194 = tpu.memref_slice %arg14[%dma_start3A, %dma_start3A_193] : memref<128x64xf32, #tpu.memory_space<vmem>> -> memref<80x64xf32, #tpu.memory_space<vmem>>
      %dma_start3A_195 = arith.constant 0 : i32
      %dma_start3A_196 = tpu.memref_slice %arg15[%add3A_38, %dma_start3A_195] : memref<10240x64xf32, #tpu.memory_space<vmem_shared>> -> memref<80x64xf32, #tpu.memory_space<vmem_shared>>
      %dma_start3A_197 = arith.constant 0 : i32
      %dma_start3A_198 = tpu.memref_slice %arg15[%add3A_38, %dma_start3A_197] : memref<10240x64xf32, #tpu.memory_space<vmem_shared>> -> memref<80x64xf32, #tpu.memory_space<vmem_shared>>
      %dma_start3A_199 = arith.constant 0 : i32
      %dma_start3A_200 = arith.constant 0 : i32
      %dma_start3A_201 = tpu.memref_slice %arg14[%dma_start3A_199, %dma_start3A_200] : memref<128x64xf32, #tpu.memory_space<vmem>> -> memref<80x64xf32, #tpu.memory_space<vmem>>
      tpu.enqueue_dma source(%dma_start3A_201 : memref<80x64xf32, #tpu.memory_space<vmem>>) target(%dma_start3A_198 : memref<80x64xf32, #tpu.memory_space<vmem_shared>>) target_semaphore(%run_scoped3A : memref<!tpu.dma_semaphore, #tpu.memory_space<semaphore_mem>>)
      %dma_wait3A = arith.constant 0 : i32
      %dma_wait3A_202 = arith.constant 0 : i32
      %dma_wait3A_203 = tpu.memref_slice %arg14[%dma_wait3A, %dma_wait3A_202] : memref<128x64xf32, #tpu.memory_space<vmem>> -> memref<80x64xf32, #tpu.memory_space<vmem>>
      %dma_wait3A_204 = arith.constant 0 : i32
      %dma_wait3A_205 = tpu.memref_slice %arg15[%add3A_38, %dma_wait3A_204] : memref<10240x64xf32, #tpu.memory_space<vmem_shared>> -> memref<80x64xf32, #tpu.memory_space<vmem_shared>>
      %dma_wait3A_206 = arith.constant 0 : i32
      %dma_wait3A_207 = tpu.memref_slice %arg15[%add3A_38, %dma_wait3A_206] : memref<10240x64xf32, #tpu.memory_space<vmem_shared>> -> memref<80x64xf32, #tpu.memory_space<vmem_shared>>
      %dma_wait3A_208 = arith.constant 0 : i32
      %dma_wait3A_209 = arith.constant 0 : i32
      %dma_wait3A_210 = tpu.memref_slice %arg14[%dma_wait3A_208, %dma_wait3A_209] : memref<128x64xf32, #tpu.memory_space<vmem>> -> memref<80x64xf32, #tpu.memory_space<vmem>>
      tpu.wait_dma2 semaphore(%run_scoped3A : memref<!tpu.dma_semaphore, #tpu.memory_space<semaphore_mem>>) src(%dma_wait3A_210 : memref<80x64xf32, #tpu.memory_space<vmem>>) dst(%dma_wait3A_207 : memref<80x64xf32, #tpu.memory_space<vmem_shared>>)
      tpu.yield
    }) : () -> ()
    %mul3A_39 = arith.constant 640 : i32
    %mul3A_40 = arith.muli %arg1, %mul3A_39 : i32
    %add3A_41 = arith.constant 480 : i32
    %add3A_42 = arith.addi %mul3A_40, %add3A_41 : i32
    "tpu.region"() ({
      %run_scoped3A = tpu.sem_alloc : memref<!tpu.dma_semaphore, #tpu.memory_space<semaphore_mem>>
      %dma_start3A = arith.constant 0 : i32
      %dma_start3A_193 = arith.constant 0 : i32
      %dma_start3A_194 = tpu.memref_slice %arg14[%dma_start3A, %dma_start3A_193] : memref<128x64xf32, #tpu.memory_space<vmem>> -> memref<80x64xf32, #tpu.memory_space<vmem>>
      %dma_start3A_195 = arith.constant 0 : i32
      %dma_start3A_196 = tpu.memref_slice %arg15[%add3A_42, %dma_start3A_195] : memref<10240x64xf32, #tpu.memory_space<vmem_shared>> -> memref<80x64xf32, #tpu.memory_space<vmem_shared>>
      %dma_start3A_197 = arith.constant 0 : i32
      %dma_start3A_198 = tpu.memref_slice %arg15[%add3A_42, %dma_start3A_197] : memref<10240x64xf32, #tpu.memory_space<vmem_shared>> -> memref<80x64xf32, #tpu.memory_space<vmem_shared>>
      %dma_start3A_199 = arith.constant 0 : i32
      %dma_start3A_200 = arith.constant 0 : i32
      %dma_start3A_201 = tpu.memref_slice %arg14[%dma_start3A_199, %dma_start3A_200] : memref<128x64xf32, #tpu.memory_space<vmem>> -> memref<80x64xf32, #tpu.memory_space<vmem>>
      tpu.enqueue_dma source(%dma_start3A_201 : memref<80x64xf32, #tpu.memory_space<vmem>>) target(%dma_start3A_198 : memref<80x64xf32, #tpu.memory_space<vmem_shared>>) target_semaphore(%run_scoped3A : memref<!tpu.dma_semaphore, #tpu.memory_space<semaphore_mem>>)
      %dma_wait3A = arith.constant 0 : i32
      %dma_wait3A_202 = arith.constant 0 : i32
      %dma_wait3A_203 = tpu.memref_slice %arg14[%dma_wait3A, %dma_wait3A_202] : memref<128x64xf32, #tpu.memory_space<vmem>> -> memref<80x64xf32, #tpu.memory_space<vmem>>
      %dma_wait3A_204 = arith.constant 0 : i32
      %dma_wait3A_205 = tpu.memref_slice %arg15[%add3A_42, %dma_wait3A_204] : memref<10240x64xf32, #tpu.memory_space<vmem_shared>> -> memref<80x64xf32, #tpu.memory_space<vmem_shared>>
      %dma_wait3A_206 = arith.constant 0 : i32
      %dma_wait3A_207 = tpu.memref_slice %arg15[%add3A_42, %dma_wait3A_206] : memref<10240x64xf32, #tpu.memory_space<vmem_shared>> -> memref<80x64xf32, #tpu.memory_space<vmem_shared>>
      %dma_wait3A_208 = arith.constant 0 : i32
      %dma_wait3A_209 = arith.constant 0 : i32
      %dma_wait3A_210 = tpu.memref_slice %arg14[%dma_wait3A_208, %dma_wait3A_209] : memref<128x64xf32, #tpu.memory_space<vmem>> -> memref<80x64xf32, #tpu.memory_space<vmem>>
      tpu.wait_dma2 semaphore(%run_scoped3A : memref<!tpu.dma_semaphore, #tpu.memory_space<semaphore_mem>>) src(%dma_wait3A_210 : memref<80x64xf32, #tpu.memory_space<vmem>>) dst(%dma_wait3A_207 : memref<80x64xf32, #tpu.memory_space<vmem_shared>>)
      tpu.yield
    }) : () -> ()
    %mul3A_43 = arith.constant 640 : i32
    %mul3A_44 = arith.muli %arg1, %mul3A_43 : i32
    %add3A_45 = arith.constant 560 : i32
    %add3A_46 = arith.addi %mul3A_44, %add3A_45 : i32
    "tpu.region"() ({
      %run_scoped3A = tpu.sem_alloc : memref<!tpu.dma_semaphore, #tpu.memory_space<semaphore_mem>>
      %dma_start3A = arith.constant 0 : i32
      %dma_start3A_193 = arith.constant 0 : i32
      %dma_start3A_194 = tpu.memref_slice %arg14[%dma_start3A, %dma_start3A_193] : memref<128x64xf32, #tpu.memory_space<vmem>> -> memref<80x64xf32, #tpu.memory_space<vmem>>
      %dma_start3A_195 = arith.constant 0 : i32
      %dma_start3A_196 = tpu.memref_slice %arg15[%add3A_46, %dma_start3A_195] : memref<10240x64xf32, #tpu.memory_space<vmem_shared>> -> memref<80x64xf32, #tpu.memory_space<vmem_shared>>
      %dma_start3A_197 = arith.constant 0 : i32
      %dma_start3A_198 = tpu.memref_slice %arg15[%add3A_46, %dma_start3A_197] : memref<10240x64xf32, #tpu.memory_space<vmem_shared>> -> memref<80x64xf32, #tpu.memory_space<vmem_shared>>
      %dma_start3A_199 = arith.constant 0 : i32
      %dma_start3A_200 = arith.constant 0 : i32
      %dma_start3A_201 = tpu.memref_slice %arg14[%dma_start3A_199, %dma_start3A_200] : memref<128x64xf32, #tpu.memory_space<vmem>> -> memref<80x64xf32, #tpu.memory_space<vmem>>
      tpu.enqueue_dma source(%dma_start3A_201 : memref<80x64xf32, #tpu.memory_space<vmem>>) target(%dma_start3A_198 : memref<80x64xf32, #tpu.memory_space<vmem_shared>>) target_semaphore(%run_scoped3A : memref<!tpu.dma_semaphore, #tpu.memory_space<semaphore_mem>>)
      %dma_wait3A = arith.constant 0 : i32
      %dma_wait3A_202 = arith.constant 0 : i32
      %dma_wait3A_203 = tpu.memref_slice %arg14[%dma_wait3A, %dma_wait3A_202] : memref<128x64xf32, #tpu.memory_space<vmem>> -> memref<80x64xf32, #tpu.memory_space<vmem>>
      %dma_wait3A_204 = arith.constant 0 : i32
      %dma_wait3A_205 = tpu.memref_slice %arg15[%add3A_46, %dma_wait3A_204] : memref<10240x64xf32, #tpu.memory_space<vmem_shared>> -> memref<80x64xf32, #tpu.memory_space<vmem_shared>>
      %dma_wait3A_206 = arith.constant 0 : i32
      %dma_wait3A_207 = tpu.memref_slice %arg15[%add3A_46, %dma_wait3A_206] : memref<10240x64xf32, #tpu.memory_space<vmem_shared>> -> memref<80x64xf32, #tpu.memory_space<vmem_shared>>
      %dma_wait3A_208 = arith.constant 0 : i32
      %dma_wait3A_209 = arith.constant 0 : i32
      %dma_wait3A_210 = tpu.memref_slice %arg14[%dma_wait3A_208, %dma_wait3A_209] : memref<128x64xf32, #tpu.memory_space<vmem>> -> memref<80x64xf32, #tpu.memory_space<vmem>>
      tpu.wait_dma2 semaphore(%run_scoped3A : memref<!tpu.dma_semaphore, #tpu.memory_space<semaphore_mem>>) src(%dma_wait3A_210 : memref<80x64xf32, #tpu.memory_space<vmem>>) dst(%dma_wait3A_207 : memref<80x64xf32, #tpu.memory_space<vmem_shared>>)
      tpu.yield
    }) : () -> ()
    %barrier3A = arith.constant 0 : index
    tpu.barrier barrier_id(%barrier3A)
    %gt3A = arith.constant 0 : i32
    %gt3A_47 = arith.cmpi sgt, %min3A_12, %gt3A : i32
    %convert_element_type3A = arith.extui %gt3A_47 : i1 to i32
    %cond3A = arith.constant 0 : i32
    %cond3A_48 = arith.cmpi ne, %convert_element_type3A, %cond3A : i32
    scf.if %cond3A_48 {
      %dma_start3A = arith.constant 0 : i32
      %dma_start3A_193 = arith.constant 0 : i32
      %dma_start3A_194 = tpu.memref_slice %arg9[%dma_start3A, %dma_start3A_193] : memref<126x80xi32, #tpu.memory_space<vmem>> -> memref<1x80xi32, #tpu.memory_space<vmem>>
      %dma_start3A_195 = tpu.memref_squeeze %dma_start3A_194 : memref<1x80xi32, #tpu.memory_space<vmem>> -> memref<80xi32, #tpu.memory_space<vmem>>
      %dma_start3A_196 = arith.constant 0 : i32
      %dma_start3A_197 = arith.constant 0 : i32
      %dma_start3A_198 = tpu.memref_slice %arg2[%dma_start3A_196, %dma_start3A_197] : memref<10240x64xf32, #tpu.memory_space<hbm>> -> memref<10240x64xf32, #tpu.memory_space<hbm>>
      tpu.enqueue_indirect_dma source(%dma_start3A_198 : memref<10240x64xf32, #tpu.memory_space<hbm>>) target(%arg12 : memref<80x64xf32, #tpu.memory_space<vmem>>) offsets(%dma_start3A_195 : memref<80xi32, #tpu.memory_space<vmem>>) semaphore(%arg16 : memref<!tpu.dma_semaphore, #tpu.memory_space<semaphore_mem>>)
    } else {
    }
    %jit3A = arith.constant 2 : i32
    %div3A = arith.divsi %min3A_12, %jit3A : i32
    %sign3A = arith.constant 0 : i32
    %sign3A_49 = arith.cmpi sgt, %min3A_12, %sign3A : i32
    %sign3A_50 = arith.extui %sign3A_49 : i1 to i32
    %sign3A_51 = arith.constant 0 : i32
    %sign3A_52 = arith.cmpi slt, %min3A_12, %sign3A_51 : i32
    %sign3A_53 = arith.extui %sign3A_52 : i1 to i32
    %sign3A_54 = arith.subi %sign3A_50, %sign3A_53 : i32
    %sign3A_55 = arith.constant 0 : i32
    %sign3A_56 = arith.cmpi sgt, %jit3A, %sign3A_55 : i32
    %sign3A_57 = arith.extui %sign3A_56 : i1 to i32
    %sign3A_58 = arith.constant 0 : i32
    %sign3A_59 = arith.cmpi slt, %jit3A, %sign3A_58 : i32
    %sign3A_60 = arith.extui %sign3A_59 : i1 to i32
    %sign3A_61 = arith.subi %sign3A_57, %sign3A_60 : i32
    %ne3A = arith.cmpi ne, %sign3A_54, %sign3A_61 : i32
    %rem3A = arith.remsi %min3A_12, %jit3A : i32
    %ne3A_62 = arith.constant 0 : i32
    %ne3A_63 = arith.cmpi ne, %rem3A, %ne3A_62 : i32
    %and3A = arith.andi %ne3A, %ne3A_63 : i1
    %sub3A = arith.constant 1 : i32
    %sub3A_64 = arith.subi %div3A, %sub3A : i32
    %select_n3A = arith.select %and3A, %sub3A_64, %div3A : i32
    %while3A = arith.constant 0 : i32
    %while3A_65 = arith.subi %select_n3A, %while3A : i32
    %while3A_66 = arith.addi %while3A, %while3A_65 : i32
    %while3A_67 = arith.constant 1 : i32
    %while3A_68 = arith.divsi %while3A_65, %while3A_67 : i32
    %while3A_69 = arith.muli %while3A_68, %while3A_67 : i32
    %while3A_70 = arith.addi %while3A, %while3A_69 : i32
    %while3A_71 = arith.constant 1 : i32
    scf.for %while3A_193 = %while3A to %while3A_70 step %while3A_71  : i32 {
      %mul3A_194 = arith.constant 2 : i32
      %mul3A_195 = arith.muli %mul3A_194, %while3A_193 : i32
      %dma_wait3A = arith.constant 0 : i32
      %dma_wait3A_196 = arith.constant 0 : i32
      %dma_wait3A_197 = tpu.memref_slice %arg9[%dma_wait3A, %dma_wait3A_196] : memref<126x80xi32, #tpu.memory_space<vmem>> -> memref<1x80xi32, #tpu.memory_space<vmem>>
      %dma_wait3A_198 = tpu.memref_squeeze %dma_wait3A_197 : memref<1x80xi32, #tpu.memory_space<vmem>> -> memref<80xi32, #tpu.memory_space<vmem>>
      %dma_wait3A_199 = arith.constant 0 : i32
      %dma_wait3A_200 = arith.constant 0 : i32
      %dma_wait3A_201 = tpu.memref_slice %arg2[%dma_wait3A_199, %dma_wait3A_200] : memref<10240x64xf32, #tpu.memory_space<hbm>> -> memref<10240x64xf32, #tpu.memory_space<hbm>>
      tpu.wait_indirect_dma semaphore(%arg16 : memref<!tpu.dma_semaphore, #tpu.memory_space<semaphore_mem>>) src(%dma_wait3A_201 : memref<10240x64xf32, #tpu.memory_space<hbm>>) dst(%arg12 : memref<80x64xf32, #tpu.memory_space<vmem>>)
      %add3A_202 = arith.constant 1 : i32
      %add3A_203 = arith.addi %mul3A_195, %add3A_202 : i32
      %dma_start3A = arith.constant 0 : i32
      %dma_start3A_204 = tpu.memref_slice %arg9[%add3A_203, %dma_start3A] : memref<126x80xi32, #tpu.memory_space<vmem>> -> memref<1x80xi32, #tpu.memory_space<vmem>>
      %dma_start3A_205 = tpu.memref_squeeze %dma_start3A_204 : memref<1x80xi32, #tpu.memory_space<vmem>> -> memref<80xi32, #tpu.memory_space<vmem>>
      %dma_start3A_206 = arith.constant 0 : i32
      %dma_start3A_207 = arith.constant 0 : i32
      %dma_start3A_208 = tpu.memref_slice %arg2[%dma_start3A_206, %dma_start3A_207] : memref<10240x64xf32, #tpu.memory_space<hbm>> -> memref<10240x64xf32, #tpu.memory_space<hbm>>
      tpu.enqueue_indirect_dma source(%dma_start3A_208 : memref<10240x64xf32, #tpu.memory_space<hbm>>) target(%arg13 : memref<80x64xf32, #tpu.memory_space<vmem>>) offsets(%dma_start3A_205 : memref<80xi32, #tpu.memory_space<vmem>>) semaphore(%arg17 : memref<!tpu.dma_semaphore, #tpu.memory_space<semaphore_mem>>)
      "tpu.region"() ({
        %run_scoped3A = tpu.sem_alloc : memref<!tpu.dma_semaphore, #tpu.memory_space<semaphore_mem>>
        %dma_start3A_223 = arith.constant 0 : i32
        %dma_start3A_224 = tpu.memref_slice %arg10[%mul3A_195, %dma_start3A_223] : memref<126x80xi32, #tpu.memory_space<vmem>> -> memref<1x80xi32, #tpu.memory_space<vmem>>
        %dma_start3A_225 = tpu.memref_squeeze %dma_start3A_224 : memref<1x80xi32, #tpu.memory_space<vmem>> -> memref<80xi32, #tpu.memory_space<vmem>>
        %dma_start3A_226 = arith.constant 0 : i32
        %dma_start3A_227 = arith.constant 0 : i32
        %dma_start3A_228 = tpu.memref_slice %arg15[%dma_start3A_226, %dma_start3A_227] : memref<10240x64xf32, #tpu.memory_space<vmem_shared>> -> memref<10240x64xf32, #tpu.memory_space<vmem_shared>>
        tpu.enqueue_indirect_dma source(%arg12 : memref<80x64xf32, #tpu.memory_space<vmem>>) target(%dma_start3A_228 : memref<10240x64xf32, #tpu.memory_space<vmem_shared>>) offsets(%dma_start3A_225 : memref<80xi32, #tpu.memory_space<vmem>>) semaphore(%run_scoped3A : memref<!tpu.dma_semaphore, #tpu.memory_space<semaphore_mem>>) {add = true}
        %dma_wait3A_229 = arith.constant 0 : i32
        %dma_wait3A_230 = tpu.memref_slice %arg10[%mul3A_195, %dma_wait3A_229] : memref<126x80xi32, #tpu.memory_space<vmem>> -> memref<1x80xi32, #tpu.memory_space<vmem>>
        %dma_wait3A_231 = tpu.memref_squeeze %dma_wait3A_230 : memref<1x80xi32, #tpu.memory_space<vmem>> -> memref<80xi32, #tpu.memory_space<vmem>>
        %dma_wait3A_232 = arith.constant 0 : i32
        %dma_wait3A_233 = arith.constant 0 : i32
        %dma_wait3A_234 = tpu.memref_slice %arg15[%dma_wait3A_232, %dma_wait3A_233] : memref<10240x64xf32, #tpu.memory_space<vmem_shared>> -> memref<10240x64xf32, #tpu.memory_space<vmem_shared>>
        tpu.wait_indirect_dma semaphore(%run_scoped3A : memref<!tpu.dma_semaphore, #tpu.memory_space<semaphore_mem>>) src(%arg12 : memref<80x64xf32, #tpu.memory_space<vmem>>) dst(%dma_wait3A_234 : memref<10240x64xf32, #tpu.memory_space<vmem_shared>>)
        tpu.yield
      }) : () -> ()
      %dma_wait3A_209 = arith.constant 0 : i32
      %dma_wait3A_210 = arith.constant 0 : i32
      %dma_wait3A_211 = tpu.memref_slice %arg9[%dma_wait3A_209, %dma_wait3A_210] : memref<126x80xi32, #tpu.memory_space<vmem>> -> memref<1x80xi32, #tpu.memory_space<vmem>>
      %dma_wait3A_212 = tpu.memref_squeeze %dma_wait3A_211 : memref<1x80xi32, #tpu.memory_space<vmem>> -> memref<80xi32, #tpu.memory_space<vmem>>
      %dma_wait3A_213 = arith.constant 0 : i32
      %dma_wait3A_214 = arith.constant 0 : i32
      %dma_wait3A_215 = tpu.memref_slice %arg2[%dma_wait3A_213, %dma_wait3A_214] : memref<10240x64xf32, #tpu.memory_space<hbm>> -> memref<10240x64xf32, #tpu.memory_space<hbm>>
      tpu.wait_indirect_dma semaphore(%arg17 : memref<!tpu.dma_semaphore, #tpu.memory_space<semaphore_mem>>) src(%dma_wait3A_215 : memref<10240x64xf32, #tpu.memory_space<hbm>>) dst(%arg13 : memref<80x64xf32, #tpu.memory_space<vmem>>)
      %add3A_216 = arith.constant 2 : i32
      %add3A_217 = arith.addi %mul3A_195, %add3A_216 : i32
      %lt3A = arith.cmpi slt, %add3A_217, %min3A_12 : i32
      %convert_element_type3A_218 = arith.extui %lt3A : i1 to i32
      %cond3A_219 = arith.constant 0 : i32
      %cond3A_220 = arith.cmpi ne, %convert_element_type3A_218, %cond3A_219 : i32
      scf.if %cond3A_220 {
        %add3A_223 = arith.constant 2 : i32
        %add3A_224 = arith.addi %mul3A_195, %add3A_223 : i32
        %dma_start3A_225 = arith.constant 0 : i32
        %dma_start3A_226 = tpu.memref_slice %arg9[%add3A_224, %dma_start3A_225] : memref<126x80xi32, #tpu.memory_space<vmem>> -> memref<1x80xi32, #tpu.memory_space<vmem>>
        %dma_start3A_227 = tpu.memref_squeeze %dma_start3A_226 : memref<1x80xi32, #tpu.memory_space<vmem>> -> memref<80xi32, #tpu.memory_space<vmem>>
        %dma_start3A_228 = arith.constant 0 : i32
        %dma_start3A_229 = arith.constant 0 : i32
        %dma_start3A_230 = tpu.memref_slice %arg2[%dma_start3A_228, %dma_start3A_229] : memref<10240x64xf32, #tpu.memory_space<hbm>> -> memref<10240x64xf32, #tpu.memory_space<hbm>>
        tpu.enqueue_indirect_dma source(%dma_start3A_230 : memref<10240x64xf32, #tpu.memory_space<hbm>>) target(%arg12 : memref<80x64xf32, #tpu.memory_space<vmem>>) offsets(%dma_start3A_227 : memref<80xi32, #tpu.memory_space<vmem>>) semaphore(%arg16 : memref<!tpu.dma_semaphore, #tpu.memory_space<semaphore_mem>>)
      } else {
      }
      %add3A_221 = arith.constant 1 : i32
      %add3A_222 = arith.addi %mul3A_195, %add3A_221 : i32
      "tpu.region"() ({
        %run_scoped3A = tpu.sem_alloc : memref<!tpu.dma_semaphore, #tpu.memory_space<semaphore_mem>>
        %dma_start3A_223 = arith.constant 0 : i32
        %dma_start3A_224 = tpu.memref_slice %arg10[%add3A_222, %dma_start3A_223] : memref<126x80xi32, #tpu.memory_space<vmem>> -> memref<1x80xi32, #tpu.memory_space<vmem>>
        %dma_start3A_225 = tpu.memref_squeeze %dma_start3A_224 : memref<1x80xi32, #tpu.memory_space<vmem>> -> memref<80xi32, #tpu.memory_space<vmem>>
        %dma_start3A_226 = arith.constant 0 : i32
        %dma_start3A_227 = arith.constant 0 : i32
        %dma_start3A_228 = tpu.memref_slice %arg15[%dma_start3A_226, %dma_start3A_227] : memref<10240x64xf32, #tpu.memory_space<vmem_shared>> -> memref<10240x64xf32, #tpu.memory_space<vmem_shared>>
        tpu.enqueue_indirect_dma source(%arg13 : memref<80x64xf32, #tpu.memory_space<vmem>>) target(%dma_start3A_228 : memref<10240x64xf32, #tpu.memory_space<vmem_shared>>) offsets(%dma_start3A_225 : memref<80xi32, #tpu.memory_space<vmem>>) semaphore(%run_scoped3A : memref<!tpu.dma_semaphore, #tpu.memory_space<semaphore_mem>>) {add = true}
        %dma_wait3A_229 = arith.constant 0 : i32
        %dma_wait3A_230 = tpu.memref_slice %arg10[%add3A_222, %dma_wait3A_229] : memref<126x80xi32, #tpu.memory_space<vmem>> -> memref<1x80xi32, #tpu.memory_space<vmem>>
        %dma_wait3A_231 = tpu.memref_squeeze %dma_wait3A_230 : memref<1x80xi32, #tpu.memory_space<vmem>> -> memref<80xi32, #tpu.memory_space<vmem>>
        %dma_wait3A_232 = arith.constant 0 : i32
        %dma_wait3A_233 = arith.constant 0 : i32
        %dma_wait3A_234 = tpu.memref_slice %arg15[%dma_wait3A_232, %dma_wait3A_233] : memref<10240x64xf32, #tpu.memory_space<vmem_shared>> -> memref<10240x64xf32, #tpu.memory_space<vmem_shared>>
        tpu.wait_indirect_dma semaphore(%run_scoped3A : memref<!tpu.dma_semaphore, #tpu.memory_space<semaphore_mem>>) src(%arg13 : memref<80x64xf32, #tpu.memory_space<vmem>>) dst(%dma_wait3A_234 : memref<10240x64xf32, #tpu.memory_space<vmem_shared>>)
        tpu.yield
      }) : () -> ()
    }
    %while3A_72 = arith.constant 1 : i32
    scf.for %while3A_193 = %while3A_70 to %while3A_66 step %while3A_72  : i32 {
      %mul3A_194 = arith.constant 2 : i32
      %mul3A_195 = arith.muli %mul3A_194, %while3A_193 : i32
      %dma_wait3A = arith.constant 0 : i32
      %dma_wait3A_196 = arith.constant 0 : i32
      %dma_wait3A_197 = tpu.memref_slice %arg9[%dma_wait3A, %dma_wait3A_196] : memref<126x80xi32, #tpu.memory_space<vmem>> -> memref<1x80xi32, #tpu.memory_space<vmem>>
      %dma_wait3A_198 = tpu.memref_squeeze %dma_wait3A_197 : memref<1x80xi32, #tpu.memory_space<vmem>> -> memref<80xi32, #tpu.memory_space<vmem>>
      %dma_wait3A_199 = arith.constant 0 : i32
      %dma_wait3A_200 = arith.constant 0 : i32
      %dma_wait3A_201 = tpu.memref_slice %arg2[%dma_wait3A_199, %dma_wait3A_200] : memref<10240x64xf32, #tpu.memory_space<hbm>> -> memref<10240x64xf32, #tpu.memory_space<hbm>>
      tpu.wait_indirect_dma semaphore(%arg16 : memref<!tpu.dma_semaphore, #tpu.memory_space<semaphore_mem>>) src(%dma_wait3A_201 : memref<10240x64xf32, #tpu.memory_space<hbm>>) dst(%arg12 : memref<80x64xf32, #tpu.memory_space<vmem>>)
      %add3A_202 = arith.constant 1 : i32
      %add3A_203 = arith.addi %mul3A_195, %add3A_202 : i32
      %dma_start3A = arith.constant 0 : i32
      %dma_start3A_204 = tpu.memref_slice %arg9[%add3A_203, %dma_start3A] : memref<126x80xi32, #tpu.memory_space<vmem>> -> memref<1x80xi32, #tpu.memory_space<vmem>>
      %dma_start3A_205 = tpu.memref_squeeze %dma_start3A_204 : memref<1x80xi32, #tpu.memory_space<vmem>> -> memref<80xi32, #tpu.memory_space<vmem>>
      %dma_start3A_206 = arith.constant 0 : i32
      %dma_start3A_207 = arith.constant 0 : i32
      %dma_start3A_208 = tpu.memref_slice %arg2[%dma_start3A_206, %dma_start3A_207] : memref<10240x64xf32, #tpu.memory_space<hbm>> -> memref<10240x64xf32, #tpu.memory_space<hbm>>
      tpu.enqueue_indirect_dma source(%dma_start3A_208 : memref<10240x64xf32, #tpu.memory_space<hbm>>) target(%arg13 : memref<80x64xf32, #tpu.memory_space<vmem>>) offsets(%dma_start3A_205 : memref<80xi32, #tpu.memory_space<vmem>>) semaphore(%arg17 : memref<!tpu.dma_semaphore, #tpu.memory_space<semaphore_mem>>)
      "tpu.region"() ({
        %run_scoped3A = tpu.sem_alloc : memref<!tpu.dma_semaphore, #tpu.memory_space<semaphore_mem>>
        %dma_start3A_223 = arith.constant 0 : i32
        %dma_start3A_224 = tpu.memref_slice %arg10[%mul3A_195, %dma_start3A_223] : memref<126x80xi32, #tpu.memory_space<vmem>> -> memref<1x80xi32, #tpu.memory_space<vmem>>
        %dma_start3A_225 = tpu.memref_squeeze %dma_start3A_224 : memref<1x80xi32, #tpu.memory_space<vmem>> -> memref<80xi32, #tpu.memory_space<vmem>>
        %dma_start3A_226 = arith.constant 0 : i32
        %dma_start3A_227 = arith.constant 0 : i32
        %dma_start3A_228 = tpu.memref_slice %arg15[%dma_start3A_226, %dma_start3A_227] : memref<10240x64xf32, #tpu.memory_space<vmem_shared>> -> memref<10240x64xf32, #tpu.memory_space<vmem_shared>>
        tpu.enqueue_indirect_dma source(%arg12 : memref<80x64xf32, #tpu.memory_space<vmem>>) target(%dma_start3A_228 : memref<10240x64xf32, #tpu.memory_space<vmem_shared>>) offsets(%dma_start3A_225 : memref<80xi32, #tpu.memory_space<vmem>>) semaphore(%run_scoped3A : memref<!tpu.dma_semaphore, #tpu.memory_space<semaphore_mem>>) {add = true}
        %dma_wait3A_229 = arith.constant 0 : i32
        %dma_wait3A_230 = tpu.memref_slice %arg10[%mul3A_195, %dma_wait3A_229] : memref<126x80xi32, #tpu.memory_space<vmem>> -> memref<1x80xi32, #tpu.memory_space<vmem>>
        %dma_wait3A_231 = tpu.memref_squeeze %dma_wait3A_230 : memref<1x80xi32, #tpu.memory_space<vmem>> -> memref<80xi32, #tpu.memory_space<vmem>>
        %dma_wait3A_232 = arith.constant 0 : i32
        %dma_wait3A_233 = arith.constant 0 : i32
        %dma_wait3A_234 = tpu.memref_slice %arg15[%dma_wait3A_232, %dma_wait3A_233] : memref<10240x64xf32, #tpu.memory_space<vmem_shared>> -> memref<10240x64xf32, #tpu.memory_space<vmem_shared>>
        tpu.wait_indirect_dma semaphore(%run_scoped3A : memref<!tpu.dma_semaphore, #tpu.memory_space<semaphore_mem>>) src(%arg12 : memref<80x64xf32, #tpu.memory_space<vmem>>) dst(%dma_wait3A_234 : memref<10240x64xf32, #tpu.memory_space<vmem_shared>>)
        tpu.yield
      }) : () -> ()
      %dma_wait3A_209 = arith.constant 0 : i32
      %dma_wait3A_210 = arith.constant 0 : i32
      %dma_wait3A_211 = tpu.memref_slice %arg9[%dma_wait3A_209, %dma_wait3A_210] : memref<126x80xi32, #tpu.memory_space<vmem>> -> memref<1x80xi32, #tpu.memory_space<vmem>>
      %dma_wait3A_212 = tpu.memref_squeeze %dma_wait3A_211 : memref<1x80xi32, #tpu.memory_space<vmem>> -> memref<80xi32, #tpu.memory_space<vmem>>
      %dma_wait3A_213 = arith.constant 0 : i32
      %dma_wait3A_214 = arith.constant 0 : i32
      %dma_wait3A_215 = tpu.memref_slice %arg2[%dma_wait3A_213, %dma_wait3A_214] : memref<10240x64xf32, #tpu.memory_space<hbm>> -> memref<10240x64xf32, #tpu.memory_space<hbm>>
      tpu.wait_indirect_dma semaphore(%arg17 : memref<!tpu.dma_semaphore, #tpu.memory_space<semaphore_mem>>) src(%dma_wait3A_215 : memref<10240x64xf32, #tpu.memory_space<hbm>>) dst(%arg13 : memref<80x64xf32, #tpu.memory_space<vmem>>)
      %add3A_216 = arith.constant 2 : i32
      %add3A_217 = arith.addi %mul3A_195, %add3A_216 : i32
      %lt3A = arith.cmpi slt, %add3A_217, %min3A_12 : i32
      %convert_element_type3A_218 = arith.extui %lt3A : i1 to i32
      %cond3A_219 = arith.constant 0 : i32
      %cond3A_220 = arith.cmpi ne, %convert_element_type3A_218, %cond3A_219 : i32
      scf.if %cond3A_220 {
        %add3A_223 = arith.constant 2 : i32
        %add3A_224 = arith.addi %mul3A_195, %add3A_223 : i32
        %dma_start3A_225 = arith.constant 0 : i32
        %dma_start3A_226 = tpu.memref_slice %arg9[%add3A_224, %dma_start3A_225] : memref<126x80xi32, #tpu.memory_space<vmem>> -> memref<1x80xi32, #tpu.memory_space<vmem>>
        %dma_start3A_227 = tpu.memref_squeeze %dma_start3A_226 : memref<1x80xi32, #tpu.memory_space<vmem>> -> memref<80xi32, #tpu.memory_space<vmem>>
        %dma_start3A_228 = arith.constant 0 : i32
        %dma_start3A_229 = arith.constant 0 : i32
        %dma_start3A_230 = tpu.memref_slice %arg2[%dma_start3A_228, %dma_start3A_229] : memref<10240x64xf32, #tpu.memory_space<hbm>> -> memref<10240x64xf32, #tpu.memory_space<hbm>>
        tpu.enqueue_indirect_dma source(%dma_start3A_230 : memref<10240x64xf32, #tpu.memory_space<hbm>>) target(%arg12 : memref<80x64xf32, #tpu.memory_space<vmem>>) offsets(%dma_start3A_227 : memref<80xi32, #tpu.memory_space<vmem>>) semaphore(%arg16 : memref<!tpu.dma_semaphore, #tpu.memory_space<semaphore_mem>>)
      } else {
      }
      %add3A_221 = arith.constant 1 : i32
      %add3A_222 = arith.addi %mul3A_195, %add3A_221 : i32
      "tpu.region"() ({
        %run_scoped3A = tpu.sem_alloc : memref<!tpu.dma_semaphore, #tpu.memory_space<semaphore_mem>>
        %dma_start3A_223 = arith.constant 0 : i32
        %dma_start3A_224 = tpu.memref_slice %arg10[%add3A_222, %dma_start3A_223] : memref<126x80xi32, #tpu.memory_space<vmem>> -> memref<1x80xi32, #tpu.memory_space<vmem>>
        %dma_start3A_225 = tpu.memref_squeeze %dma_start3A_224 : memref<1x80xi32, #tpu.memory_space<vmem>> -> memref<80xi32, #tpu.memory_space<vmem>>
        %dma_start3A_226 = arith.constant 0 : i32
        %dma_start3A_227 = arith.constant 0 : i32
        %dma_start3A_228 = tpu.memref_slice %arg15[%dma_start3A_226, %dma_start3A_227] : memref<10240x64xf32, #tpu.memory_space<vmem_shared>> -> memref<10240x64xf32, #tpu.memory_space<vmem_shared>>
        tpu.enqueue_indirect_dma source(%arg13 : memref<80x64xf32, #tpu.memory_space<vmem>>) target(%dma_start3A_228 : memref<10240x64xf32, #tpu.memory_space<vmem_shared>>) offsets(%dma_start3A_225 : memref<80xi32, #tpu.memory_space<vmem>>) semaphore(%run_scoped3A : memref<!tpu.dma_semaphore, #tpu.memory_space<semaphore_mem>>) {add = true}
        %dma_wait3A_229 = arith.constant 0 : i32
        %dma_wait3A_230 = tpu.memref_slice %arg10[%add3A_222, %dma_wait3A_229] : memref<126x80xi32, #tpu.memory_space<vmem>> -> memref<1x80xi32, #tpu.memory_space<vmem>>
        %dma_wait3A_231 = tpu.memref_squeeze %dma_wait3A_230 : memref<1x80xi32, #tpu.memory_space<vmem>> -> memref<80xi32, #tpu.memory_space<vmem>>
        %dma_wait3A_232 = arith.constant 0 : i32
        %dma_wait3A_233 = arith.constant 0 : i32
        %dma_wait3A_234 = tpu.memref_slice %arg15[%dma_wait3A_232, %dma_wait3A_233] : memref<10240x64xf32, #tpu.memory_space<vmem_shared>> -> memref<10240x64xf32, #tpu.memory_space<vmem_shared>>
        tpu.wait_indirect_dma semaphore(%run_scoped3A : memref<!tpu.dma_semaphore, #tpu.memory_space<semaphore_mem>>) src(%arg13 : memref<80x64xf32, #tpu.memory_space<vmem>>) dst(%dma_wait3A_234 : memref<10240x64xf32, #tpu.memory_space<vmem_shared>>)
        tpu.yield
      }) : () -> ()
    }
    %barrier3A_73 = arith.constant 0 : index
    tpu.barrier barrier_id(%barrier3A_73)
    %mul3A_74 = arith.constant 640 : i32
    %mul3A_75 = arith.muli %arg1, %mul3A_74 : i32
    %add3A_76 = arith.constant 0 : i32
    %add3A_77 = arith.addi %mul3A_75, %add3A_76 : i32
    "tpu.region"() ({
      %run_scoped3A = tpu.sem_alloc : memref<!tpu.dma_semaphore, #tpu.memory_space<semaphore_mem>>
      %dma_start3A = arith.constant 0 : i32
      %dma_start3A_193 = tpu.memref_slice %arg15[%add3A_77, %dma_start3A] : memref<10240x64xf32, #tpu.memory_space<vmem_shared>> -> memref<128x64xf32, #tpu.memory_space<vmem_shared>>
      %dma_start3A_194 = arith.constant 0 : i32
      %dma_start3A_195 = tpu.memref_slice %arg15[%add3A_77, %dma_start3A_194] : memref<10240x64xf32, #tpu.memory_space<vmem_shared>> -> memref<128x64xf32, #tpu.memory_space<vmem_shared>>
      tpu.enqueue_dma source(%dma_start3A_195 : memref<128x64xf32, #tpu.memory_space<vmem_shared>>) target(%arg14 : memref<128x64xf32, #tpu.memory_space<vmem>>) target_semaphore(%run_scoped3A : memref<!tpu.dma_semaphore, #tpu.memory_space<semaphore_mem>>)
      %dma_wait3A = arith.constant 0 : i32
      %dma_wait3A_196 = tpu.memref_slice %arg15[%add3A_77, %dma_wait3A] : memref<10240x64xf32, #tpu.memory_space<vmem_shared>> -> memref<128x64xf32, #tpu.memory_space<vmem_shared>>
      %dma_wait3A_197 = arith.constant 0 : i32
      %dma_wait3A_198 = tpu.memref_slice %arg15[%add3A_77, %dma_wait3A_197] : memref<10240x64xf32, #tpu.memory_space<vmem_shared>> -> memref<128x64xf32, #tpu.memory_space<vmem_shared>>
      tpu.wait_dma2 semaphore(%run_scoped3A : memref<!tpu.dma_semaphore, #tpu.memory_space<semaphore_mem>>) src(%dma_wait3A_198 : memref<128x64xf32, #tpu.memory_space<vmem_shared>>) dst(%arg14 : memref<128x64xf32, #tpu.memory_space<vmem>>)
      tpu.yield
    }) : () -> ()
    "tpu.region"() ({
      %run_scoped3A = tpu.sem_alloc : memref<!tpu.dma_semaphore, #tpu.memory_space<semaphore_mem>>
      %dma_start3A = arith.constant 0 : i32
      %dma_start3A_193 = tpu.memref_slice %arg7[%arg0, %add3A_77, %dma_start3A] : memref<2x10240x64xf32, #tpu.memory_space<hbm>> -> memref<1x128x64xf32, #tpu.memory_space<hbm>>
      %dma_start3A_194 = tpu.memref_squeeze %dma_start3A_193 : memref<1x128x64xf32, #tpu.memory_space<hbm>> -> memref<128x64xf32, #tpu.memory_space<hbm>>
      %dma_start3A_195 = arith.constant 0 : i32
      %dma_start3A_196 = tpu.memref_slice %arg7[%arg0, %add3A_77, %dma_start3A_195] : memref<2x10240x64xf32, #tpu.memory_space<hbm>> -> memref<1x128x64xf32, #tpu.memory_space<hbm>>
      %dma_start3A_197 = tpu.memref_squeeze %dma_start3A_196 : memref<1x128x64xf32, #tpu.memory_space<hbm>> -> memref<128x64xf32, #tpu.memory_space<hbm>>
      tpu.enqueue_dma source(%arg14 : memref<128x64xf32, #tpu.memory_space<vmem>>) target(%dma_start3A_197 : memref<128x64xf32, #tpu.memory_space<hbm>>) target_semaphore(%run_scoped3A : memref<!tpu.dma_semaphore, #tpu.memory_space<semaphore_mem>>)
      %dma_wait3A = arith.constant 0 : i32
      %dma_wait3A_198 = tpu.memref_slice %arg7[%arg0, %add3A_77, %dma_wait3A] : memref<2x10240x64xf32, #tpu.memory_space<hbm>> -> memref<1x128x64xf32, #tpu.memory_space<hbm>>
      %dma_wait3A_199 = tpu.memref_squeeze %dma_wait3A_198 : memref<1x128x64xf32, #tpu.memory_space<hbm>> -> memref<128x64xf32, #tpu.memory_space<hbm>>
      %dma_wait3A_200 = arith.constant 0 : i32
      %dma_wait3A_201 = tpu.memref_slice %arg7[%arg0, %add3A_77, %dma_wait3A_200] : memref<2x10240x64xf32, #tpu.memory_space<hbm>> -> memref<1x128x64xf32, #tpu.memory_space<hbm>>
      %dma_wait3A_202 = tpu.memref_squeeze %dma_wait3A_201 : memref<1x128x64xf32, #tpu.memory_space<hbm>> -> memref<128x64xf32, #tpu.memory_space<hbm>>
      tpu.wait_dma2 semaphore(%run_scoped3A : memref<!tpu.dma_semaphore, #tpu.memory_space<semaphore_mem>>) src(%arg14 : memref<128x64xf32, #tpu.memory_space<vmem>>) dst(%dma_wait3A_202 : memref<128x64xf32, #tpu.memory_space<hbm>>)
      tpu.yield
    }) : () -> ()
    %mul3A_78 = arith.constant 640 : i32
    %mul3A_79 = arith.muli %arg1, %mul3A_78 : i32
    %add3A_80 = arith.constant 128 : i32
    %add3A_81 = arith.addi %mul3A_79, %add3A_80 : i32
    "tpu.region"() ({
      %run_scoped3A = tpu.sem_alloc : memref<!tpu.dma_semaphore, #tpu.memory_space<semaphore_mem>>
      %dma_start3A = arith.constant 0 : i32
      %dma_start3A_193 = tpu.memref_slice %arg15[%add3A_81, %dma_start3A] : memref<10240x64xf32, #tpu.memory_space<vmem_shared>> -> memref<128x64xf32, #tpu.memory_space<vmem_shared>>
      %dma_start3A_194 = arith.constant 0 : i32
      %dma_start3A_195 = tpu.memref_slice %arg15[%add3A_81, %dma_start3A_194] : memref<10240x64xf32, #tpu.memory_space<vmem_shared>> -> memref<128x64xf32, #tpu.memory_space<vmem_shared>>
      tpu.enqueue_dma source(%dma_start3A_195 : memref<128x64xf32, #tpu.memory_space<vmem_shared>>) target(%arg14 : memref<128x64xf32, #tpu.memory_space<vmem>>) target_semaphore(%run_scoped3A : memref<!tpu.dma_semaphore, #tpu.memory_space<semaphore_mem>>)
      %dma_wait3A = arith.constant 0 : i32
      %dma_wait3A_196 = tpu.memref_slice %arg15[%add3A_81, %dma_wait3A] : memref<10240x64xf32, #tpu.memory_space<vmem_shared>> -> memref<128x64xf32, #tpu.memory_space<vmem_shared>>
      %dma_wait3A_197 = arith.constant 0 : i32
      %dma_wait3A_198 = tpu.memref_slice %arg15[%add3A_81, %dma_wait3A_197] : memref<10240x64xf32, #tpu.memory_space<vmem_shared>> -> memref<128x64xf32, #tpu.memory_space<vmem_shared>>
      tpu.wait_dma2 semaphore(%run_scoped3A : memref<!tpu.dma_semaphore, #tpu.memory_space<semaphore_mem>>) src(%dma_wait3A_198 : memref<128x64xf32, #tpu.memory_space<vmem_shared>>) dst(%arg14 : memref<128x64xf32, #tpu.memory_space<vmem>>)
      tpu.yield
    }) : () -> ()
    "tpu.region"() ({
      %run_scoped3A = tpu.sem_alloc : memref<!tpu.dma_semaphore, #tpu.memory_space<semaphore_mem>>
      %dma_start3A = arith.constant 0 : i32
      %dma_start3A_193 = tpu.memref_slice %arg7[%arg0, %add3A_81, %dma_start3A] : memref<2x10240x64xf32, #tpu.memory_space<hbm>> -> memref<1x128x64xf32, #tpu.memory_space<hbm>>
      %dma_start3A_194 = tpu.memref_squeeze %dma_start3A_193 : memref<1x128x64xf32, #tpu.memory_space<hbm>> -> memref<128x64xf32, #tpu.memory_space<hbm>>
      %dma_start3A_195 = arith.constant 0 : i32
      %dma_start3A_196 = tpu.memref_slice %arg7[%arg0, %add3A_81, %dma_start3A_195] : memref<2x10240x64xf32, #tpu.memory_space<hbm>> -> memref<1x128x64xf32, #tpu.memory_space<hbm>>
      %dma_start3A_197 = tpu.memref_squeeze %dma_start3A_196 : memref<1x128x64xf32, #tpu.memory_space<hbm>> -> memref<128x64xf32, #tpu.memory_space<hbm>>
      tpu.enqueue_dma source(%arg14 : memref<128x64xf32, #tpu.memory_space<vmem>>) target(%dma_start3A_197 : memref<128x64xf32, #tpu.memory_space<hbm>>) target_semaphore(%run_scoped3A : memref<!tpu.dma_semaphore, #tpu.memory_space<semaphore_mem>>)
      %dma_wait3A = arith.constant 0 : i32
      %dma_wait3A_198 = tpu.memref_slice %arg7[%arg0, %add3A_81, %dma_wait3A] : memref<2x10240x64xf32, #tpu.memory_space<hbm>> -> memref<1x128x64xf32, #tpu.memory_space<hbm>>
      %dma_wait3A_199 = tpu.memref_squeeze %dma_wait3A_198 : memref<1x128x64xf32, #tpu.memory_space<hbm>> -> memref<128x64xf32, #tpu.memory_space<hbm>>
      %dma_wait3A_200 = arith.constant 0 : i32
      %dma_wait3A_201 = tpu.memref_slice %arg7[%arg0, %add3A_81, %dma_wait3A_200] : memref<2x10240x64xf32, #tpu.memory_space<hbm>> -> memref<1x128x64xf32, #tpu.memory_space<hbm>>
      %dma_wait3A_202 = tpu.memref_squeeze %dma_wait3A_201 : memref<1x128x64xf32, #tpu.memory_space<hbm>> -> memref<128x64xf32, #tpu.memory_space<hbm>>
      tpu.wait_dma2 semaphore(%run_scoped3A : memref<!tpu.dma_semaphore, #tpu.memory_space<semaphore_mem>>) src(%arg14 : memref<128x64xf32, #tpu.memory_space<vmem>>) dst(%dma_wait3A_202 : memref<128x64xf32, #tpu.memory_space<hbm>>)
      tpu.yield
    }) : () -> ()
    %mul3A_82 = arith.constant 640 : i32
    %mul3A_83 = arith.muli %arg1, %mul3A_82 : i32
    %add3A_84 = arith.constant 256 : i32
    %add3A_85 = arith.addi %mul3A_83, %add3A_84 : i32
    "tpu.region"() ({
      %run_scoped3A = tpu.sem_alloc : memref<!tpu.dma_semaphore, #tpu.memory_space<semaphore_mem>>
      %dma_start3A = arith.constant 0 : i32
      %dma_start3A_193 = tpu.memref_slice %arg15[%add3A_85, %dma_start3A] : memref<10240x64xf32, #tpu.memory_space<vmem_shared>> -> memref<128x64xf32, #tpu.memory_space<vmem_shared>>
      %dma_start3A_194 = arith.constant 0 : i32
      %dma_start3A_195 = tpu.memref_slice %arg15[%add3A_85, %dma_start3A_194] : memref<10240x64xf32, #tpu.memory_space<vmem_shared>> -> memref<128x64xf32, #tpu.memory_space<vmem_shared>>
      tpu.enqueue_dma source(%dma_start3A_195 : memref<128x64xf32, #tpu.memory_space<vmem_shared>>) target(%arg14 : memref<128x64xf32, #tpu.memory_space<vmem>>) target_semaphore(%run_scoped3A : memref<!tpu.dma_semaphore, #tpu.memory_space<semaphore_mem>>)
      %dma_wait3A = arith.constant 0 : i32
      %dma_wait3A_196 = tpu.memref_slice %arg15[%add3A_85, %dma_wait3A] : memref<10240x64xf32, #tpu.memory_space<vmem_shared>> -> memref<128x64xf32, #tpu.memory_space<vmem_shared>>
      %dma_wait3A_197 = arith.constant 0 : i32
      %dma_wait3A_198 = tpu.memref_slice %arg15[%add3A_85, %dma_wait3A_197] : memref<10240x64xf32, #tpu.memory_space<vmem_shared>> -> memref<128x64xf32, #tpu.memory_space<vmem_shared>>
      tpu.wait_dma2 semaphore(%run_scoped3A : memref<!tpu.dma_semaphore, #tpu.memory_space<semaphore_mem>>) src(%dma_wait3A_198 : memref<128x64xf32, #tpu.memory_space<vmem_shared>>) dst(%arg14 : memref<128x64xf32, #tpu.memory_space<vmem>>)
      tpu.yield
    }) : () -> ()
    "tpu.region"() ({
      %run_scoped3A = tpu.sem_alloc : memref<!tpu.dma_semaphore, #tpu.memory_space<semaphore_mem>>
      %dma_start3A = arith.constant 0 : i32
      %dma_start3A_193 = tpu.memref_slice %arg7[%arg0, %add3A_85, %dma_start3A] : memref<2x10240x64xf32, #tpu.memory_space<hbm>> -> memref<1x128x64xf32, #tpu.memory_space<hbm>>
      %dma_start3A_194 = tpu.memref_squeeze %dma_start3A_193 : memref<1x128x64xf32, #tpu.memory_space<hbm>> -> memref<128x64xf32, #tpu.memory_space<hbm>>
      %dma_start3A_195 = arith.constant 0 : i32
      %dma_start3A_196 = tpu.memref_slice %arg7[%arg0, %add3A_85, %dma_start3A_195] : memref<2x10240x64xf32, #tpu.memory_space<hbm>> -> memref<1x128x64xf32, #tpu.memory_space<hbm>>
      %dma_start3A_197 = tpu.memref_squeeze %dma_start3A_196 : memref<1x128x64xf32, #tpu.memory_space<hbm>> -> memref<128x64xf32, #tpu.memory_space<hbm>>
      tpu.enqueue_dma source(%arg14 : memref<128x64xf32, #tpu.memory_space<vmem>>) target(%dma_start3A_197 : memref<128x64xf32, #tpu.memory_space<hbm>>) target_semaphore(%run_scoped3A : memref<!tpu.dma_semaphore, #tpu.memory_space<semaphore_mem>>)
      %dma_wait3A = arith.constant 0 : i32
      %dma_wait3A_198 = tpu.memref_slice %arg7[%arg0, %add3A_85, %dma_wait3A] : memref<2x10240x64xf32, #tpu.memory_space<hbm>> -> memref<1x128x64xf32, #tpu.memory_space<hbm>>
      %dma_wait3A_199 = tpu.memref_squeeze %dma_wait3A_198 : memref<1x128x64xf32, #tpu.memory_space<hbm>> -> memref<128x64xf32, #tpu.memory_space<hbm>>
      %dma_wait3A_200 = arith.constant 0 : i32
      %dma_wait3A_201 = tpu.memref_slice %arg7[%arg0, %add3A_85, %dma_wait3A_200] : memref<2x10240x64xf32, #tpu.memory_space<hbm>> -> memref<1x128x64xf32, #tpu.memory_space<hbm>>
      %dma_wait3A_202 = tpu.memref_squeeze %dma_wait3A_201 : memref<1x128x64xf32, #tpu.memory_space<hbm>> -> memref<128x64xf32, #tpu.memory_space<hbm>>
      tpu.wait_dma2 semaphore(%run_scoped3A : memref<!tpu.dma_semaphore, #tpu.memory_space<semaphore_mem>>) src(%arg14 : memref<128x64xf32, #tpu.memory_space<vmem>>) dst(%dma_wait3A_202 : memref<128x64xf32, #tpu.memory_space<hbm>>)
      tpu.yield
    }) : () -> ()
    %mul3A_86 = arith.constant 640 : i32
    %mul3A_87 = arith.muli %arg1, %mul3A_86 : i32
    %add3A_88 = arith.constant 384 : i32
    %add3A_89 = arith.addi %mul3A_87, %add3A_88 : i32
    "tpu.region"() ({
      %run_scoped3A = tpu.sem_alloc : memref<!tpu.dma_semaphore, #tpu.memory_space<semaphore_mem>>
      %dma_start3A = arith.constant 0 : i32
      %dma_start3A_193 = tpu.memref_slice %arg15[%add3A_89, %dma_start3A] : memref<10240x64xf32, #tpu.memory_space<vmem_shared>> -> memref<128x64xf32, #tpu.memory_space<vmem_shared>>
      %dma_start3A_194 = arith.constant 0 : i32
      %dma_start3A_195 = tpu.memref_slice %arg15[%add3A_89, %dma_start3A_194] : memref<10240x64xf32, #tpu.memory_space<vmem_shared>> -> memref<128x64xf32, #tpu.memory_space<vmem_shared>>
      tpu.enqueue_dma source(%dma_start3A_195 : memref<128x64xf32, #tpu.memory_space<vmem_shared>>) target(%arg14 : memref<128x64xf32, #tpu.memory_space<vmem>>) target_semaphore(%run_scoped3A : memref<!tpu.dma_semaphore, #tpu.memory_space<semaphore_mem>>)
      %dma_wait3A = arith.constant 0 : i32
      %dma_wait3A_196 = tpu.memref_slice %arg15[%add3A_89, %dma_wait3A] : memref<10240x64xf32, #tpu.memory_space<vmem_shared>> -> memref<128x64xf32, #tpu.memory_space<vmem_shared>>
      %dma_wait3A_197 = arith.constant 0 : i32
      %dma_wait3A_198 = tpu.memref_slice %arg15[%add3A_89, %dma_wait3A_197] : memref<10240x64xf32, #tpu.memory_space<vmem_shared>> -> memref<128x64xf32, #tpu.memory_space<vmem_shared>>
      tpu.wait_dma2 semaphore(%run_scoped3A : memref<!tpu.dma_semaphore, #tpu.memory_space<semaphore_mem>>) src(%dma_wait3A_198 : memref<128x64xf32, #tpu.memory_space<vmem_shared>>) dst(%arg14 : memref<128x64xf32, #tpu.memory_space<vmem>>)
      tpu.yield
    }) : () -> ()
    "tpu.region"() ({
      %run_scoped3A = tpu.sem_alloc : memref<!tpu.dma_semaphore, #tpu.memory_space<semaphore_mem>>
      %dma_start3A = arith.constant 0 : i32
      %dma_start3A_193 = tpu.memref_slice %arg7[%arg0, %add3A_89, %dma_start3A] : memref<2x10240x64xf32, #tpu.memory_space<hbm>> -> memref<1x128x64xf32, #tpu.memory_space<hbm>>
      %dma_start3A_194 = tpu.memref_squeeze %dma_start3A_193 : memref<1x128x64xf32, #tpu.memory_space<hbm>> -> memref<128x64xf32, #tpu.memory_space<hbm>>
      %dma_start3A_195 = arith.constant 0 : i32
      %dma_start3A_196 = tpu.memref_slice %arg7[%arg0, %add3A_89, %dma_start3A_195] : memref<2x10240x64xf32, #tpu.memory_space<hbm>> -> memref<1x128x64xf32, #tpu.memory_space<hbm>>
      %dma_start3A_197 = tpu.memref_squeeze %dma_start3A_196 : memref<1x128x64xf32, #tpu.memory_space<hbm>> -> memref<128x64xf32, #tpu.memory_space<hbm>>
      tpu.enqueue_dma source(%arg14 : memref<128x64xf32, #tpu.memory_space<vmem>>) target(%dma_start3A_197 : memref<128x64xf32, #tpu.memory_space<hbm>>) target_semaphore(%run_scoped3A : memref<!tpu.dma_semaphore, #tpu.memory_space<semaphore_mem>>)
      %dma_wait3A = arith.constant 0 : i32
      %dma_wait3A_198 = tpu.memref_slice %arg7[%arg0, %add3A_89, %dma_wait3A] : memref<2x10240x64xf32, #tpu.memory_space<hbm>> -> memref<1x128x64xf32, #tpu.memory_space<hbm>>
      %dma_wait3A_199 = tpu.memref_squeeze %dma_wait3A_198 : memref<1x128x64xf32, #tpu.memory_space<hbm>> -> memref<128x64xf32, #tpu.memory_space<hbm>>
      %dma_wait3A_200 = arith.constant 0 : i32
      %dma_wait3A_201 = tpu.memref_slice %arg7[%arg0, %add3A_89, %dma_wait3A_200] : memref<2x10240x64xf32, #tpu.memory_space<hbm>> -> memref<1x128x64xf32, #tpu.memory_space<hbm>>
      %dma_wait3A_202 = tpu.memref_squeeze %dma_wait3A_201 : memref<1x128x64xf32, #tpu.memory_space<hbm>> -> memref<128x64xf32, #tpu.memory_space<hbm>>
      tpu.wait_dma2 semaphore(%run_scoped3A : memref<!tpu.dma_semaphore, #tpu.memory_space<semaphore_mem>>) src(%arg14 : memref<128x64xf32, #tpu.memory_space<vmem>>) dst(%dma_wait3A_202 : memref<128x64xf32, #tpu.memory_space<hbm>>)
      tpu.yield
    }) : () -> ()
    %mul3A_90 = arith.constant 640 : i32
    %mul3A_91 = arith.muli %arg1, %mul3A_90 : i32
    %add3A_92 = arith.constant 512 : i32
    %add3A_93 = arith.addi %mul3A_91, %add3A_92 : i32
    "tpu.region"() ({
      %run_scoped3A = tpu.sem_alloc : memref<!tpu.dma_semaphore, #tpu.memory_space<semaphore_mem>>
      %dma_start3A = arith.constant 0 : i32
      %dma_start3A_193 = tpu.memref_slice %arg15[%add3A_93, %dma_start3A] : memref<10240x64xf32, #tpu.memory_space<vmem_shared>> -> memref<128x64xf32, #tpu.memory_space<vmem_shared>>
      %dma_start3A_194 = arith.constant 0 : i32
      %dma_start3A_195 = tpu.memref_slice %arg15[%add3A_93, %dma_start3A_194] : memref<10240x64xf32, #tpu.memory_space<vmem_shared>> -> memref<128x64xf32, #tpu.memory_space<vmem_shared>>
      tpu.enqueue_dma source(%dma_start3A_195 : memref<128x64xf32, #tpu.memory_space<vmem_shared>>) target(%arg14 : memref<128x64xf32, #tpu.memory_space<vmem>>) target_semaphore(%run_scoped3A : memref<!tpu.dma_semaphore, #tpu.memory_space<semaphore_mem>>)
      %dma_wait3A = arith.constant 0 : i32
      %dma_wait3A_196 = tpu.memref_slice %arg15[%add3A_93, %dma_wait3A] : memref<10240x64xf32, #tpu.memory_space<vmem_shared>> -> memref<128x64xf32, #tpu.memory_space<vmem_shared>>
      %dma_wait3A_197 = arith.constant 0 : i32
      %dma_wait3A_198 = tpu.memref_slice %arg15[%add3A_93, %dma_wait3A_197] : memref<10240x64xf32, #tpu.memory_space<vmem_shared>> -> memref<128x64xf32, #tpu.memory_space<vmem_shared>>
      tpu.wait_dma2 semaphore(%run_scoped3A : memref<!tpu.dma_semaphore, #tpu.memory_space<semaphore_mem>>) src(%dma_wait3A_198 : memref<128x64xf32, #tpu.memory_space<vmem_shared>>) dst(%arg14 : memref<128x64xf32, #tpu.memory_space<vmem>>)
      tpu.yield
    }) : () -> ()
    "tpu.region"() ({
      %run_scoped3A = tpu.sem_alloc : memref<!tpu.dma_semaphore, #tpu.memory_space<semaphore_mem>>
      %dma_start3A = arith.constant 0 : i32
      %dma_start3A_193 = tpu.memref_slice %arg7[%arg0, %add3A_93, %dma_start3A] : memref<2x10240x64xf32, #tpu.memory_space<hbm>> -> memref<1x128x64xf32, #tpu.memory_space<hbm>>
      %dma_start3A_194 = tpu.memref_squeeze %dma_start3A_193 : memref<1x128x64xf32, #tpu.memory_space<hbm>> -> memref<128x64xf32, #tpu.memory_space<hbm>>
      %dma_start3A_195 = arith.constant 0 : i32
      %dma_start3A_196 = tpu.memref_slice %arg7[%arg0, %add3A_93, %dma_start3A_195] : memref<2x10240x64xf32, #tpu.memory_space<hbm>> -> memref<1x128x64xf32, #tpu.memory_space<hbm>>
      %dma_start3A_197 = tpu.memref_squeeze %dma_start3A_196 : memref<1x128x64xf32, #tpu.memory_space<hbm>> -> memref<128x64xf32, #tpu.memory_space<hbm>>
      tpu.enqueue_dma source(%arg14 : memref<128x64xf32, #tpu.memory_space<vmem>>) target(%dma_start3A_197 : memref<128x64xf32, #tpu.memory_space<hbm>>) target_semaphore(%run_scoped3A : memref<!tpu.dma_semaphore, #tpu.memory_space<semaphore_mem>>)
      %dma_wait3A = arith.constant 0 : i32
      %dma_wait3A_198 = tpu.memref_slice %arg7[%arg0, %add3A_93, %dma_wait3A] : memref<2x10240x64xf32, #tpu.memory_space<hbm>> -> memref<1x128x64xf32, #tpu.memory_space<hbm>>
      %dma_wait3A_199 = tpu.memref_squeeze %dma_wait3A_198 : memref<1x128x64xf32, #tpu.memory_space<hbm>> -> memref<128x64xf32, #tpu.memory_space<hbm>>
      %dma_wait3A_200 = arith.constant 0 : i32
      %dma_wait3A_201 = tpu.memref_slice %arg7[%arg0, %add3A_93, %dma_wait3A_200] : memref<2x10240x64xf32, #tpu.memory_space<hbm>> -> memref<1x128x64xf32, #tpu.memory_space<hbm>>
      %dma_wait3A_202 = tpu.memref_squeeze %dma_wait3A_201 : memref<1x128x64xf32, #tpu.memory_space<hbm>> -> memref<128x64xf32, #tpu.memory_space<hbm>>
      tpu.wait_dma2 semaphore(%run_scoped3A : memref<!tpu.dma_semaphore, #tpu.memory_space<semaphore_mem>>) src(%arg14 : memref<128x64xf32, #tpu.memory_space<vmem>>) dst(%dma_wait3A_202 : memref<128x64xf32, #tpu.memory_space<hbm>>)
      tpu.yield
    }) : () -> ()
    %barrier3A_94 = arith.constant 0 : index
    tpu.barrier barrier_id(%barrier3A_94)
    %scan3A_95 = arith.constant 0 : i32
    %scan3A_96 = arith.constant 128 : i32
    %scan3A_97 = arith.addi %scan3A_95, %scan3A_96 : i32
    %scan3A_98 = arith.constant 1 : i32
    scf.for %scan3A_193 = %scan3A_95 to %scan3A_97 step %scan3A_98  : i32 {
      %swap3A = arith.index_cast %scan3A_193 : i32 to index
      %swap3A_194 = arith.constant 0 : index
      %swap3A_195 = tpu.vector_load %arg14[%swap3A, %swap3A_194] {strides = array<i32>} : memref<128x64xf32, #tpu.memory_space<vmem>>, vector<16xf32>,
      tpu.vector_store %arg14[%swap3A, %swap3A_194], %broadcast_in_dim3A_0 {strides = array<i32>} : memref<128x64xf32, #tpu.memory_space<vmem>>, vector<16xf32>,
      %swap3A_196 = arith.index_cast %scan3A_193 : i32 to index
      %swap3A_197 = arith.constant 16 : index
      %swap3A_198 = tpu.vector_load %arg14[%swap3A_196, %swap3A_197] {strides = array<i32>} : memref<128x64xf32, #tpu.memory_space<vmem>>, vector<16xf32>,
      tpu.vector_store %arg14[%swap3A_196, %swap3A_197], %broadcast_in_dim3A_0 {strides = array<i32>} : memref<128x64xf32, #tpu.memory_space<vmem>>, vector<16xf32>,
      %swap3A_199 = arith.index_cast %scan3A_193 : i32 to index
      %swap3A_200 = arith.constant 32 : index
      %swap3A_201 = tpu.vector_load %arg14[%swap3A_199, %swap3A_200] {strides = array<i32>} : memref<128x64xf32, #tpu.memory_space<vmem>>, vector<16xf32>,
      tpu.vector_store %arg14[%swap3A_199, %swap3A_200], %broadcast_in_dim3A_0 {strides = array<i32>} : memref<128x64xf32, #tpu.memory_space<vmem>>, vector<16xf32>,
      %swap3A_202 = arith.index_cast %scan3A_193 : i32 to index
      %swap3A_203 = arith.constant 48 : index
      %swap3A_204 = tpu.vector_load %arg14[%swap3A_202, %swap3A_203] {strides = array<i32>} : memref<128x64xf32, #tpu.memory_space<vmem>>, vector<16xf32>,
      tpu.vector_store %arg14[%swap3A_202, %swap3A_203], %broadcast_in_dim3A_0 {strides = array<i32>} : memref<128x64xf32, #tpu.memory_space<vmem>>, vector<16xf32>,
    }
    %scan3A_99 = arith.constant 128 : i32
    %mul3A_100 = arith.constant 640 : i32
    %mul3A_101 = arith.muli %arg1, %mul3A_100 : i32
    %add3A_102 = arith.constant 0 : i32
    %add3A_103 = arith.addi %mul3A_101, %add3A_102 : i32
    "tpu.region"() ({
      %run_scoped3A = tpu.sem_alloc : memref<!tpu.dma_semaphore, #tpu.memory_space<semaphore_mem>>
      %dma_start3A = arith.constant 0 : i32
      %dma_start3A_193 = arith.constant 0 : i32
      %dma_start3A_194 = tpu.memref_slice %arg14[%dma_start3A, %dma_start3A_193] : memref<128x64xf32, #tpu.memory_space<vmem>> -> memref<80x64xf32, #tpu.memory_space<vmem>>
      %dma_start3A_195 = arith.constant 0 : i32
      %dma_start3A_196 = tpu.memref_slice %arg15[%add3A_103, %dma_start3A_195] : memref<10240x64xf32, #tpu.memory_space<vmem_shared>> -> memref<80x64xf32, #tpu.memory_space<vmem_shared>>
      %dma_start3A_197 = arith.constant 0 : i32
      %dma_start3A_198 = tpu.memref_slice %arg15[%add3A_103, %dma_start3A_197] : memref<10240x64xf32, #tpu.memory_space<vmem_shared>> -> memref<80x64xf32, #tpu.memory_space<vmem_shared>>
      %dma_start3A_199 = arith.constant 0 : i32
      %dma_start3A_200 = arith.constant 0 : i32
      %dma_start3A_201 = tpu.memref_slice %arg14[%dma_start3A_199, %dma_start3A_200] : memref<128x64xf32, #tpu.memory_space<vmem>> -> memref<80x64xf32, #tpu.memory_space<vmem>>
      tpu.enqueue_dma source(%dma_start3A_201 : memref<80x64xf32, #tpu.memory_space<vmem>>) target(%dma_start3A_198 : memref<80x64xf32, #tpu.memory_space<vmem_shared>>) target_semaphore(%run_scoped3A : memref<!tpu.dma_semaphore, #tpu.memory_space<semaphore_mem>>)
      %dma_wait3A = arith.constant 0 : i32
      %dma_wait3A_202 = arith.constant 0 : i32
      %dma_wait3A_203 = tpu.memref_slice %arg14[%dma_wait3A, %dma_wait3A_202] : memref<128x64xf32, #tpu.memory_space<vmem>> -> memref<80x64xf32, #tpu.memory_space<vmem>>
      %dma_wait3A_204 = arith.constant 0 : i32
      %dma_wait3A_205 = tpu.memref_slice %arg15[%add3A_103, %dma_wait3A_204] : memref<10240x64xf32, #tpu.memory_space<vmem_shared>> -> memref<80x64xf32, #tpu.memory_space<vmem_shared>>
      %dma_wait3A_206 = arith.constant 0 : i32
      %dma_wait3A_207 = tpu.memref_slice %arg15[%add3A_103, %dma_wait3A_206] : memref<10240x64xf32, #tpu.memory_space<vmem_shared>> -> memref<80x64xf32, #tpu.memory_space<vmem_shared>>
      %dma_wait3A_208 = arith.constant 0 : i32
      %dma_wait3A_209 = arith.constant 0 : i32
      %dma_wait3A_210 = tpu.memref_slice %arg14[%dma_wait3A_208, %dma_wait3A_209] : memref<128x64xf32, #tpu.memory_space<vmem>> -> memref<80x64xf32, #tpu.memory_space<vmem>>
      tpu.wait_dma2 semaphore(%run_scoped3A : memref<!tpu.dma_semaphore, #tpu.memory_space<semaphore_mem>>) src(%dma_wait3A_210 : memref<80x64xf32, #tpu.memory_space<vmem>>) dst(%dma_wait3A_207 : memref<80x64xf32, #tpu.memory_space<vmem_shared>>)
      tpu.yield
    }) : () -> ()
    %mul3A_104 = arith.constant 640 : i32
    %mul3A_105 = arith.muli %arg1, %mul3A_104 : i32
    %add3A_106 = arith.constant 80 : i32
    %add3A_107 = arith.addi %mul3A_105, %add3A_106 : i32
    "tpu.region"() ({
      %run_scoped3A = tpu.sem_alloc : memref<!tpu.dma_semaphore, #tpu.memory_space<semaphore_mem>>
      %dma_start3A = arith.constant 0 : i32
      %dma_start3A_193 = arith.constant 0 : i32
      %dma_start3A_194 = tpu.memref_slice %arg14[%dma_start3A, %dma_start3A_193] : memref<128x64xf32, #tpu.memory_space<vmem>> -> memref<80x64xf32, #tpu.memory_space<vmem>>
      %dma_start3A_195 = arith.constant 0 : i32
      %dma_start3A_196 = tpu.memref_slice %arg15[%add3A_107, %dma_start3A_195] : memref<10240x64xf32, #tpu.memory_space<vmem_shared>> -> memref<80x64xf32, #tpu.memory_space<vmem_shared>>
      %dma_start3A_197 = arith.constant 0 : i32
      %dma_start3A_198 = tpu.memref_slice %arg15[%add3A_107, %dma_start3A_197] : memref<10240x64xf32, #tpu.memory_space<vmem_shared>> -> memref<80x64xf32, #tpu.memory_space<vmem_shared>>
      %dma_start3A_199 = arith.constant 0 : i32
      %dma_start3A_200 = arith.constant 0 : i32
      %dma_start3A_201 = tpu.memref_slice %arg14[%dma_start3A_199, %dma_start3A_200] : memref<128x64xf32, #tpu.memory_space<vmem>> -> memref<80x64xf32, #tpu.memory_space<vmem>>
      tpu.enqueue_dma source(%dma_start3A_201 : memref<80x64xf32, #tpu.memory_space<vmem>>) target(%dma_start3A_198 : memref<80x64xf32, #tpu.memory_space<vmem_shared>>) target_semaphore(%run_scoped3A : memref<!tpu.dma_semaphore, #tpu.memory_space<semaphore_mem>>)
      %dma_wait3A = arith.constant 0 : i32
      %dma_wait3A_202 = arith.constant 0 : i32
      %dma_wait3A_203 = tpu.memref_slice %arg14[%dma_wait3A, %dma_wait3A_202] : memref<128x64xf32, #tpu.memory_space<vmem>> -> memref<80x64xf32, #tpu.memory_space<vmem>>
      %dma_wait3A_204 = arith.constant 0 : i32
      %dma_wait3A_205 = tpu.memref_slice %arg15[%add3A_107, %dma_wait3A_204] : memref<10240x64xf32, #tpu.memory_space<vmem_shared>> -> memref<80x64xf32, #tpu.memory_space<vmem_shared>>
      %dma_wait3A_206 = arith.constant 0 : i32
      %dma_wait3A_207 = tpu.memref_slice %arg15[%add3A_107, %dma_wait3A_206] : memref<10240x64xf32, #tpu.memory_space<vmem_shared>> -> memref<80x64xf32, #tpu.memory_space<vmem_shared>>
      %dma_wait3A_208 = arith.constant 0 : i32
      %dma_wait3A_209 = arith.constant 0 : i32
      %dma_wait3A_210 = tpu.memref_slice %arg14[%dma_wait3A_208, %dma_wait3A_209] : memref<128x64xf32, #tpu.memory_space<vmem>> -> memref<80x64xf32, #tpu.memory_space<vmem>>
      tpu.wait_dma2 semaphore(%run_scoped3A : memref<!tpu.dma_semaphore, #tpu.memory_space<semaphore_mem>>) src(%dma_wait3A_210 : memref<80x64xf32, #tpu.memory_space<vmem>>) dst(%dma_wait3A_207 : memref<80x64xf32, #tpu.memory_space<vmem_shared>>)
      tpu.yield
    }) : () -> ()
    %mul3A_108 = arith.constant 640 : i32
    %mul3A_109 = arith.muli %arg1, %mul3A_108 : i32
    %add3A_110 = arith.constant 160 : i32
    %add3A_111 = arith.addi %mul3A_109, %add3A_110 : i32
    "tpu.region"() ({
      %run_scoped3A = tpu.sem_alloc : memref<!tpu.dma_semaphore, #tpu.memory_space<semaphore_mem>>
      %dma_start3A = arith.constant 0 : i32
      %dma_start3A_193 = arith.constant 0 : i32
      %dma_start3A_194 = tpu.memref_slice %arg14[%dma_start3A, %dma_start3A_193] : memref<128x64xf32, #tpu.memory_space<vmem>> -> memref<80x64xf32, #tpu.memory_space<vmem>>
      %dma_start3A_195 = arith.constant 0 : i32
      %dma_start3A_196 = tpu.memref_slice %arg15[%add3A_111, %dma_start3A_195] : memref<10240x64xf32, #tpu.memory_space<vmem_shared>> -> memref<80x64xf32, #tpu.memory_space<vmem_shared>>
      %dma_start3A_197 = arith.constant 0 : i32
      %dma_start3A_198 = tpu.memref_slice %arg15[%add3A_111, %dma_start3A_197] : memref<10240x64xf32, #tpu.memory_space<vmem_shared>> -> memref<80x64xf32, #tpu.memory_space<vmem_shared>>
      %dma_start3A_199 = arith.constant 0 : i32
      %dma_start3A_200 = arith.constant 0 : i32
      %dma_start3A_201 = tpu.memref_slice %arg14[%dma_start3A_199, %dma_start3A_200] : memref<128x64xf32, #tpu.memory_space<vmem>> -> memref<80x64xf32, #tpu.memory_space<vmem>>
      tpu.enqueue_dma source(%dma_start3A_201 : memref<80x64xf32, #tpu.memory_space<vmem>>) target(%dma_start3A_198 : memref<80x64xf32, #tpu.memory_space<vmem_shared>>) target_semaphore(%run_scoped3A : memref<!tpu.dma_semaphore, #tpu.memory_space<semaphore_mem>>)
      %dma_wait3A = arith.constant 0 : i32
      %dma_wait3A_202 = arith.constant 0 : i32
      %dma_wait3A_203 = tpu.memref_slice %arg14[%dma_wait3A, %dma_wait3A_202] : memref<128x64xf32, #tpu.memory_space<vmem>> -> memref<80x64xf32, #tpu.memory_space<vmem>>
      %dma_wait3A_204 = arith.constant 0 : i32
      %dma_wait3A_205 = tpu.memref_slice %arg15[%add3A_111, %dma_wait3A_204] : memref<10240x64xf32, #tpu.memory_space<vmem_shared>> -> memref<80x64xf32, #tpu.memory_space<vmem_shared>>
      %dma_wait3A_206 = arith.constant 0 : i32
      %dma_wait3A_207 = tpu.memref_slice %arg15[%add3A_111, %dma_wait3A_206] : memref<10240x64xf32, #tpu.memory_space<vmem_shared>> -> memref<80x64xf32, #tpu.memory_space<vmem_shared>>
      %dma_wait3A_208 = arith.constant 0 : i32
      %dma_wait3A_209 = arith.constant 0 : i32
      %dma_wait3A_210 = tpu.memref_slice %arg14[%dma_wait3A_208, %dma_wait3A_209] : memref<128x64xf32, #tpu.memory_space<vmem>> -> memref<80x64xf32, #tpu.memory_space<vmem>>
      tpu.wait_dma2 semaphore(%run_scoped3A : memref<!tpu.dma_semaphore, #tpu.memory_space<semaphore_mem>>) src(%dma_wait3A_210 : memref<80x64xf32, #tpu.memory_space<vmem>>) dst(%dma_wait3A_207 : memref<80x64xf32, #tpu.memory_space<vmem_shared>>)
      tpu.yield
    }) : () -> ()
    %mul3A_112 = arith.constant 640 : i32
    %mul3A_113 = arith.muli %arg1, %mul3A_112 : i32
    %add3A_114 = arith.constant 240 : i32
    %add3A_115 = arith.addi %mul3A_113, %add3A_114 : i32
    "tpu.region"() ({
      %run_scoped3A = tpu.sem_alloc : memref<!tpu.dma_semaphore, #tpu.memory_space<semaphore_mem>>
      %dma_start3A = arith.constant 0 : i32
      %dma_start3A_193 = arith.constant 0 : i32
      %dma_start3A_194 = tpu.memref_slice %arg14[%dma_start3A, %dma_start3A_193] : memref<128x64xf32, #tpu.memory_space<vmem>> -> memref<80x64xf32, #tpu.memory_space<vmem>>
      %dma_start3A_195 = arith.constant 0 : i32
      %dma_start3A_196 = tpu.memref_slice %arg15[%add3A_115, %dma_start3A_195] : memref<10240x64xf32, #tpu.memory_space<vmem_shared>> -> memref<80x64xf32, #tpu.memory_space<vmem_shared>>
      %dma_start3A_197 = arith.constant 0 : i32
      %dma_start3A_198 = tpu.memref_slice %arg15[%add3A_115, %dma_start3A_197] : memref<10240x64xf32, #tpu.memory_space<vmem_shared>> -> memref<80x64xf32, #tpu.memory_space<vmem_shared>>
      %dma_start3A_199 = arith.constant 0 : i32
      %dma_start3A_200 = arith.constant 0 : i32
      %dma_start3A_201 = tpu.memref_slice %arg14[%dma_start3A_199, %dma_start3A_200] : memref<128x64xf32, #tpu.memory_space<vmem>> -> memref<80x64xf32, #tpu.memory_space<vmem>>
      tpu.enqueue_dma source(%dma_start3A_201 : memref<80x64xf32, #tpu.memory_space<vmem>>) target(%dma_start3A_198 : memref<80x64xf32, #tpu.memory_space<vmem_shared>>) target_semaphore(%run_scoped3A : memref<!tpu.dma_semaphore, #tpu.memory_space<semaphore_mem>>)
      %dma_wait3A = arith.constant 0 : i32
      %dma_wait3A_202 = arith.constant 0 : i32
      %dma_wait3A_203 = tpu.memref_slice %arg14[%dma_wait3A, %dma_wait3A_202] : memref<128x64xf32, #tpu.memory_space<vmem>> -> memref<80x64xf32, #tpu.memory_space<vmem>>
      %dma_wait3A_204 = arith.constant 0 : i32
      %dma_wait3A_205 = tpu.memref_slice %arg15[%add3A_115, %dma_wait3A_204] : memref<10240x64xf32, #tpu.memory_space<vmem_shared>> -> memref<80x64xf32, #tpu.memory_space<vmem_shared>>
      %dma_wait3A_206 = arith.constant 0 : i32
      %dma_wait3A_207 = tpu.memref_slice %arg15[%add3A_115, %dma_wait3A_206] : memref<10240x64xf32, #tpu.memory_space<vmem_shared>> -> memref<80x64xf32, #tpu.memory_space<vmem_shared>>
      %dma_wait3A_208 = arith.constant 0 : i32
      %dma_wait3A_209 = arith.constant 0 : i32
      %dma_wait3A_210 = tpu.memref_slice %arg14[%dma_wait3A_208, %dma_wait3A_209] : memref<128x64xf32, #tpu.memory_space<vmem>> -> memref<80x64xf32, #tpu.memory_space<vmem>>
      tpu.wait_dma2 semaphore(%run_scoped3A : memref<!tpu.dma_semaphore, #tpu.memory_space<semaphore_mem>>) src(%dma_wait3A_210 : memref<80x64xf32, #tpu.memory_space<vmem>>) dst(%dma_wait3A_207 : memref<80x64xf32, #tpu.memory_space<vmem_shared>>)
      tpu.yield
    }) : () -> ()
    %mul3A_116 = arith.constant 640 : i32
    %mul3A_117 = arith.muli %arg1, %mul3A_116 : i32
    %add3A_118 = arith.constant 320 : i32
    %add3A_119 = arith.addi %mul3A_117, %add3A_118 : i32
    "tpu.region"() ({
      %run_scoped3A = tpu.sem_alloc : memref<!tpu.dma_semaphore, #tpu.memory_space<semaphore_mem>>
      %dma_start3A = arith.constant 0 : i32
      %dma_start3A_193 = arith.constant 0 : i32
      %dma_start3A_194 = tpu.memref_slice %arg14[%dma_start3A, %dma_start3A_193] : memref<128x64xf32, #tpu.memory_space<vmem>> -> memref<80x64xf32, #tpu.memory_space<vmem>>
      %dma_start3A_195 = arith.constant 0 : i32
      %dma_start3A_196 = tpu.memref_slice %arg15[%add3A_119, %dma_start3A_195] : memref<10240x64xf32, #tpu.memory_space<vmem_shared>> -> memref<80x64xf32, #tpu.memory_space<vmem_shared>>
      %dma_start3A_197 = arith.constant 0 : i32
      %dma_start3A_198 = tpu.memref_slice %arg15[%add3A_119, %dma_start3A_197] : memref<10240x64xf32, #tpu.memory_space<vmem_shared>> -> memref<80x64xf32, #tpu.memory_space<vmem_shared>>
      %dma_start3A_199 = arith.constant 0 : i32
      %dma_start3A_200 = arith.constant 0 : i32
      %dma_start3A_201 = tpu.memref_slice %arg14[%dma_start3A_199, %dma_start3A_200] : memref<128x64xf32, #tpu.memory_space<vmem>> -> memref<80x64xf32, #tpu.memory_space<vmem>>
      tpu.enqueue_dma source(%dma_start3A_201 : memref<80x64xf32, #tpu.memory_space<vmem>>) target(%dma_start3A_198 : memref<80x64xf32, #tpu.memory_space<vmem_shared>>) target_semaphore(%run_scoped3A : memref<!tpu.dma_semaphore, #tpu.memory_space<semaphore_mem>>)
      %dma_wait3A = arith.constant 0 : i32
      %dma_wait3A_202 = arith.constant 0 : i32
      %dma_wait3A_203 = tpu.memref_slice %arg14[%dma_wait3A, %dma_wait3A_202] : memref<128x64xf32, #tpu.memory_space<vmem>> -> memref<80x64xf32, #tpu.memory_space<vmem>>
      %dma_wait3A_204 = arith.constant 0 : i32
      %dma_wait3A_205 = tpu.memref_slice %arg15[%add3A_119, %dma_wait3A_204] : memref<10240x64xf32, #tpu.memory_space<vmem_shared>> -> memref<80x64xf32, #tpu.memory_space<vmem_shared>>
      %dma_wait3A_206 = arith.constant 0 : i32
      %dma_wait3A_207 = tpu.memref_slice %arg15[%add3A_119, %dma_wait3A_206] : memref<10240x64xf32, #tpu.memory_space<vmem_shared>> -> memref<80x64xf32, #tpu.memory_space<vmem_shared>>
      %dma_wait3A_208 = arith.constant 0 : i32
      %dma_wait3A_209 = arith.constant 0 : i32
      %dma_wait3A_210 = tpu.memref_slice %arg14[%dma_wait3A_208, %dma_wait3A_209] : memref<128x64xf32, #tpu.memory_space<vmem>> -> memref<80x64xf32, #tpu.memory_space<vmem>>
      tpu.wait_dma2 semaphore(%run_scoped3A : memref<!tpu.dma_semaphore, #tpu.memory_space<semaphore_mem>>) src(%dma_wait3A_210 : memref<80x64xf32, #tpu.memory_space<vmem>>) dst(%dma_wait3A_207 : memref<80x64xf32, #tpu.memory_space<vmem_shared>>)
      tpu.yield
    }) : () -> ()
    %mul3A_120 = arith.constant 640 : i32
    %mul3A_121 = arith.muli %arg1, %mul3A_120 : i32
    %add3A_122 = arith.constant 400 : i32
    %add3A_123 = arith.addi %mul3A_121, %add3A_122 : i32
    "tpu.region"() ({
      %run_scoped3A = tpu.sem_alloc : memref<!tpu.dma_semaphore, #tpu.memory_space<semaphore_mem>>
      %dma_start3A = arith.constant 0 : i32
      %dma_start3A_193 = arith.constant 0 : i32
      %dma_start3A_194 = tpu.memref_slice %arg14[%dma_start3A, %dma_start3A_193] : memref<128x64xf32, #tpu.memory_space<vmem>> -> memref<80x64xf32, #tpu.memory_space<vmem>>
      %dma_start3A_195 = arith.constant 0 : i32
      %dma_start3A_196 = tpu.memref_slice %arg15[%add3A_123, %dma_start3A_195] : memref<10240x64xf32, #tpu.memory_space<vmem_shared>> -> memref<80x64xf32, #tpu.memory_space<vmem_shared>>
      %dma_start3A_197 = arith.constant 0 : i32
      %dma_start3A_198 = tpu.memref_slice %arg15[%add3A_123, %dma_start3A_197] : memref<10240x64xf32, #tpu.memory_space<vmem_shared>> -> memref<80x64xf32, #tpu.memory_space<vmem_shared>>
      %dma_start3A_199 = arith.constant 0 : i32
      %dma_start3A_200 = arith.constant 0 : i32
      %dma_start3A_201 = tpu.memref_slice %arg14[%dma_start3A_199, %dma_start3A_200] : memref<128x64xf32, #tpu.memory_space<vmem>> -> memref<80x64xf32, #tpu.memory_space<vmem>>
      tpu.enqueue_dma source(%dma_start3A_201 : memref<80x64xf32, #tpu.memory_space<vmem>>) target(%dma_start3A_198 : memref<80x64xf32, #tpu.memory_space<vmem_shared>>) target_semaphore(%run_scoped3A : memref<!tpu.dma_semaphore, #tpu.memory_space<semaphore_mem>>)
      %dma_wait3A = arith.constant 0 : i32
      %dma_wait3A_202 = arith.constant 0 : i32
      %dma_wait3A_203 = tpu.memref_slice %arg14[%dma_wait3A, %dma_wait3A_202] : memref<128x64xf32, #tpu.memory_space<vmem>> -> memref<80x64xf32, #tpu.memory_space<vmem>>
      %dma_wait3A_204 = arith.constant 0 : i32
      %dma_wait3A_205 = tpu.memref_slice %arg15[%add3A_123, %dma_wait3A_204] : memref<10240x64xf32, #tpu.memory_space<vmem_shared>> -> memref<80x64xf32, #tpu.memory_space<vmem_shared>>
      %dma_wait3A_206 = arith.constant 0 : i32
      %dma_wait3A_207 = tpu.memref_slice %arg15[%add3A_123, %dma_wait3A_206] : memref<10240x64xf32, #tpu.memory_space<vmem_shared>> -> memref<80x64xf32, #tpu.memory_space<vmem_shared>>
      %dma_wait3A_208 = arith.constant 0 : i32
      %dma_wait3A_209 = arith.constant 0 : i32
      %dma_wait3A_210 = tpu.memref_slice %arg14[%dma_wait3A_208, %dma_wait3A_209] : memref<128x64xf32, #tpu.memory_space<vmem>> -> memref<80x64xf32, #tpu.memory_space<vmem>>
      tpu.wait_dma2 semaphore(%run_scoped3A : memref<!tpu.dma_semaphore, #tpu.memory_space<semaphore_mem>>) src(%dma_wait3A_210 : memref<80x64xf32, #tpu.memory_space<vmem>>) dst(%dma_wait3A_207 : memref<80x64xf32, #tpu.memory_space<vmem_shared>>)
      tpu.yield
    }) : () -> ()
    %mul3A_124 = arith.constant 640 : i32
    %mul3A_125 = arith.muli %arg1, %mul3A_124 : i32
    %add3A_126 = arith.constant 480 : i32
    %add3A_127 = arith.addi %mul3A_125, %add3A_126 : i32
    "tpu.region"() ({
      %run_scoped3A = tpu.sem_alloc : memref<!tpu.dma_semaphore, #tpu.memory_space<semaphore_mem>>
      %dma_start3A = arith.constant 0 : i32
      %dma_start3A_193 = arith.constant 0 : i32
      %dma_start3A_194 = tpu.memref_slice %arg14[%dma_start3A, %dma_start3A_193] : memref<128x64xf32, #tpu.memory_space<vmem>> -> memref<80x64xf32, #tpu.memory_space<vmem>>
      %dma_start3A_195 = arith.constant 0 : i32
      %dma_start3A_196 = tpu.memref_slice %arg15[%add3A_127, %dma_start3A_195] : memref<10240x64xf32, #tpu.memory_space<vmem_shared>> -> memref<80x64xf32, #tpu.memory_space<vmem_shared>>
      %dma_start3A_197 = arith.constant 0 : i32
      %dma_start3A_198 = tpu.memref_slice %arg15[%add3A_127, %dma_start3A_197] : memref<10240x64xf32, #tpu.memory_space<vmem_shared>> -> memref<80x64xf32, #tpu.memory_space<vmem_shared>>
      %dma_start3A_199 = arith.constant 0 : i32
      %dma_start3A_200 = arith.constant 0 : i32
      %dma_start3A_201 = tpu.memref_slice %arg14[%dma_start3A_199, %dma_start3A_200] : memref<128x64xf32, #tpu.memory_space<vmem>> -> memref<80x64xf32, #tpu.memory_space<vmem>>
      tpu.enqueue_dma source(%dma_start3A_201 : memref<80x64xf32, #tpu.memory_space<vmem>>) target(%dma_start3A_198 : memref<80x64xf32, #tpu.memory_space<vmem_shared>>) target_semaphore(%run_scoped3A : memref<!tpu.dma_semaphore, #tpu.memory_space<semaphore_mem>>)
      %dma_wait3A = arith.constant 0 : i32
      %dma_wait3A_202 = arith.constant 0 : i32
      %dma_wait3A_203 = tpu.memref_slice %arg14[%dma_wait3A, %dma_wait3A_202] : memref<128x64xf32, #tpu.memory_space<vmem>> -> memref<80x64xf32, #tpu.memory_space<vmem>>
      %dma_wait3A_204 = arith.constant 0 : i32
      %dma_wait3A_205 = tpu.memref_slice %arg15[%add3A_127, %dma_wait3A_204] : memref<10240x64xf32, #tpu.memory_space<vmem_shared>> -> memref<80x64xf32, #tpu.memory_space<vmem_shared>>
      %dma_wait3A_206 = arith.constant 0 : i32
      %dma_wait3A_207 = tpu.memref_slice %arg15[%add3A_127, %dma_wait3A_206] : memref<10240x64xf32, #tpu.memory_space<vmem_shared>> -> memref<80x64xf32, #tpu.memory_space<vmem_shared>>
      %dma_wait3A_208 = arith.constant 0 : i32
      %dma_wait3A_209 = arith.constant 0 : i32
      %dma_wait3A_210 = tpu.memref_slice %arg14[%dma_wait3A_208, %dma_wait3A_209] : memref<128x64xf32, #tpu.memory_space<vmem>> -> memref<80x64xf32, #tpu.memory_space<vmem>>
      tpu.wait_dma2 semaphore(%run_scoped3A : memref<!tpu.dma_semaphore, #tpu.memory_space<semaphore_mem>>) src(%dma_wait3A_210 : memref<80x64xf32, #tpu.memory_space<vmem>>) dst(%dma_wait3A_207 : memref<80x64xf32, #tpu.memory_space<vmem_shared>>)
      tpu.yield
    }) : () -> ()
    %mul3A_128 = arith.constant 640 : i32
    %mul3A_129 = arith.muli %arg1, %mul3A_128 : i32
    %add3A_130 = arith.constant 560 : i32
    %add3A_131 = arith.addi %mul3A_129, %add3A_130 : i32
    "tpu.region"() ({
      %run_scoped3A = tpu.sem_alloc : memref<!tpu.dma_semaphore, #tpu.memory_space<semaphore_mem>>
      %dma_start3A = arith.constant 0 : i32
      %dma_start3A_193 = arith.constant 0 : i32
      %dma_start3A_194 = tpu.memref_slice %arg14[%dma_start3A, %dma_start3A_193] : memref<128x64xf32, #tpu.memory_space<vmem>> -> memref<80x64xf32, #tpu.memory_space<vmem>>
      %dma_start3A_195 = arith.constant 0 : i32
      %dma_start3A_196 = tpu.memref_slice %arg15[%add3A_131, %dma_start3A_195] : memref<10240x64xf32, #tpu.memory_space<vmem_shared>> -> memref<80x64xf32, #tpu.memory_space<vmem_shared>>
      %dma_start3A_197 = arith.constant 0 : i32
      %dma_start3A_198 = tpu.memref_slice %arg15[%add3A_131, %dma_start3A_197] : memref<10240x64xf32, #tpu.memory_space<vmem_shared>> -> memref<80x64xf32, #tpu.memory_space<vmem_shared>>
      %dma_start3A_199 = arith.constant 0 : i32
      %dma_start3A_200 = arith.constant 0 : i32
      %dma_start3A_201 = tpu.memref_slice %arg14[%dma_start3A_199, %dma_start3A_200] : memref<128x64xf32, #tpu.memory_space<vmem>> -> memref<80x64xf32, #tpu.memory_space<vmem>>
      tpu.enqueue_dma source(%dma_start3A_201 : memref<80x64xf32, #tpu.memory_space<vmem>>) target(%dma_start3A_198 : memref<80x64xf32, #tpu.memory_space<vmem_shared>>) target_semaphore(%run_scoped3A : memref<!tpu.dma_semaphore, #tpu.memory_space<semaphore_mem>>)
      %dma_wait3A = arith.constant 0 : i32
      %dma_wait3A_202 = arith.constant 0 : i32
      %dma_wait3A_203 = tpu.memref_slice %arg14[%dma_wait3A, %dma_wait3A_202] : memref<128x64xf32, #tpu.memory_space<vmem>> -> memref<80x64xf32, #tpu.memory_space<vmem>>
      %dma_wait3A_204 = arith.constant 0 : i32
      %dma_wait3A_205 = tpu.memref_slice %arg15[%add3A_131, %dma_wait3A_204] : memref<10240x64xf32, #tpu.memory_space<vmem_shared>> -> memref<80x64xf32, #tpu.memory_space<vmem_shared>>
      %dma_wait3A_206 = arith.constant 0 : i32
      %dma_wait3A_207 = tpu.memref_slice %arg15[%add3A_131, %dma_wait3A_206] : memref<10240x64xf32, #tpu.memory_space<vmem_shared>> -> memref<80x64xf32, #tpu.memory_space<vmem_shared>>
      %dma_wait3A_208 = arith.constant 0 : i32
      %dma_wait3A_209 = arith.constant 0 : i32
      %dma_wait3A_210 = tpu.memref_slice %arg14[%dma_wait3A_208, %dma_wait3A_209] : memref<128x64xf32, #tpu.memory_space<vmem>> -> memref<80x64xf32, #tpu.memory_space<vmem>>
      tpu.wait_dma2 semaphore(%run_scoped3A : memref<!tpu.dma_semaphore, #tpu.memory_space<semaphore_mem>>) src(%dma_wait3A_210 : memref<80x64xf32, #tpu.memory_space<vmem>>) dst(%dma_wait3A_207 : memref<80x64xf32, #tpu.memory_space<vmem_shared>>)
      tpu.yield
    }) : () -> ()
    %barrier3A_132 = arith.constant 0 : index
    tpu.barrier barrier_id(%barrier3A_132)
    %gt3A_133 = arith.constant 0 : i32
    %gt3A_134 = arith.cmpi sgt, %min3A_12, %gt3A_133 : i32
    %convert_element_type3A_135 = arith.extui %gt3A_134 : i1 to i32
    %cond3A_136 = arith.constant 0 : i32
    %cond3A_137 = arith.cmpi ne, %convert_element_type3A_135, %cond3A_136 : i32
    scf.if %cond3A_137 {
      %dma_start3A = arith.constant 0 : i32
      %dma_start3A_193 = arith.constant 0 : i32
      %dma_start3A_194 = tpu.memref_slice %arg9[%dma_start3A, %dma_start3A_193] : memref<126x80xi32, #tpu.memory_space<vmem>> -> memref<1x80xi32, #tpu.memory_space<vmem>>
      %dma_start3A_195 = tpu.memref_squeeze %dma_start3A_194 : memref<1x80xi32, #tpu.memory_space<vmem>> -> memref<80xi32, #tpu.memory_space<vmem>>
      %dma_start3A_196 = arith.constant 0 : i32
      %dma_start3A_197 = arith.constant 0 : i32
      %dma_start3A_198 = tpu.memref_slice %arg3[%dma_start3A_196, %dma_start3A_197] : memref<10240x64xf32, #tpu.memory_space<hbm>> -> memref<10240x64xf32, #tpu.memory_space<hbm>>
      tpu.enqueue_indirect_dma source(%dma_start3A_198 : memref<10240x64xf32, #tpu.memory_space<hbm>>) target(%arg12 : memref<80x64xf32, #tpu.memory_space<vmem>>) offsets(%dma_start3A_195 : memref<80xi32, #tpu.memory_space<vmem>>) semaphore(%arg16 : memref<!tpu.dma_semaphore, #tpu.memory_space<semaphore_mem>>)
    } else {
    }
    %jit3A_138 = arith.constant 2 : i32
    %div3A_139 = arith.divsi %min3A_12, %jit3A_138 : i32
    %sign3A_140 = arith.constant 0 : i32
    %sign3A_141 = arith.cmpi sgt, %min3A_12, %sign3A_140 : i32
    %sign3A_142 = arith.extui %sign3A_141 : i1 to i32
    %sign3A_143 = arith.constant 0 : i32
    %sign3A_144 = arith.cmpi slt, %min3A_12, %sign3A_143 : i32
    %sign3A_145 = arith.extui %sign3A_144 : i1 to i32
    %sign3A_146 = arith.subi %sign3A_142, %sign3A_145 : i32
    %sign3A_147 = arith.constant 0 : i32
    %sign3A_148 = arith.cmpi sgt, %jit3A_138, %sign3A_147 : i32
    %sign3A_149 = arith.extui %sign3A_148 : i1 to i32
    %sign3A_150 = arith.constant 0 : i32
    %sign3A_151 = arith.cmpi slt, %jit3A_138, %sign3A_150 : i32
    %sign3A_152 = arith.extui %sign3A_151 : i1 to i32
    %sign3A_153 = arith.subi %sign3A_149, %sign3A_152 : i32
    %ne3A_154 = arith.cmpi ne, %sign3A_146, %sign3A_153 : i32
    %rem3A_155 = arith.remsi %min3A_12, %jit3A_138 : i32
    %ne3A_156 = arith.constant 0 : i32
    %ne3A_157 = arith.cmpi ne, %rem3A_155, %ne3A_156 : i32
    %and3A_158 = arith.andi %ne3A_154, %ne3A_157 : i1
    %sub3A_159 = arith.constant 1 : i32
    %sub3A_160 = arith.subi %div3A_139, %sub3A_159 : i32
    %select_n3A_161 = arith.select %and3A_158, %sub3A_160, %div3A_139 : i32
    %while3A_162 = arith.constant 0 : i32
    %while3A_163 = arith.subi %select_n3A_161, %while3A_162 : i32
    %while3A_164 = arith.addi %while3A_162, %while3A_163 : i32
    %while3A_165 = arith.constant 1 : i32
    %while3A_166 = arith.divsi %while3A_163, %while3A_165 : i32
    %while3A_167 = arith.muli %while3A_166, %while3A_165 : i32
    %while3A_168 = arith.addi %while3A_162, %while3A_167 : i32
    %while3A_169 = arith.constant 1 : i32
    scf.for %while3A_193 = %while3A_162 to %while3A_168 step %while3A_169  : i32 {
      %mul3A_194 = arith.constant 2 : i32
      %mul3A_195 = arith.muli %mul3A_194, %while3A_193 : i32
      %dma_wait3A = arith.constant 0 : i32
      %dma_wait3A_196 = arith.constant 0 : i32
      %dma_wait3A_197 = tpu.memref_slice %arg9[%dma_wait3A, %dma_wait3A_196] : memref<126x80xi32, #tpu.memory_space<vmem>> -> memref<1x80xi32, #tpu.memory_space<vmem>>
      %dma_wait3A_198 = tpu.memref_squeeze %dma_wait3A_197 : memref<1x80xi32, #tpu.memory_space<vmem>> -> memref<80xi32, #tpu.memory_space<vmem>>
      %dma_wait3A_199 = arith.constant 0 : i32
      %dma_wait3A_200 = arith.constant 0 : i32
      %dma_wait3A_201 = tpu.memref_slice %arg3[%dma_wait3A_199, %dma_wait3A_200] : memref<10240x64xf32, #tpu.memory_space<hbm>> -> memref<10240x64xf32, #tpu.memory_space<hbm>>
      tpu.wait_indirect_dma semaphore(%arg16 : memref<!tpu.dma_semaphore, #tpu.memory_space<semaphore_mem>>) src(%dma_wait3A_201 : memref<10240x64xf32, #tpu.memory_space<hbm>>) dst(%arg12 : memref<80x64xf32, #tpu.memory_space<vmem>>)
      %add3A_202 = arith.constant 1 : i32
      %add3A_203 = arith.addi %mul3A_195, %add3A_202 : i32
      %dma_start3A = arith.constant 0 : i32
      %dma_start3A_204 = tpu.memref_slice %arg9[%add3A_203, %dma_start3A] : memref<126x80xi32, #tpu.memory_space<vmem>> -> memref<1x80xi32, #tpu.memory_space<vmem>>
      %dma_start3A_205 = tpu.memref_squeeze %dma_start3A_204 : memref<1x80xi32, #tpu.memory_space<vmem>> -> memref<80xi32, #tpu.memory_space<vmem>>
      %dma_start3A_206 = arith.constant 0 : i32
      %dma_start3A_207 = arith.constant 0 : i32
      %dma_start3A_208 = tpu.memref_slice %arg3[%dma_start3A_206, %dma_start3A_207] : memref<10240x64xf32, #tpu.memory_space<hbm>> -> memref<10240x64xf32, #tpu.memory_space<hbm>>
      tpu.enqueue_indirect_dma source(%dma_start3A_208 : memref<10240x64xf32, #tpu.memory_space<hbm>>) target(%arg13 : memref<80x64xf32, #tpu.memory_space<vmem>>) offsets(%dma_start3A_205 : memref<80xi32, #tpu.memory_space<vmem>>) semaphore(%arg17 : memref<!tpu.dma_semaphore, #tpu.memory_space<semaphore_mem>>)
      "tpu.region"() ({
        %run_scoped3A = tpu.sem_alloc : memref<!tpu.dma_semaphore, #tpu.memory_space<semaphore_mem>>
        %dma_start3A_223 = arith.constant 0 : i32
        %dma_start3A_224 = tpu.memref_slice %arg10[%mul3A_195, %dma_start3A_223] : memref<126x80xi32, #tpu.memory_space<vmem>> -> memref<1x80xi32, #tpu.memory_space<vmem>>
        %dma_start3A_225 = tpu.memref_squeeze %dma_start3A_224 : memref<1x80xi32, #tpu.memory_space<vmem>> -> memref<80xi32, #tpu.memory_space<vmem>>
        %dma_start3A_226 = arith.constant 0 : i32
        %dma_start3A_227 = arith.constant 0 : i32
        %dma_start3A_228 = tpu.memref_slice %arg15[%dma_start3A_226, %dma_start3A_227] : memref<10240x64xf32, #tpu.memory_space<vmem_shared>> -> memref<10240x64xf32, #tpu.memory_space<vmem_shared>>
        tpu.enqueue_indirect_dma source(%arg12 : memref<80x64xf32, #tpu.memory_space<vmem>>) target(%dma_start3A_228 : memref<10240x64xf32, #tpu.memory_space<vmem_shared>>) offsets(%dma_start3A_225 : memref<80xi32, #tpu.memory_space<vmem>>) semaphore(%run_scoped3A : memref<!tpu.dma_semaphore, #tpu.memory_space<semaphore_mem>>) {add = true}
        %dma_wait3A_229 = arith.constant 0 : i32
        %dma_wait3A_230 = tpu.memref_slice %arg10[%mul3A_195, %dma_wait3A_229] : memref<126x80xi32, #tpu.memory_space<vmem>> -> memref<1x80xi32, #tpu.memory_space<vmem>>
        %dma_wait3A_231 = tpu.memref_squeeze %dma_wait3A_230 : memref<1x80xi32, #tpu.memory_space<vmem>> -> memref<80xi32, #tpu.memory_space<vmem>>
        %dma_wait3A_232 = arith.constant 0 : i32
        %dma_wait3A_233 = arith.constant 0 : i32
        %dma_wait3A_234 = tpu.memref_slice %arg15[%dma_wait3A_232, %dma_wait3A_233] : memref<10240x64xf32, #tpu.memory_space<vmem_shared>> -> memref<10240x64xf32, #tpu.memory_space<vmem_shared>>
        tpu.wait_indirect_dma semaphore(%run_scoped3A : memref<!tpu.dma_semaphore, #tpu.memory_space<semaphore_mem>>) src(%arg12 : memref<80x64xf32, #tpu.memory_space<vmem>>) dst(%dma_wait3A_234 : memref<10240x64xf32, #tpu.memory_space<vmem_shared>>)
        tpu.yield
      }) : () -> ()
      %dma_wait3A_209 = arith.constant 0 : i32
      %dma_wait3A_210 = arith.constant 0 : i32
      %dma_wait3A_211 = tpu.memref_slice %arg9[%dma_wait3A_209, %dma_wait3A_210] : memref<126x80xi32, #tpu.memory_space<vmem>> -> memref<1x80xi32, #tpu.memory_space<vmem>>
      %dma_wait3A_212 = tpu.memref_squeeze %dma_wait3A_211 : memref<1x80xi32, #tpu.memory_space<vmem>> -> memref<80xi32, #tpu.memory_space<vmem>>
      %dma_wait3A_213 = arith.constant 0 : i32
      %dma_wait3A_214 = arith.constant 0 : i32
      %dma_wait3A_215 = tpu.memref_slice %arg3[%dma_wait3A_213, %dma_wait3A_214] : memref<10240x64xf32, #tpu.memory_space<hbm>> -> memref<10240x64xf32, #tpu.memory_space<hbm>>
      tpu.wait_indirect_dma semaphore(%arg17 : memref<!tpu.dma_semaphore, #tpu.memory_space<semaphore_mem>>) src(%dma_wait3A_215 : memref<10240x64xf32, #tpu.memory_space<hbm>>) dst(%arg13 : memref<80x64xf32, #tpu.memory_space<vmem>>)
      %add3A_216 = arith.constant 2 : i32
      %add3A_217 = arith.addi %mul3A_195, %add3A_216 : i32
      %lt3A = arith.cmpi slt, %add3A_217, %min3A_12 : i32
      %convert_element_type3A_218 = arith.extui %lt3A : i1 to i32
      %cond3A_219 = arith.constant 0 : i32
      %cond3A_220 = arith.cmpi ne, %convert_element_type3A_218, %cond3A_219 : i32
      scf.if %cond3A_220 {
        %add3A_223 = arith.constant 2 : i32
        %add3A_224 = arith.addi %mul3A_195, %add3A_223 : i32
        %dma_start3A_225 = arith.constant 0 : i32
        %dma_start3A_226 = tpu.memref_slice %arg9[%add3A_224, %dma_start3A_225] : memref<126x80xi32, #tpu.memory_space<vmem>> -> memref<1x80xi32, #tpu.memory_space<vmem>>
        %dma_start3A_227 = tpu.memref_squeeze %dma_start3A_226 : memref<1x80xi32, #tpu.memory_space<vmem>> -> memref<80xi32, #tpu.memory_space<vmem>>
        %dma_start3A_228 = arith.constant 0 : i32
        %dma_start3A_229 = arith.constant 0 : i32
        %dma_start3A_230 = tpu.memref_slice %arg3[%dma_start3A_228, %dma_start3A_229] : memref<10240x64xf32, #tpu.memory_space<hbm>> -> memref<10240x64xf32, #tpu.memory_space<hbm>>
        tpu.enqueue_indirect_dma source(%dma_start3A_230 : memref<10240x64xf32, #tpu.memory_space<hbm>>) target(%arg12 : memref<80x64xf32, #tpu.memory_space<vmem>>) offsets(%dma_start3A_227 : memref<80xi32, #tpu.memory_space<vmem>>) semaphore(%arg16 : memref<!tpu.dma_semaphore, #tpu.memory_space<semaphore_mem>>)
      } else {
      }
      %add3A_221 = arith.constant 1 : i32
      %add3A_222 = arith.addi %mul3A_195, %add3A_221 : i32
      "tpu.region"() ({
        %run_scoped3A = tpu.sem_alloc : memref<!tpu.dma_semaphore, #tpu.memory_space<semaphore_mem>>
        %dma_start3A_223 = arith.constant 0 : i32
        %dma_start3A_224 = tpu.memref_slice %arg10[%add3A_222, %dma_start3A_223] : memref<126x80xi32, #tpu.memory_space<vmem>> -> memref<1x80xi32, #tpu.memory_space<vmem>>
        %dma_start3A_225 = tpu.memref_squeeze %dma_start3A_224 : memref<1x80xi32, #tpu.memory_space<vmem>> -> memref<80xi32, #tpu.memory_space<vmem>>
        %dma_start3A_226 = arith.constant 0 : i32
        %dma_start3A_227 = arith.constant 0 : i32
        %dma_start3A_228 = tpu.memref_slice %arg15[%dma_start3A_226, %dma_start3A_227] : memref<10240x64xf32, #tpu.memory_space<vmem_shared>> -> memref<10240x64xf32, #tpu.memory_space<vmem_shared>>
        tpu.enqueue_indirect_dma source(%arg13 : memref<80x64xf32, #tpu.memory_space<vmem>>) target(%dma_start3A_228 : memref<10240x64xf32, #tpu.memory_space<vmem_shared>>) offsets(%dma_start3A_225 : memref<80xi32, #tpu.memory_space<vmem>>) semaphore(%run_scoped3A : memref<!tpu.dma_semaphore, #tpu.memory_space<semaphore_mem>>) {add = true}
        %dma_wait3A_229 = arith.constant 0 : i32
        %dma_wait3A_230 = tpu.memref_slice %arg10[%add3A_222, %dma_wait3A_229] : memref<126x80xi32, #tpu.memory_space<vmem>> -> memref<1x80xi32, #tpu.memory_space<vmem>>
        %dma_wait3A_231 = tpu.memref_squeeze %dma_wait3A_230 : memref<1x80xi32, #tpu.memory_space<vmem>> -> memref<80xi32, #tpu.memory_space<vmem>>
        %dma_wait3A_232 = arith.constant 0 : i32
        %dma_wait3A_233 = arith.constant 0 : i32
        %dma_wait3A_234 = tpu.memref_slice %arg15[%dma_wait3A_232, %dma_wait3A_233] : memref<10240x64xf32, #tpu.memory_space<vmem_shared>> -> memref<10240x64xf32, #tpu.memory_space<vmem_shared>>
        tpu.wait_indirect_dma semaphore(%run_scoped3A : memref<!tpu.dma_semaphore, #tpu.memory_space<semaphore_mem>>) src(%arg13 : memref<80x64xf32, #tpu.memory_space<vmem>>) dst(%dma_wait3A_234 : memref<10240x64xf32, #tpu.memory_space<vmem_shared>>)
        tpu.yield
      }) : () -> ()
    }
    %while3A_170 = arith.constant 1 : i32
    scf.for %while3A_193 = %while3A_168 to %while3A_164 step %while3A_170  : i32 {
      %mul3A_194 = arith.constant 2 : i32
      %mul3A_195 = arith.muli %mul3A_194, %while3A_193 : i32
      %dma_wait3A = arith.constant 0 : i32
      %dma_wait3A_196 = arith.constant 0 : i32
      %dma_wait3A_197 = tpu.memref_slice %arg9[%dma_wait3A, %dma_wait3A_196] : memref<126x80xi32, #tpu.memory_space<vmem>> -> memref<1x80xi32, #tpu.memory_space<vmem>>
      %dma_wait3A_198 = tpu.memref_squeeze %dma_wait3A_197 : memref<1x80xi32, #tpu.memory_space<vmem>> -> memref<80xi32, #tpu.memory_space<vmem>>
      %dma_wait3A_199 = arith.constant 0 : i32
      %dma_wait3A_200 = arith.constant 0 : i32
      %dma_wait3A_201 = tpu.memref_slice %arg3[%dma_wait3A_199, %dma_wait3A_200] : memref<10240x64xf32, #tpu.memory_space<hbm>> -> memref<10240x64xf32, #tpu.memory_space<hbm>>
      tpu.wait_indirect_dma semaphore(%arg16 : memref<!tpu.dma_semaphore, #tpu.memory_space<semaphore_mem>>) src(%dma_wait3A_201 : memref<10240x64xf32, #tpu.memory_space<hbm>>) dst(%arg12 : memref<80x64xf32, #tpu.memory_space<vmem>>)
      %add3A_202 = arith.constant 1 : i32
      %add3A_203 = arith.addi %mul3A_195, %add3A_202 : i32
      %dma_start3A = arith.constant 0 : i32
      %dma_start3A_204 = tpu.memref_slice %arg9[%add3A_203, %dma_start3A] : memref<126x80xi32, #tpu.memory_space<vmem>> -> memref<1x80xi32, #tpu.memory_space<vmem>>
      %dma_start3A_205 = tpu.memref_squeeze %dma_start3A_204 : memref<1x80xi32, #tpu.memory_space<vmem>> -> memref<80xi32, #tpu.memory_space<vmem>>
      %dma_start3A_206 = arith.constant 0 : i32
      %dma_start3A_207 = arith.constant 0 : i32
      %dma_start3A_208 = tpu.memref_slice %arg3[%dma_start3A_206, %dma_start3A_207] : memref<10240x64xf32, #tpu.memory_space<hbm>> -> memref<10240x64xf32, #tpu.memory_space<hbm>>
      tpu.enqueue_indirect_dma source(%dma_start3A_208 : memref<10240x64xf32, #tpu.memory_space<hbm>>) target(%arg13 : memref<80x64xf32, #tpu.memory_space<vmem>>) offsets(%dma_start3A_205 : memref<80xi32, #tpu.memory_space<vmem>>) semaphore(%arg17 : memref<!tpu.dma_semaphore, #tpu.memory_space<semaphore_mem>>)
      "tpu.region"() ({
        %run_scoped3A = tpu.sem_alloc : memref<!tpu.dma_semaphore, #tpu.memory_space<semaphore_mem>>
        %dma_start3A_223 = arith.constant 0 : i32
        %dma_start3A_224 = tpu.memref_slice %arg10[%mul3A_195, %dma_start3A_223] : memref<126x80xi32, #tpu.memory_space<vmem>> -> memref<1x80xi32, #tpu.memory_space<vmem>>
        %dma_start3A_225 = tpu.memref_squeeze %dma_start3A_224 : memref<1x80xi32, #tpu.memory_space<vmem>> -> memref<80xi32, #tpu.memory_space<vmem>>
        %dma_start3A_226 = arith.constant 0 : i32
        %dma_start3A_227 = arith.constant 0 : i32
        %dma_start3A_228 = tpu.memref_slice %arg15[%dma_start3A_226, %dma_start3A_227] : memref<10240x64xf32, #tpu.memory_space<vmem_shared>> -> memref<10240x64xf32, #tpu.memory_space<vmem_shared>>
        tpu.enqueue_indirect_dma source(%arg12 : memref<80x64xf32, #tpu.memory_space<vmem>>) target(%dma_start3A_228 : memref<10240x64xf32, #tpu.memory_space<vmem_shared>>) offsets(%dma_start3A_225 : memref<80xi32, #tpu.memory_space<vmem>>) semaphore(%run_scoped3A : memref<!tpu.dma_semaphore, #tpu.memory_space<semaphore_mem>>) {add = true}
        %dma_wait3A_229 = arith.constant 0 : i32
        %dma_wait3A_230 = tpu.memref_slice %arg10[%mul3A_195, %dma_wait3A_229] : memref<126x80xi32, #tpu.memory_space<vmem>> -> memref<1x80xi32, #tpu.memory_space<vmem>>
        %dma_wait3A_231 = tpu.memref_squeeze %dma_wait3A_230 : memref<1x80xi32, #tpu.memory_space<vmem>> -> memref<80xi32, #tpu.memory_space<vmem>>
        %dma_wait3A_232 = arith.constant 0 : i32
        %dma_wait3A_233 = arith.constant 0 : i32
        %dma_wait3A_234 = tpu.memref_slice %arg15[%dma_wait3A_232, %dma_wait3A_233] : memref<10240x64xf32, #tpu.memory_space<vmem_shared>> -> memref<10240x64xf32, #tpu.memory_space<vmem_shared>>
        tpu.wait_indirect_dma semaphore(%run_scoped3A : memref<!tpu.dma_semaphore, #tpu.memory_space<semaphore_mem>>) src(%arg12 : memref<80x64xf32, #tpu.memory_space<vmem>>) dst(%dma_wait3A_234 : memref<10240x64xf32, #tpu.memory_space<vmem_shared>>)
        tpu.yield
      }) : () -> ()
      %dma_wait3A_209 = arith.constant 0 : i32
      %dma_wait3A_210 = arith.constant 0 : i32
      %dma_wait3A_211 = tpu.memref_slice %arg9[%dma_wait3A_209, %dma_wait3A_210] : memref<126x80xi32, #tpu.memory_space<vmem>> -> memref<1x80xi32, #tpu.memory_space<vmem>>
      %dma_wait3A_212 = tpu.memref_squeeze %dma_wait3A_211 : memref<1x80xi32, #tpu.memory_space<vmem>> -> memref<80xi32, #tpu.memory_space<vmem>>
      %dma_wait3A_213 = arith.constant 0 : i32
      %dma_wait3A_214 = arith.constant 0 : i32
      %dma_wait3A_215 = tpu.memref_slice %arg3[%dma_wait3A_213, %dma_wait3A_214] : memref<10240x64xf32, #tpu.memory_space<hbm>> -> memref<10240x64xf32, #tpu.memory_space<hbm>>
      tpu.wait_indirect_dma semaphore(%arg17 : memref<!tpu.dma_semaphore, #tpu.memory_space<semaphore_mem>>) src(%dma_wait3A_215 : memref<10240x64xf32, #tpu.memory_space<hbm>>) dst(%arg13 : memref<80x64xf32, #tpu.memory_space<vmem>>)
      %add3A_216 = arith.constant 2 : i32
      %add3A_217 = arith.addi %mul3A_195, %add3A_216 : i32
      %lt3A = arith.cmpi slt, %add3A_217, %min3A_12 : i32
      %convert_element_type3A_218 = arith.extui %lt3A : i1 to i32
      %cond3A_219 = arith.constant 0 : i32
      %cond3A_220 = arith.cmpi ne, %convert_element_type3A_218, %cond3A_219 : i32
      scf.if %cond3A_220 {
        %add3A_223 = arith.constant 2 : i32
        %add3A_224 = arith.addi %mul3A_195, %add3A_223 : i32
        %dma_start3A_225 = arith.constant 0 : i32
        %dma_start3A_226 = tpu.memref_slice %arg9[%add3A_224, %dma_start3A_225] : memref<126x80xi32, #tpu.memory_space<vmem>> -> memref<1x80xi32, #tpu.memory_space<vmem>>
        %dma_start3A_227 = tpu.memref_squeeze %dma_start3A_226 : memref<1x80xi32, #tpu.memory_space<vmem>> -> memref<80xi32, #tpu.memory_space<vmem>>
        %dma_start3A_228 = arith.constant 0 : i32
        %dma_start3A_229 = arith.constant 0 : i32
        %dma_start3A_230 = tpu.memref_slice %arg3[%dma_start3A_228, %dma_start3A_229] : memref<10240x64xf32, #tpu.memory_space<hbm>> -> memref<10240x64xf32, #tpu.memory_space<hbm>>
        tpu.enqueue_indirect_dma source(%dma_start3A_230 : memref<10240x64xf32, #tpu.memory_space<hbm>>) target(%arg12 : memref<80x64xf32, #tpu.memory_space<vmem>>) offsets(%dma_start3A_227 : memref<80xi32, #tpu.memory_space<vmem>>) semaphore(%arg16 : memref<!tpu.dma_semaphore, #tpu.memory_space<semaphore_mem>>)
      } else {
      }
      %add3A_221 = arith.constant 1 : i32
      %add3A_222 = arith.addi %mul3A_195, %add3A_221 : i32
      "tpu.region"() ({
        %run_scoped3A = tpu.sem_alloc : memref<!tpu.dma_semaphore, #tpu.memory_space<semaphore_mem>>
        %dma_start3A_223 = arith.constant 0 : i32
        %dma_start3A_224 = tpu.memref_slice %arg10[%add3A_222, %dma_start3A_223] : memref<126x80xi32, #tpu.memory_space<vmem>> -> memref<1x80xi32, #tpu.memory_space<vmem>>
        %dma_start3A_225 = tpu.memref_squeeze %dma_start3A_224 : memref<1x80xi32, #tpu.memory_space<vmem>> -> memref<80xi32, #tpu.memory_space<vmem>>
        %dma_start3A_226 = arith.constant 0 : i32
        %dma_start3A_227 = arith.constant 0 : i32
        %dma_start3A_228 = tpu.memref_slice %arg15[%dma_start3A_226, %dma_start3A_227] : memref<10240x64xf32, #tpu.memory_space<vmem_shared>> -> memref<10240x64xf32, #tpu.memory_space<vmem_shared>>
        tpu.enqueue_indirect_dma source(%arg13 : memref<80x64xf32, #tpu.memory_space<vmem>>) target(%dma_start3A_228 : memref<10240x64xf32, #tpu.memory_space<vmem_shared>>) offsets(%dma_start3A_225 : memref<80xi32, #tpu.memory_space<vmem>>) semaphore(%run_scoped3A : memref<!tpu.dma_semaphore, #tpu.memory_space<semaphore_mem>>) {add = true}
        %dma_wait3A_229 = arith.constant 0 : i32
        %dma_wait3A_230 = tpu.memref_slice %arg10[%add3A_222, %dma_wait3A_229] : memref<126x80xi32, #tpu.memory_space<vmem>> -> memref<1x80xi32, #tpu.memory_space<vmem>>
        %dma_wait3A_231 = tpu.memref_squeeze %dma_wait3A_230 : memref<1x80xi32, #tpu.memory_space<vmem>> -> memref<80xi32, #tpu.memory_space<vmem>>
        %dma_wait3A_232 = arith.constant 0 : i32
        %dma_wait3A_233 = arith.constant 0 : i32
        %dma_wait3A_234 = tpu.memref_slice %arg15[%dma_wait3A_232, %dma_wait3A_233] : memref<10240x64xf32, #tpu.memory_space<vmem_shared>> -> memref<10240x64xf32, #tpu.memory_space<vmem_shared>>
        tpu.wait_indirect_dma semaphore(%run_scoped3A : memref<!tpu.dma_semaphore, #tpu.memory_space<semaphore_mem>>) src(%arg13 : memref<80x64xf32, #tpu.memory_space<vmem>>) dst(%dma_wait3A_234 : memref<10240x64xf32, #tpu.memory_space<vmem_shared>>)
        tpu.yield
      }) : () -> ()
    }
    %barrier3A_171 = arith.constant 0 : index
    tpu.barrier barrier_id(%barrier3A_171)
    %mul3A_172 = arith.constant 640 : i32
    %mul3A_173 = arith.muli %arg1, %mul3A_172 : i32
    %add3A_174 = arith.constant 0 : i32
    %add3A_175 = arith.addi %mul3A_173, %add3A_174 : i32
    "tpu.region"() ({
      %run_scoped3A = tpu.sem_alloc : memref<!tpu.dma_semaphore, #tpu.memory_space<semaphore_mem>>
      %dma_start3A = arith.constant 0 : i32
      %dma_start3A_193 = tpu.memref_slice %arg15[%add3A_175, %dma_start3A] : memref<10240x64xf32, #tpu.memory_space<vmem_shared>> -> memref<128x64xf32, #tpu.memory_space<vmem_shared>>
      %dma_start3A_194 = arith.constant 0 : i32
      %dma_start3A_195 = tpu.memref_slice %arg15[%add3A_175, %dma_start3A_194] : memref<10240x64xf32, #tpu.memory_space<vmem_shared>> -> memref<128x64xf32, #tpu.memory_space<vmem_shared>>
      tpu.enqueue_dma source(%dma_start3A_195 : memref<128x64xf32, #tpu.memory_space<vmem_shared>>) target(%arg14 : memref<128x64xf32, #tpu.memory_space<vmem>>) target_semaphore(%run_scoped3A : memref<!tpu.dma_semaphore, #tpu.memory_space<semaphore_mem>>)
      %dma_wait3A = arith.constant 0 : i32
      %dma_wait3A_196 = tpu.memref_slice %arg15[%add3A_175, %dma_wait3A] : memref<10240x64xf32, #tpu.memory_space<vmem_shared>> -> memref<128x64xf32, #tpu.memory_space<vmem_shared>>
      %dma_wait3A_197 = arith.constant 0 : i32
      %dma_wait3A_198 = tpu.memref_slice %arg15[%add3A_175, %dma_wait3A_197] : memref<10240x64xf32, #tpu.memory_space<vmem_shared>> -> memref<128x64xf32, #tpu.memory_space<vmem_shared>>
      tpu.wait_dma2 semaphore(%run_scoped3A : memref<!tpu.dma_semaphore, #tpu.memory_space<semaphore_mem>>) src(%dma_wait3A_198 : memref<128x64xf32, #tpu.memory_space<vmem_shared>>) dst(%arg14 : memref<128x64xf32, #tpu.memory_space<vmem>>)
      tpu.yield
    }) : () -> ()
    "tpu.region"() ({
      %run_scoped3A = tpu.sem_alloc : memref<!tpu.dma_semaphore, #tpu.memory_space<semaphore_mem>>
      %dma_start3A = arith.constant 0 : i32
      %dma_start3A_193 = tpu.memref_slice %arg8[%arg0, %add3A_175, %dma_start3A] : memref<2x10240x64xf32, #tpu.memory_space<hbm>> -> memref<1x128x64xf32, #tpu.memory_space<hbm>>
      %dma_start3A_194 = tpu.memref_squeeze %dma_start3A_193 : memref<1x128x64xf32, #tpu.memory_space<hbm>> -> memref<128x64xf32, #tpu.memory_space<hbm>>
      %dma_start3A_195 = arith.constant 0 : i32
      %dma_start3A_196 = tpu.memref_slice %arg8[%arg0, %add3A_175, %dma_start3A_195] : memref<2x10240x64xf32, #tpu.memory_space<hbm>> -> memref<1x128x64xf32, #tpu.memory_space<hbm>>
      %dma_start3A_197 = tpu.memref_squeeze %dma_start3A_196 : memref<1x128x64xf32, #tpu.memory_space<hbm>> -> memref<128x64xf32, #tpu.memory_space<hbm>>
      tpu.enqueue_dma source(%arg14 : memref<128x64xf32, #tpu.memory_space<vmem>>) target(%dma_start3A_197 : memref<128x64xf32, #tpu.memory_space<hbm>>) target_semaphore(%run_scoped3A : memref<!tpu.dma_semaphore, #tpu.memory_space<semaphore_mem>>)
      %dma_wait3A = arith.constant 0 : i32
      %dma_wait3A_198 = tpu.memref_slice %arg8[%arg0, %add3A_175, %dma_wait3A] : memref<2x10240x64xf32, #tpu.memory_space<hbm>> -> memref<1x128x64xf32, #tpu.memory_space<hbm>>
      %dma_wait3A_199 = tpu.memref_squeeze %dma_wait3A_198 : memref<1x128x64xf32, #tpu.memory_space<hbm>> -> memref<128x64xf32, #tpu.memory_space<hbm>>
      %dma_wait3A_200 = arith.constant 0 : i32
      %dma_wait3A_201 = tpu.memref_slice %arg8[%arg0, %add3A_175, %dma_wait3A_200] : memref<2x10240x64xf32, #tpu.memory_space<hbm>> -> memref<1x128x64xf32, #tpu.memory_space<hbm>>
      %dma_wait3A_202 = tpu.memref_squeeze %dma_wait3A_201 : memref<1x128x64xf32, #tpu.memory_space<hbm>> -> memref<128x64xf32, #tpu.memory_space<hbm>>
      tpu.wait_dma2 semaphore(%run_scoped3A : memref<!tpu.dma_semaphore, #tpu.memory_space<semaphore_mem>>) src(%arg14 : memref<128x64xf32, #tpu.memory_space<vmem>>) dst(%dma_wait3A_202 : memref<128x64xf32, #tpu.memory_space<hbm>>)
      tpu.yield
    }) : () -> ()
    %mul3A_176 = arith.constant 640 : i32
    %mul3A_177 = arith.muli %arg1, %mul3A_176 : i32
    %add3A_178 = arith.constant 128 : i32
    %add3A_179 = arith.addi %mul3A_177, %add3A_178 : i32
    "tpu.region"() ({
      %run_scoped3A = tpu.sem_alloc : memref<!tpu.dma_semaphore, #tpu.memory_space<semaphore_mem>>
      %dma_start3A = arith.constant 0 : i32
      %dma_start3A_193 = tpu.memref_slice %arg15[%add3A_179, %dma_start3A] : memref<10240x64xf32, #tpu.memory_space<vmem_shared>> -> memref<128x64xf32, #tpu.memory_space<vmem_shared>>
      %dma_start3A_194 = arith.constant 0 : i32
      %dma_start3A_195 = tpu.memref_slice %arg15[%add3A_179, %dma_start3A_194] : memref<10240x64xf32, #tpu.memory_space<vmem_shared>> -> memref<128x64xf32, #tpu.memory_space<vmem_shared>>
      tpu.enqueue_dma source(%dma_start3A_195 : memref<128x64xf32, #tpu.memory_space<vmem_shared>>) target(%arg14 : memref<128x64xf32, #tpu.memory_space<vmem>>) target_semaphore(%run_scoped3A : memref<!tpu.dma_semaphore, #tpu.memory_space<semaphore_mem>>)
      %dma_wait3A = arith.constant 0 : i32
      %dma_wait3A_196 = tpu.memref_slice %arg15[%add3A_179, %dma_wait3A] : memref<10240x64xf32, #tpu.memory_space<vmem_shared>> -> memref<128x64xf32, #tpu.memory_space<vmem_shared>>
      %dma_wait3A_197 = arith.constant 0 : i32
      %dma_wait3A_198 = tpu.memref_slice %arg15[%add3A_179, %dma_wait3A_197] : memref<10240x64xf32, #tpu.memory_space<vmem_shared>> -> memref<128x64xf32, #tpu.memory_space<vmem_shared>>
      tpu.wait_dma2 semaphore(%run_scoped3A : memref<!tpu.dma_semaphore, #tpu.memory_space<semaphore_mem>>) src(%dma_wait3A_198 : memref<128x64xf32, #tpu.memory_space<vmem_shared>>) dst(%arg14 : memref<128x64xf32, #tpu.memory_space<vmem>>)
      tpu.yield
    }) : () -> ()
    "tpu.region"() ({
      %run_scoped3A = tpu.sem_alloc : memref<!tpu.dma_semaphore, #tpu.memory_space<semaphore_mem>>
      %dma_start3A = arith.constant 0 : i32
      %dma_start3A_193 = tpu.memref_slice %arg8[%arg0, %add3A_179, %dma_start3A] : memref<2x10240x64xf32, #tpu.memory_space<hbm>> -> memref<1x128x64xf32, #tpu.memory_space<hbm>>
      %dma_start3A_194 = tpu.memref_squeeze %dma_start3A_193 : memref<1x128x64xf32, #tpu.memory_space<hbm>> -> memref<128x64xf32, #tpu.memory_space<hbm>>
      %dma_start3A_195 = arith.constant 0 : i32
      %dma_start3A_196 = tpu.memref_slice %arg8[%arg0, %add3A_179, %dma_start3A_195] : memref<2x10240x64xf32, #tpu.memory_space<hbm>> -> memref<1x128x64xf32, #tpu.memory_space<hbm>>
      %dma_start3A_197 = tpu.memref_squeeze %dma_start3A_196 : memref<1x128x64xf32, #tpu.memory_space<hbm>> -> memref<128x64xf32, #tpu.memory_space<hbm>>
      tpu.enqueue_dma source(%arg14 : memref<128x64xf32, #tpu.memory_space<vmem>>) target(%dma_start3A_197 : memref<128x64xf32, #tpu.memory_space<hbm>>) target_semaphore(%run_scoped3A : memref<!tpu.dma_semaphore, #tpu.memory_space<semaphore_mem>>)
      %dma_wait3A = arith.constant 0 : i32
      %dma_wait3A_198 = tpu.memref_slice %arg8[%arg0, %add3A_179, %dma_wait3A] : memref<2x10240x64xf32, #tpu.memory_space<hbm>> -> memref<1x128x64xf32, #tpu.memory_space<hbm>>
      %dma_wait3A_199 = tpu.memref_squeeze %dma_wait3A_198 : memref<1x128x64xf32, #tpu.memory_space<hbm>> -> memref<128x64xf32, #tpu.memory_space<hbm>>
      %dma_wait3A_200 = arith.constant 0 : i32
      %dma_wait3A_201 = tpu.memref_slice %arg8[%arg0, %add3A_179, %dma_wait3A_200] : memref<2x10240x64xf32, #tpu.memory_space<hbm>> -> memref<1x128x64xf32, #tpu.memory_space<hbm>>
      %dma_wait3A_202 = tpu.memref_squeeze %dma_wait3A_201 : memref<1x128x64xf32, #tpu.memory_space<hbm>> -> memref<128x64xf32, #tpu.memory_space<hbm>>
      tpu.wait_dma2 semaphore(%run_scoped3A : memref<!tpu.dma_semaphore, #tpu.memory_space<semaphore_mem>>) src(%arg14 : memref<128x64xf32, #tpu.memory_space<vmem>>) dst(%dma_wait3A_202 : memref<128x64xf32, #tpu.memory_space<hbm>>)
      tpu.yield
    }) : () -> ()
    %mul3A_180 = arith.constant 640 : i32
    %mul3A_181 = arith.muli %arg1, %mul3A_180 : i32
    %add3A_182 = arith.constant 256 : i32
    %add3A_183 = arith.addi %mul3A_181, %add3A_182 : i32
    "tpu.region"() ({
      %run_scoped3A = tpu.sem_alloc : memref<!tpu.dma_semaphore, #tpu.memory_space<semaphore_mem>>
      %dma_start3A = arith.constant 0 : i32
      %dma_start3A_193 = tpu.memref_slice %arg15[%add3A_183, %dma_start3A] : memref<10240x64xf32, #tpu.memory_space<vmem_shared>> -> memref<128x64xf32, #tpu.memory_space<vmem_shared>>
      %dma_start3A_194 = arith.constant 0 : i32
      %dma_start3A_195 = tpu.memref_slice %arg15[%add3A_183, %dma_start3A_194] : memref<10240x64xf32, #tpu.memory_space<vmem_shared>> -> memref<128x64xf32, #tpu.memory_space<vmem_shared>>
      tpu.enqueue_dma source(%dma_start3A_195 : memref<128x64xf32, #tpu.memory_space<vmem_shared>>) target(%arg14 : memref<128x64xf32, #tpu.memory_space<vmem>>) target_semaphore(%run_scoped3A : memref<!tpu.dma_semaphore, #tpu.memory_space<semaphore_mem>>)
      %dma_wait3A = arith.constant 0 : i32
      %dma_wait3A_196 = tpu.memref_slice %arg15[%add3A_183, %dma_wait3A] : memref<10240x64xf32, #tpu.memory_space<vmem_shared>> -> memref<128x64xf32, #tpu.memory_space<vmem_shared>>
      %dma_wait3A_197 = arith.constant 0 : i32
      %dma_wait3A_198 = tpu.memref_slice %arg15[%add3A_183, %dma_wait3A_197] : memref<10240x64xf32, #tpu.memory_space<vmem_shared>> -> memref<128x64xf32, #tpu.memory_space<vmem_shared>>
      tpu.wait_dma2 semaphore(%run_scoped3A : memref<!tpu.dma_semaphore, #tpu.memory_space<semaphore_mem>>) src(%dma_wait3A_198 : memref<128x64xf32, #tpu.memory_space<vmem_shared>>) dst(%arg14 : memref<128x64xf32, #tpu.memory_space<vmem>>)
      tpu.yield
    }) : () -> ()
    "tpu.region"() ({
      %run_scoped3A = tpu.sem_alloc : memref<!tpu.dma_semaphore, #tpu.memory_space<semaphore_mem>>
      %dma_start3A = arith.constant 0 : i32
      %dma_start3A_193 = tpu.memref_slice %arg8[%arg0, %add3A_183, %dma_start3A] : memref<2x10240x64xf32, #tpu.memory_space<hbm>> -> memref<1x128x64xf32, #tpu.memory_space<hbm>>
      %dma_start3A_194 = tpu.memref_squeeze %dma_start3A_193 : memref<1x128x64xf32, #tpu.memory_space<hbm>> -> memref<128x64xf32, #tpu.memory_space<hbm>>
      %dma_start3A_195 = arith.constant 0 : i32
      %dma_start3A_196 = tpu.memref_slice %arg8[%arg0, %add3A_183, %dma_start3A_195] : memref<2x10240x64xf32, #tpu.memory_space<hbm>> -> memref<1x128x64xf32, #tpu.memory_space<hbm>>
      %dma_start3A_197 = tpu.memref_squeeze %dma_start3A_196 : memref<1x128x64xf32, #tpu.memory_space<hbm>> -> memref<128x64xf32, #tpu.memory_space<hbm>>
      tpu.enqueue_dma source(%arg14 : memref<128x64xf32, #tpu.memory_space<vmem>>) target(%dma_start3A_197 : memref<128x64xf32, #tpu.memory_space<hbm>>) target_semaphore(%run_scoped3A : memref<!tpu.dma_semaphore, #tpu.memory_space<semaphore_mem>>)
      %dma_wait3A = arith.constant 0 : i32
      %dma_wait3A_198 = tpu.memref_slice %arg8[%arg0, %add3A_183, %dma_wait3A] : memref<2x10240x64xf32, #tpu.memory_space<hbm>> -> memref<1x128x64xf32, #tpu.memory_space<hbm>>
      %dma_wait3A_199 = tpu.memref_squeeze %dma_wait3A_198 : memref<1x128x64xf32, #tpu.memory_space<hbm>> -> memref<128x64xf32, #tpu.memory_space<hbm>>
      %dma_wait3A_200 = arith.constant 0 : i32
      %dma_wait3A_201 = tpu.memref_slice %arg8[%arg0, %add3A_183, %dma_wait3A_200] : memref<2x10240x64xf32, #tpu.memory_space<hbm>> -> memref<1x128x64xf32, #tpu.memory_space<hbm>>
      %dma_wait3A_202 = tpu.memref_squeeze %dma_wait3A_201 : memref<1x128x64xf32, #tpu.memory_space<hbm>> -> memref<128x64xf32, #tpu.memory_space<hbm>>
      tpu.wait_dma2 semaphore(%run_scoped3A : memref<!tpu.dma_semaphore, #tpu.memory_space<semaphore_mem>>) src(%arg14 : memref<128x64xf32, #tpu.memory_space<vmem>>) dst(%dma_wait3A_202 : memref<128x64xf32, #tpu.memory_space<hbm>>)
      tpu.yield
    }) : () -> ()
    %mul3A_184 = arith.constant 640 : i32
    %mul3A_185 = arith.muli %arg1, %mul3A_184 : i32
    %add3A_186 = arith.constant 384 : i32
    %add3A_187 = arith.addi %mul3A_185, %add3A_186 : i32
    "tpu.region"() ({
      %run_scoped3A = tpu.sem_alloc : memref<!tpu.dma_semaphore, #tpu.memory_space<semaphore_mem>>
      %dma_start3A = arith.constant 0 : i32
      %dma_start3A_193 = tpu.memref_slice %arg15[%add3A_187, %dma_start3A] : memref<10240x64xf32, #tpu.memory_space<vmem_shared>> -> memref<128x64xf32, #tpu.memory_space<vmem_shared>>
      %dma_start3A_194 = arith.constant 0 : i32
      %dma_start3A_195 = tpu.memref_slice %arg15[%add3A_187, %dma_start3A_194] : memref<10240x64xf32, #tpu.memory_space<vmem_shared>> -> memref<128x64xf32, #tpu.memory_space<vmem_shared>>
      tpu.enqueue_dma source(%dma_start3A_195 : memref<128x64xf32, #tpu.memory_space<vmem_shared>>) target(%arg14 : memref<128x64xf32, #tpu.memory_space<vmem>>) target_semaphore(%run_scoped3A : memref<!tpu.dma_semaphore, #tpu.memory_space<semaphore_mem>>)
      %dma_wait3A = arith.constant 0 : i32
      %dma_wait3A_196 = tpu.memref_slice %arg15[%add3A_187, %dma_wait3A] : memref<10240x64xf32, #tpu.memory_space<vmem_shared>> -> memref<128x64xf32, #tpu.memory_space<vmem_shared>>
      %dma_wait3A_197 = arith.constant 0 : i32
      %dma_wait3A_198 = tpu.memref_slice %arg15[%add3A_187, %dma_wait3A_197] : memref<10240x64xf32, #tpu.memory_space<vmem_shared>> -> memref<128x64xf32, #tpu.memory_space<vmem_shared>>
      tpu.wait_dma2 semaphore(%run_scoped3A : memref<!tpu.dma_semaphore, #tpu.memory_space<semaphore_mem>>) src(%dma_wait3A_198 : memref<128x64xf32, #tpu.memory_space<vmem_shared>>) dst(%arg14 : memref<128x64xf32, #tpu.memory_space<vmem>>)
      tpu.yield
    }) : () -> ()
    "tpu.region"() ({
      %run_scoped3A = tpu.sem_alloc : memref<!tpu.dma_semaphore, #tpu.memory_space<semaphore_mem>>
      %dma_start3A = arith.constant 0 : i32
      %dma_start3A_193 = tpu.memref_slice %arg8[%arg0, %add3A_187, %dma_start3A] : memref<2x10240x64xf32, #tpu.memory_space<hbm>> -> memref<1x128x64xf32, #tpu.memory_space<hbm>>
      %dma_start3A_194 = tpu.memref_squeeze %dma_start3A_193 : memref<1x128x64xf32, #tpu.memory_space<hbm>> -> memref<128x64xf32, #tpu.memory_space<hbm>>
      %dma_start3A_195 = arith.constant 0 : i32
      %dma_start3A_196 = tpu.memref_slice %arg8[%arg0, %add3A_187, %dma_start3A_195] : memref<2x10240x64xf32, #tpu.memory_space<hbm>> -> memref<1x128x64xf32, #tpu.memory_space<hbm>>
      %dma_start3A_197 = tpu.memref_squeeze %dma_start3A_196 : memref<1x128x64xf32, #tpu.memory_space<hbm>> -> memref<128x64xf32, #tpu.memory_space<hbm>>
      tpu.enqueue_dma source(%arg14 : memref<128x64xf32, #tpu.memory_space<vmem>>) target(%dma_start3A_197 : memref<128x64xf32, #tpu.memory_space<hbm>>) target_semaphore(%run_scoped3A : memref<!tpu.dma_semaphore, #tpu.memory_space<semaphore_mem>>)
      %dma_wait3A = arith.constant 0 : i32
      %dma_wait3A_198 = tpu.memref_slice %arg8[%arg0, %add3A_187, %dma_wait3A] : memref<2x10240x64xf32, #tpu.memory_space<hbm>> -> memref<1x128x64xf32, #tpu.memory_space<hbm>>
      %dma_wait3A_199 = tpu.memref_squeeze %dma_wait3A_198 : memref<1x128x64xf32, #tpu.memory_space<hbm>> -> memref<128x64xf32, #tpu.memory_space<hbm>>
      %dma_wait3A_200 = arith.constant 0 : i32
      %dma_wait3A_201 = tpu.memref_slice %arg8[%arg0, %add3A_187, %dma_wait3A_200] : memref<2x10240x64xf32, #tpu.memory_space<hbm>> -> memref<1x128x64xf32, #tpu.memory_space<hbm>>
      %dma_wait3A_202 = tpu.memref_squeeze %dma_wait3A_201 : memref<1x128x64xf32, #tpu.memory_space<hbm>> -> memref<128x64xf32, #tpu.memory_space<hbm>>
      tpu.wait_dma2 semaphore(%run_scoped3A : memref<!tpu.dma_semaphore, #tpu.memory_space<semaphore_mem>>) src(%arg14 : memref<128x64xf32, #tpu.memory_space<vmem>>) dst(%dma_wait3A_202 : memref<128x64xf32, #tpu.memory_space<hbm>>)
      tpu.yield
    }) : () -> ()
    %mul3A_188 = arith.constant 640 : i32
    %mul3A_189 = arith.muli %arg1, %mul3A_188 : i32
    %add3A_190 = arith.constant 512 : i32
    %add3A_191 = arith.addi %mul3A_189, %add3A_190 : i32
    "tpu.region"() ({
      %run_scoped3A = tpu.sem_alloc : memref<!tpu.dma_semaphore, #tpu.memory_space<semaphore_mem>>
      %dma_start3A = arith.constant 0 : i32
      %dma_start3A_193 = tpu.memref_slice %arg15[%add3A_191, %dma_start3A] : memref<10240x64xf32, #tpu.memory_space<vmem_shared>> -> memref<128x64xf32, #tpu.memory_space<vmem_shared>>
      %dma_start3A_194 = arith.constant 0 : i32
      %dma_start3A_195 = tpu.memref_slice %arg15[%add3A_191, %dma_start3A_194] : memref<10240x64xf32, #tpu.memory_space<vmem_shared>> -> memref<128x64xf32, #tpu.memory_space<vmem_shared>>
      tpu.enqueue_dma source(%dma_start3A_195 : memref<128x64xf32, #tpu.memory_space<vmem_shared>>) target(%arg14 : memref<128x64xf32, #tpu.memory_space<vmem>>) target_semaphore(%run_scoped3A : memref<!tpu.dma_semaphore, #tpu.memory_space<semaphore_mem>>)
      %dma_wait3A = arith.constant 0 : i32
      %dma_wait3A_196 = tpu.memref_slice %arg15[%add3A_191, %dma_wait3A] : memref<10240x64xf32, #tpu.memory_space<vmem_shared>> -> memref<128x64xf32, #tpu.memory_space<vmem_shared>>
      %dma_wait3A_197 = arith.constant 0 : i32
      %dma_wait3A_198 = tpu.memref_slice %arg15[%add3A_191, %dma_wait3A_197] : memref<10240x64xf32, #tpu.memory_space<vmem_shared>> -> memref<128x64xf32, #tpu.memory_space<vmem_shared>>
      tpu.wait_dma2 semaphore(%run_scoped3A : memref<!tpu.dma_semaphore, #tpu.memory_space<semaphore_mem>>) src(%dma_wait3A_198 : memref<128x64xf32, #tpu.memory_space<vmem_shared>>) dst(%arg14 : memref<128x64xf32, #tpu.memory_space<vmem>>)
      tpu.yield
    }) : () -> ()
    "tpu.region"() ({
      %run_scoped3A = tpu.sem_alloc : memref<!tpu.dma_semaphore, #tpu.memory_space<semaphore_mem>>
      %dma_start3A = arith.constant 0 : i32
      %dma_start3A_193 = tpu.memref_slice %arg8[%arg0, %add3A_191, %dma_start3A] : memref<2x10240x64xf32, #tpu.memory_space<hbm>> -> memref<1x128x64xf32, #tpu.memory_space<hbm>>
      %dma_start3A_194 = tpu.memref_squeeze %dma_start3A_193 : memref<1x128x64xf32, #tpu.memory_space<hbm>> -> memref<128x64xf32, #tpu.memory_space<hbm>>
      %dma_start3A_195 = arith.constant 0 : i32
      %dma_start3A_196 = tpu.memref_slice %arg8[%arg0, %add3A_191, %dma_start3A_195] : memref<2x10240x64xf32, #tpu.memory_space<hbm>> -> memref<1x128x64xf32, #tpu.memory_space<hbm>>
      %dma_start3A_197 = tpu.memref_squeeze %dma_start3A_196 : memref<1x128x64xf32, #tpu.memory_space<hbm>> -> memref<128x64xf32, #tpu.memory_space<hbm>>
      tpu.enqueue_dma source(%arg14 : memref<128x64xf32, #tpu.memory_space<vmem>>) target(%dma_start3A_197 : memref<128x64xf32, #tpu.memory_space<hbm>>) target_semaphore(%run_scoped3A : memref<!tpu.dma_semaphore, #tpu.memory_space<semaphore_mem>>)
      %dma_wait3A = arith.constant 0 : i32
      %dma_wait3A_198 = tpu.memref_slice %arg8[%arg0, %add3A_191, %dma_wait3A] : memref<2x10240x64xf32, #tpu.memory_space<hbm>> -> memref<1x128x64xf32, #tpu.memory_space<hbm>>
      %dma_wait3A_199 = tpu.memref_squeeze %dma_wait3A_198 : memref<1x128x64xf32, #tpu.memory_space<hbm>> -> memref<128x64xf32, #tpu.memory_space<hbm>>
      %dma_wait3A_200 = arith.constant 0 : i32
      %dma_wait3A_201 = tpu.memref_slice %arg8[%arg0, %add3A_191, %dma_wait3A_200] : memref<2x10240x64xf32, #tpu.memory_space<hbm>> -> memref<1x128x64xf32, #tpu.memory_space<hbm>>
      %dma_wait3A_202 = tpu.memref_squeeze %dma_wait3A_201 : memref<1x128x64xf32, #tpu.memory_space<hbm>> -> memref<128x64xf32, #tpu.memory_space<hbm>>
      tpu.wait_dma2 semaphore(%run_scoped3A : memref<!tpu.dma_semaphore, #tpu.memory_space<semaphore_mem>>) src(%arg14 : memref<128x64xf32, #tpu.memory_space<vmem>>) dst(%dma_wait3A_202 : memref<128x64xf32, #tpu.memory_space<hbm>>)
      tpu.yield
    }) : () -> ()
    %barrier3A_192 = arith.constant 0 : index
    tpu.barrier barrier_id(%barrier3A_192)
    return
  }
}

#map = affine_map<(d0, d1) -> (0, 0, 0)>
#map1 = affine_map<(d0, d1) -> (0)>
module attributes {stable_mosaic.version = 14 : i64} {
  func.func @_deg_body(%arg0: i32, %arg1: i32, %arg2: memref<2x16x10000xi32, #tpu.memory_space<hbm>>, %arg3: memref<2x16x10000xi32, #tpu.memory_space<hbm>>, %arg4: memref<10240xi32, #tpu.memory_space<hbm>>, %arg5: memref<32x2x10240xf32, #tpu.memory_space<hbm>>, %arg6: memref<32x2x10080xi32, #tpu.memory_space<hbm>>, %arg7: memref<32x1x16xi32, #tpu.memory_space<hbm>>, %arg8: memref<10000xi32, #tpu.memory_space<vmem>>, %arg9: memref<10000xi32, #tpu.memory_space<vmem>>, %arg10: memref<10240xi32, #tpu.memory_space<vmem>>, %arg11: memref<10240xf32, #tpu.memory_space<vmem>>, %arg12: memref<10240xf32, #tpu.memory_space<vmem>>, %arg13: memref<10080xi32, #tpu.memory_space<vmem>>, %arg14: memref<10080xi32, #tpu.memory_space<vmem>>, %arg15: memref<16xi32, #tpu.memory_space<vmem>>) attributes {dimension_semantics = [#tpu.dimension_semantics<core_parallel>, #tpu.dimension_semantics<subcore_parallel>], iteration_bounds = array<i64: 2, 16>, scalar_prefetch = 0 : i64, scratch_operands = 8 : i64, tpu.core_type = #tpu.core_type<sc_vector_subcore>, window_params = [{transform_indices = #map}, {transform_indices = #map}, {transform_indices = #map1}, {transform_indices = #map}, {transform_indices = #map}, {transform_indices = #map}]} {
    %mul3A = arith.constant 16 : i32
    %mul3A_0 = arith.muli %arg0, %mul3A : i32
    %add3A = arith.addi %mul3A_0, %arg1 : i32
    "tpu.region"() ({
      %run_scoped3A_105 = tpu.sem_alloc : memref<!tpu.dma_semaphore, #tpu.memory_space<semaphore_mem>>
      %dma_start3A = arith.constant 0 : i32
      %dma_start3A_106 = tpu.memref_slice %arg2[%arg0, %arg1, %dma_start3A] : memref<2x16x10000xi32, #tpu.memory_space<hbm>> -> memref<1x1x10000xi32, #tpu.memory_space<hbm>>
      %dma_start3A_107 = tpu.memref_squeeze %dma_start3A_106 : memref<1x1x10000xi32, #tpu.memory_space<hbm>> -> memref<10000xi32, #tpu.memory_space<hbm>>
      %dma_start3A_108 = arith.constant 0 : i32
      %dma_start3A_109 = tpu.memref_slice %arg2[%arg0, %arg1, %dma_start3A_108] : memref<2x16x10000xi32, #tpu.memory_space<hbm>> -> memref<1x1x10000xi32, #tpu.memory_space<hbm>>
      %dma_start3A_110 = tpu.memref_squeeze %dma_start3A_109 : memref<1x1x10000xi32, #tpu.memory_space<hbm>> -> memref<10000xi32, #tpu.memory_space<hbm>>
      tpu.enqueue_dma source(%dma_start3A_110 : memref<10000xi32, #tpu.memory_space<hbm>>) target(%arg8 : memref<10000xi32, #tpu.memory_space<vmem>>) target_semaphore(%run_scoped3A_105 : memref<!tpu.dma_semaphore, #tpu.memory_space<semaphore_mem>>)
      %dma_wait3A = arith.constant 0 : i32
      %dma_wait3A_111 = tpu.memref_slice %arg2[%arg0, %arg1, %dma_wait3A] : memref<2x16x10000xi32, #tpu.memory_space<hbm>> -> memref<1x1x10000xi32, #tpu.memory_space<hbm>>
      %dma_wait3A_112 = tpu.memref_squeeze %dma_wait3A_111 : memref<1x1x10000xi32, #tpu.memory_space<hbm>> -> memref<10000xi32, #tpu.memory_space<hbm>>
      %dma_wait3A_113 = arith.constant 0 : i32
      %dma_wait3A_114 = tpu.memref_slice %arg2[%arg0, %arg1, %dma_wait3A_113] : memref<2x16x10000xi32, #tpu.memory_space<hbm>> -> memref<1x1x10000xi32, #tpu.memory_space<hbm>>
      %dma_wait3A_115 = tpu.memref_squeeze %dma_wait3A_114 : memref<1x1x10000xi32, #tpu.memory_space<hbm>> -> memref<10000xi32, #tpu.memory_space<hbm>>
      tpu.wait_dma2 semaphore(%run_scoped3A_105 : memref<!tpu.dma_semaphore, #tpu.memory_space<semaphore_mem>>) src(%dma_wait3A_115 : memref<10000xi32, #tpu.memory_space<hbm>>) dst(%arg8 : memref<10000xi32, #tpu.memory_space<vmem>>)
      tpu.yield
    }) : () -> ()
    "tpu.region"() ({
      %run_scoped3A_105 = tpu.sem_alloc : memref<!tpu.dma_semaphore, #tpu.memory_space<semaphore_mem>>
      %dma_start3A = arith.constant 0 : i32
      %dma_start3A_106 = tpu.memref_slice %arg3[%arg0, %arg1, %dma_start3A] : memref<2x16x10000xi32, #tpu.memory_space<hbm>> -> memref<1x1x10000xi32, #tpu.memory_space<hbm>>
      %dma_start3A_107 = tpu.memref_squeeze %dma_start3A_106 : memref<1x1x10000xi32, #tpu.memory_space<hbm>> -> memref<10000xi32, #tpu.memory_space<hbm>>
      %dma_start3A_108 = arith.constant 0 : i32
      %dma_start3A_109 = tpu.memref_slice %arg3[%arg0, %arg1, %dma_start3A_108] : memref<2x16x10000xi32, #tpu.memory_space<hbm>> -> memref<1x1x10000xi32, #tpu.memory_space<hbm>>
      %dma_start3A_110 = tpu.memref_squeeze %dma_start3A_109 : memref<1x1x10000xi32, #tpu.memory_space<hbm>> -> memref<10000xi32, #tpu.memory_space<hbm>>
      tpu.enqueue_dma source(%dma_start3A_110 : memref<10000xi32, #tpu.memory_space<hbm>>) target(%arg9 : memref<10000xi32, #tpu.memory_space<vmem>>) target_semaphore(%run_scoped3A_105 : memref<!tpu.dma_semaphore, #tpu.memory_space<semaphore_mem>>)
      %dma_wait3A = arith.constant 0 : i32
      %dma_wait3A_111 = tpu.memref_slice %arg3[%arg0, %arg1, %dma_wait3A] : memref<2x16x10000xi32, #tpu.memory_space<hbm>> -> memref<1x1x10000xi32, #tpu.memory_space<hbm>>
      %dma_wait3A_112 = tpu.memref_squeeze %dma_wait3A_111 : memref<1x1x10000xi32, #tpu.memory_space<hbm>> -> memref<10000xi32, #tpu.memory_space<hbm>>
      %dma_wait3A_113 = arith.constant 0 : i32
      %dma_wait3A_114 = tpu.memref_slice %arg3[%arg0, %arg1, %dma_wait3A_113] : memref<2x16x10000xi32, #tpu.memory_space<hbm>> -> memref<1x1x10000xi32, #tpu.memory_space<hbm>>
      %dma_wait3A_115 = tpu.memref_squeeze %dma_wait3A_114 : memref<1x1x10000xi32, #tpu.memory_space<hbm>> -> memref<10000xi32, #tpu.memory_space<hbm>>
      tpu.wait_dma2 semaphore(%run_scoped3A_105 : memref<!tpu.dma_semaphore, #tpu.memory_space<semaphore_mem>>) src(%dma_wait3A_115 : memref<10000xi32, #tpu.memory_space<hbm>>) dst(%arg9 : memref<10000xi32, #tpu.memory_space<vmem>>)
      tpu.yield
    }) : () -> ()
    "tpu.region"() ({
      %run_scoped3A_105 = tpu.sem_alloc : memref<!tpu.dma_semaphore, #tpu.memory_space<semaphore_mem>>
      tpu.enqueue_dma source(%arg4 : memref<10240xi32, #tpu.memory_space<hbm>>) target(%arg10 : memref<10240xi32, #tpu.memory_space<vmem>>) target_semaphore(%run_scoped3A_105 : memref<!tpu.dma_semaphore, #tpu.memory_space<semaphore_mem>>)
      tpu.wait_dma2 semaphore(%run_scoped3A_105 : memref<!tpu.dma_semaphore, #tpu.memory_space<semaphore_mem>>) src(%arg4 : memref<10240xi32, #tpu.memory_space<hbm>>) dst(%arg10 : memref<10240xi32, #tpu.memory_space<vmem>>)
      tpu.yield
    }) : () -> ()
    %broadcast_in_dim3A = arith.constant 0.000000e+00 : f32
    %broadcast_in_dim3A_1 = vector.broadcast %broadcast_in_dim3A : f32 to vector<16xf32>
    %iota3A = tpu.iota {dimensions = array<i32: 0>} : vector<16xi32>
    %scan3A = arith.constant 0 : i32
    %scan3A_2 = arith.constant 640 : i32
    %scan3A_3 = arith.addi %scan3A, %scan3A_2 : i32
    %scan3A_4 = arith.constant 1 : i32
    scf.for %scan3A_105 = %scan3A to %scan3A_3 step %scan3A_4  : i32 {
      %mul3A_106 = arith.constant 16 : i32
      %mul3A_107 = arith.muli %scan3A_105, %mul3A_106 : i32
      %swap3A_108 = arith.index_cast %mul3A_107 : i32 to index
      %swap3A_109 = tpu.vector_load %arg11[%swap3A_108] {strides = array<i32>} : memref<10240xf32, #tpu.memory_space<vmem>>, vector<16xf32>,
      tpu.vector_store %arg11[%swap3A_108], %broadcast_in_dim3A_1 {strides = array<i32>} : memref<10240xf32, #tpu.memory_space<vmem>>, vector<16xf32>,
      %mul3A_110 = arith.constant 16 : i32
      %mul3A_111 = arith.muli %scan3A_105, %mul3A_110 : i32
      %swap3A_112 = arith.index_cast %mul3A_111 : i32 to index
      %swap3A_113 = tpu.vector_load %arg12[%swap3A_112] {strides = array<i32>} : memref<10240xf32, #tpu.memory_space<vmem>>, vector<16xf32>,
      tpu.vector_store %arg12[%swap3A_112], %broadcast_in_dim3A_1 {strides = array<i32>} : memref<10240xf32, #tpu.memory_space<vmem>>, vector<16xf32>,
    }
    %scan3A_5 = arith.constant 640 : i32
    %scan3A_6 = arith.constant 0 : i32
    %scan3A_7 = arith.constant 630 : i32
    %scan3A_8 = arith.addi %scan3A_6, %scan3A_7 : i32
    %scan3A_9 = arith.constant 1 : i32
    scf.for %scan3A_105 = %scan3A_6 to %scan3A_8 step %scan3A_9  : i32 {
      %mul3A_106 = arith.constant 16 : i32
      %mul3A_107 = arith.muli %scan3A_105, %mul3A_106 : i32
      %mul3A_108 = arith.constant 613 : i32
      %mul3A_109 = arith.muli %add3A, %mul3A_108 : i32
      %add3A_110 = arith.addi %mul3A_109, %mul3A_107 : i32
      %jit3A_111 = arith.constant 9984 : i32
      %eq3A = arith.constant 0 : i32
      %eq3A_112 = arith.cmpi eq, %jit3A_111, %eq3A : i32
      %jit3A_113 = arith.constant 1 : i32
      %select_n3A_114 = arith.select %eq3A_112, %jit3A_113, %jit3A_111 : i32
      %rem3A_115 = arith.remsi %add3A_110, %select_n3A_114 : i32
      %ne3A_116 = arith.constant 0 : i32
      %ne3A_117 = arith.cmpi ne, %rem3A_115, %ne3A_116 : i32
      %lt3A = arith.constant 0 : i32
      %lt3A_118 = arith.cmpi slt, %rem3A_115, %lt3A : i32
      %lt3A_119 = arith.constant 0 : i32
      %lt3A_120 = arith.cmpi slt, %select_n3A_114, %lt3A_119 : i32
      %ne3A_121 = arith.xori %lt3A_118, %lt3A_120 : i1
      %and3A_122 = arith.andi %ne3A_121, %ne3A_117 : i1
      %add3A_123 = arith.addi %rem3A_115, %select_n3A_114 : i32
      %select_n3A_124 = arith.select %and3A_122, %add3A_123, %rem3A_115 : i32
      %add3A_125 = vector.broadcast %select_n3A_124 : i32 to vector<16xi32>
      %add3A_126 = arith.addi %add3A_125, %iota3A : vector<16xi32>
      %swap3A_127 = arith.index_cast %mul3A_107 : i32 to index
      %swap3A_128 = tpu.vector_load %arg13[%swap3A_127] {strides = array<i32>} : memref<10080xi32, #tpu.memory_space<vmem>>, vector<16xi32>,
      tpu.vector_store %arg13[%swap3A_127], %add3A_126 {strides = array<i32>} : memref<10080xi32, #tpu.memory_space<vmem>>, vector<16xi32>,
      %add3A_129 = arith.addi %mul3A_107, %add3A : i32
      %jit3A_130 = arith.constant 224 : i32
      %eq3A_131 = arith.constant 0 : i32
      %eq3A_132 = arith.cmpi eq, %jit3A_130, %eq3A_131 : i32
      %jit3A_133 = arith.constant 1 : i32
      %select_n3A_134 = arith.select %eq3A_132, %jit3A_133, %jit3A_130 : i32
      %rem3A_135 = arith.remsi %add3A_129, %select_n3A_134 : i32
      %ne3A_136 = arith.constant 0 : i32
      %ne3A_137 = arith.cmpi ne, %rem3A_135, %ne3A_136 : i32
      %lt3A_138 = arith.constant 0 : i32
      %lt3A_139 = arith.cmpi slt, %rem3A_135, %lt3A_138 : i32
      %lt3A_140 = arith.constant 0 : i32
      %lt3A_141 = arith.cmpi slt, %select_n3A_134, %lt3A_140 : i32
      %ne3A_142 = arith.xori %lt3A_139, %lt3A_141 : i1
      %and3A_143 = arith.andi %ne3A_142, %ne3A_137 : i1
      %add3A_144 = arith.addi %rem3A_135, %select_n3A_134 : i32
      %select_n3A_145 = arith.select %and3A_143, %add3A_144, %rem3A_135 : i32
      %add3A_146 = arith.constant 10000 : i32
      %add3A_147 = arith.addi %add3A_146, %select_n3A_145 : i32
      %add3A_148 = vector.broadcast %add3A_147 : i32 to vector<16xi32>
      %add3A_149 = arith.addi %add3A_148, %iota3A : vector<16xi32>
      %swap3A_150 = arith.index_cast %mul3A_107 : i32 to index
      %swap3A_151 = tpu.vector_load %arg14[%swap3A_150] {strides = array<i32>} : memref<10080xi32, #tpu.memory_space<vmem>>, vector<16xi32>,
      tpu.vector_store %arg14[%swap3A_150], %add3A_149 {strides = array<i32>} : memref<10080xi32, #tpu.memory_space<vmem>>, vector<16xi32>,
    }
    %scan3A_10 = arith.constant 630 : i32
    %broadcast_in_dim3A_11 = arith.constant 1.000000e+00 : f32
    %broadcast_in_dim3A_12 = vector.broadcast %broadcast_in_dim3A_11 : f32 to vector<16xf32>
    %scan3A_13 = arith.constant 0 : i32
    %scan3A_14 = arith.constant 0 : i32
    %scan3A_15 = arith.constant 625 : i32
    %scan3A_16 = arith.addi %scan3A_14, %scan3A_15 : i32
    %scan3A_17 = arith.constant 1 : i32
    %scan3A_18 = scf.for %scan3A_105 = %scan3A_14 to %scan3A_16 step %scan3A_17 iter_args(%scan3A_106 = %scan3A_13) -> (i32)  : i32 {
      %mul3A_107 = arith.constant 16 : i32
      %mul3A_108 = arith.muli %scan3A_105, %mul3A_107 : i32
      %get3A = arith.index_cast %mul3A_108 : i32 to index
      %get3A_109 = tpu.vector_load %arg8[%get3A] {strides = array<i32>} : memref<10000xi32, #tpu.memory_space<vmem>>, vector<16xi32>,
      %mul3A_110 = arith.constant 16 : i32
      %mul3A_111 = arith.muli %scan3A_105, %mul3A_110 : i32
      %get3A_112 = arith.index_cast %mul3A_111 : i32 to index
      %get3A_113 = tpu.vector_load %arg9[%get3A_112] {strides = array<i32>} : memref<10000xi32, #tpu.memory_space<vmem>>, vector<16xi32>,
      tpu.vector_store_idx %arg11[%get3A_109], %broadcast_in_dim3A_12 {add = true} : memref<10240xf32, #tpu.memory_space<vmem>>[vector<16xi32>], vector<16xf32>,
      tpu.vector_store_idx %arg12[%get3A_113], %broadcast_in_dim3A_12 {add = true} : memref<10240xf32, #tpu.memory_space<vmem>>[vector<16xi32>], vector<16xf32>,
      %gather3A = tpu.vector_load_idx %arg10[%get3A_109] : memref<10240xi32, #tpu.memory_space<vmem>>[vector<16xi32>], vector<16xi32>,
      %gather3A_114 = tpu.vector_load_idx %arg10[%get3A_113] : memref<10240xi32, #tpu.memory_space<vmem>>[vector<16xi32>], vector<16xi32>,
      %and3A_115 = arith.andi %gather3A, %gather3A_114 : vector<16xi32>
      %ne3A_116 = arith.constant 0 : i32
      %ne3A_117 = vector.broadcast %ne3A_116 : i32 to vector<16xi32>
      %ne3A_118 = arith.cmpi ne, %and3A_115, %ne3A_117 : vector<16xi32>
      %swap3A_119 = arith.index_cast %scan3A_106 : i32 to index
      %swap3A_120 = tpu.vector_load %arg13[%swap3A_119] masked %ne3A_118 {strides = array<i32>} : memref<10080xi32, #tpu.memory_space<vmem>>, vector<16xi32>, vector<16xi1>
      tpu.vector_store %arg13[%swap3A_119], %get3A_109 masked %ne3A_118 {strides = array<i32>} : memref<10080xi32, #tpu.memory_space<vmem>>, vector<16xi32>, vector<16xi1>
      %swap3A_121 = arith.index_cast %scan3A_106 : i32 to index
      %swap3A_122 = tpu.vector_load %arg14[%swap3A_121] masked %ne3A_118 {strides = array<i32>} : memref<10080xi32, #tpu.memory_space<vmem>>, vector<16xi32>, vector<16xi1>
      tpu.vector_store %arg14[%swap3A_121], %get3A_113 masked %ne3A_118 {strides = array<i32>} : memref<10080xi32, #tpu.memory_space<vmem>>, vector<16xi32>, vector<16xi1>
      %all_reduce_population_count3A = tpu.all_reduce %ne3A_118 {dim = 0 : i64, kind = #tpu.reduction_kind<sum>} : vector<16xi1> -> vector<16xi32>
      %reduce_max3A = arith.constant true
      %reduce_max3A_123 = vector.broadcast %reduce_max3A : i1 to vector<16xi1>
      %reduce_max3A_124 = arith.constant -2147483648 : i32
      %reduce_max3A_125 = vector.broadcast %reduce_max3A_124 : i32 to vector<16xi32>
      %reduce_max3A_126 = arith.xori %all_reduce_population_count3A, %reduce_max3A_125 : vector<16xi32>
      %reduce_max3A_127 = tpu.scan <max>, %reduce_max3A_126 masked %reduce_max3A_123 : vector<16xi32>, vector<16xi1> -> vector<16xi32>
      %reduce_max3A_128 = arith.xori %reduce_max3A_127, %reduce_max3A_125 : vector<16xi32>
      %reduce_max3A_129 = vector.extract %reduce_max3A_128[15] : i32 from vector<16xi32>
      %add3A_130 = arith.addi %scan3A_106, %reduce_max3A_129 : i32
      scf.yield %add3A_130 : i32
    }
    %scan3A_19 = arith.constant 625 : i32
    %add3A_20 = arith.constant 160 : i32
    %add3A_21 = arith.addi %scan3A_18, %add3A_20 : i32
    %sub3A = arith.constant 1 : i32
    %sub3A_22 = arith.subi %add3A_21, %sub3A : i32
    %jit3A = arith.constant 160 : i32
    %div3A = arith.divsi %sub3A_22, %jit3A : i32
    %sign3A = arith.constant 0 : i32
    %sign3A_23 = arith.cmpi sgt, %sub3A_22, %sign3A : i32
    %sign3A_24 = arith.extui %sign3A_23 : i1 to i32
    %sign3A_25 = arith.constant 0 : i32
    %sign3A_26 = arith.cmpi slt, %sub3A_22, %sign3A_25 : i32
    %sign3A_27 = arith.extui %sign3A_26 : i1 to i32
    %sign3A_28 = arith.subi %sign3A_24, %sign3A_27 : i32
    %sign3A_29 = arith.constant 0 : i32
    %sign3A_30 = arith.cmpi sgt, %jit3A, %sign3A_29 : i32
    %sign3A_31 = arith.extui %sign3A_30 : i1 to i32
    %sign3A_32 = arith.constant 0 : i32
    %sign3A_33 = arith.cmpi slt, %jit3A, %sign3A_32 : i32
    %sign3A_34 = arith.extui %sign3A_33 : i1 to i32
    %sign3A_35 = arith.subi %sign3A_31, %sign3A_34 : i32
    %ne3A = arith.cmpi ne, %sign3A_28, %sign3A_35 : i32
    %rem3A = arith.remsi %sub3A_22, %jit3A : i32
    %ne3A_36 = arith.constant 0 : i32
    %ne3A_37 = arith.cmpi ne, %rem3A, %ne3A_36 : i32
    %and3A = arith.andi %ne3A, %ne3A_37 : i1
    %sub3A_38 = arith.constant 1 : i32
    %sub3A_39 = arith.subi %div3A, %sub3A_38 : i32
    %select_n3A = arith.select %and3A, %sub3A_39, %div3A : i32
    %mul3A_40 = arith.constant 160 : i32
    %mul3A_41 = arith.muli %select_n3A, %mul3A_40 : i32
    %sub3A_42 = arith.subi %mul3A_41, %scan3A_18 : i32
    %jit3A_43 = arith.constant 16 : i32
    %div3A_44 = arith.divsi %sub3A_42, %jit3A_43 : i32
    %sign3A_45 = arith.constant 0 : i32
    %sign3A_46 = arith.cmpi sgt, %sub3A_42, %sign3A_45 : i32
    %sign3A_47 = arith.extui %sign3A_46 : i1 to i32
    %sign3A_48 = arith.constant 0 : i32
    %sign3A_49 = arith.cmpi slt, %sub3A_42, %sign3A_48 : i32
    %sign3A_50 = arith.extui %sign3A_49 : i1 to i32
    %sign3A_51 = arith.subi %sign3A_47, %sign3A_50 : i32
    %sign3A_52 = arith.constant 0 : i32
    %sign3A_53 = arith.cmpi sgt, %jit3A_43, %sign3A_52 : i32
    %sign3A_54 = arith.extui %sign3A_53 : i1 to i32
    %sign3A_55 = arith.constant 0 : i32
    %sign3A_56 = arith.cmpi slt, %jit3A_43, %sign3A_55 : i32
    %sign3A_57 = arith.extui %sign3A_56 : i1 to i32
    %sign3A_58 = arith.subi %sign3A_54, %sign3A_57 : i32
    %ne3A_59 = arith.cmpi ne, %sign3A_51, %sign3A_58 : i32
    %rem3A_60 = arith.remsi %sub3A_42, %jit3A_43 : i32
    %ne3A_61 = arith.constant 0 : i32
    %ne3A_62 = arith.cmpi ne, %rem3A_60, %ne3A_61 : i32
    %and3A_63 = arith.andi %ne3A_59, %ne3A_62 : i1
    %sub3A_64 = arith.constant 1 : i32
    %sub3A_65 = arith.subi %div3A_44, %sub3A_64 : i32
    %select_n3A_66 = arith.select %and3A_63, %sub3A_65, %div3A_44 : i32
    %while3A = arith.constant 0 : i32
    %while3A_67 = arith.subi %select_n3A_66, %while3A : i32
    %while3A_68 = arith.addi %while3A, %while3A_67 : i32
    %while3A_69 = arith.constant 1 : i32
    %while3A_70 = arith.divsi %while3A_67, %while3A_69 : i32
    %while3A_71 = arith.muli %while3A_70, %while3A_69 : i32
    %while3A_72 = arith.addi %while3A, %while3A_71 : i32
    %while3A_73 = arith.constant 1 : i32
    scf.for %while3A_105 = %while3A to %while3A_72 step %while3A_73  : i32 {
      %mul3A_106 = arith.constant 16 : i32
      %mul3A_107 = arith.muli %while3A_105, %mul3A_106 : i32
      %add3A_108 = arith.addi %scan3A_18, %mul3A_107 : i32
      %mul3A_109 = arith.constant 613 : i32
      %mul3A_110 = arith.muli %add3A, %mul3A_109 : i32
      %add3A_111 = arith.addi %mul3A_110, %add3A_108 : i32
      %jit3A_112 = arith.constant 9984 : i32
      %eq3A = arith.constant 0 : i32
      %eq3A_113 = arith.cmpi eq, %jit3A_112, %eq3A : i32
      %jit3A_114 = arith.constant 1 : i32
      %select_n3A_115 = arith.select %eq3A_113, %jit3A_114, %jit3A_112 : i32
      %rem3A_116 = arith.remsi %add3A_111, %select_n3A_115 : i32
      %ne3A_117 = arith.constant 0 : i32
      %ne3A_118 = arith.cmpi ne, %rem3A_116, %ne3A_117 : i32
      %lt3A = arith.constant 0 : i32
      %lt3A_119 = arith.cmpi slt, %rem3A_116, %lt3A : i32
      %lt3A_120 = arith.constant 0 : i32
      %lt3A_121 = arith.cmpi slt, %select_n3A_115, %lt3A_120 : i32
      %ne3A_122 = arith.xori %lt3A_119, %lt3A_121 : i1
      %and3A_123 = arith.andi %ne3A_122, %ne3A_118 : i1
      %add3A_124 = arith.addi %rem3A_116, %select_n3A_115 : i32
      %select_n3A_125 = arith.select %and3A_123, %add3A_124, %rem3A_116 : i32
      %add3A_126 = vector.broadcast %select_n3A_125 : i32 to vector<16xi32>
      %add3A_127 = arith.addi %add3A_126, %iota3A : vector<16xi32>
      %swap3A_128 = arith.index_cast %add3A_108 : i32 to index
      %swap3A_129 = tpu.vector_load %arg13[%swap3A_128] {strides = array<i32>} : memref<10080xi32, #tpu.memory_space<vmem>>, vector<16xi32>,
      tpu.vector_store %arg13[%swap3A_128], %add3A_127 {strides = array<i32>} : memref<10080xi32, #tpu.memory_space<vmem>>, vector<16xi32>,
      %add3A_130 = arith.addi %add3A_108, %add3A : i32
      %jit3A_131 = arith.constant 224 : i32
      %eq3A_132 = arith.constant 0 : i32
      %eq3A_133 = arith.cmpi eq, %jit3A_131, %eq3A_132 : i32
      %jit3A_134 = arith.constant 1 : i32
      %select_n3A_135 = arith.select %eq3A_133, %jit3A_134, %jit3A_131 : i32
      %rem3A_136 = arith.remsi %add3A_130, %select_n3A_135 : i32
      %ne3A_137 = arith.constant 0 : i32
      %ne3A_138 = arith.cmpi ne, %rem3A_136, %ne3A_137 : i32
      %lt3A_139 = arith.constant 0 : i32
      %lt3A_140 = arith.cmpi slt, %rem3A_136, %lt3A_139 : i32
      %lt3A_141 = arith.constant 0 : i32
      %lt3A_142 = arith.cmpi slt, %select_n3A_135, %lt3A_141 : i32
      %ne3A_143 = arith.xori %lt3A_140, %lt3A_142 : i1
      %and3A_144 = arith.andi %ne3A_143, %ne3A_138 : i1
      %add3A_145 = arith.addi %rem3A_136, %select_n3A_135 : i32
      %select_n3A_146 = arith.select %and3A_144, %add3A_145, %rem3A_136 : i32
      %add3A_147 = arith.constant 10000 : i32
      %add3A_148 = arith.addi %add3A_147, %select_n3A_146 : i32
      %add3A_149 = vector.broadcast %add3A_148 : i32 to vector<16xi32>
      %add3A_150 = arith.addi %add3A_149, %iota3A : vector<16xi32>
      %swap3A_151 = arith.index_cast %add3A_108 : i32 to index
      %swap3A_152 = tpu.vector_load %arg14[%swap3A_151] {strides = array<i32>} : memref<10080xi32, #tpu.memory_space<vmem>>, vector<16xi32>,
      tpu.vector_store %arg14[%swap3A_151], %add3A_150 {strides = array<i32>} : memref<10080xi32, #tpu.memory_space<vmem>>, vector<16xi32>,
    }
    %while3A_74 = arith.constant 1 : i32
    scf.for %while3A_105 = %while3A_72 to %while3A_68 step %while3A_74  : i32 {
      %mul3A_106 = arith.constant 16 : i32
      %mul3A_107 = arith.muli %while3A_105, %mul3A_106 : i32
      %add3A_108 = arith.addi %scan3A_18, %mul3A_107 : i32
      %mul3A_109 = arith.constant 613 : i32
      %mul3A_110 = arith.muli %add3A, %mul3A_109 : i32
      %add3A_111 = arith.addi %mul3A_110, %add3A_108 : i32
      %jit3A_112 = arith.constant 9984 : i32
      %eq3A = arith.constant 0 : i32
      %eq3A_113 = arith.cmpi eq, %jit3A_112, %eq3A : i32
      %jit3A_114 = arith.constant 1 : i32
      %select_n3A_115 = arith.select %eq3A_113, %jit3A_114, %jit3A_112 : i32
      %rem3A_116 = arith.remsi %add3A_111, %select_n3A_115 : i32
      %ne3A_117 = arith.constant 0 : i32
      %ne3A_118 = arith.cmpi ne, %rem3A_116, %ne3A_117 : i32
      %lt3A = arith.constant 0 : i32
      %lt3A_119 = arith.cmpi slt, %rem3A_116, %lt3A : i32
      %lt3A_120 = arith.constant 0 : i32
      %lt3A_121 = arith.cmpi slt, %select_n3A_115, %lt3A_120 : i32
      %ne3A_122 = arith.xori %lt3A_119, %lt3A_121 : i1
      %and3A_123 = arith.andi %ne3A_122, %ne3A_118 : i1
      %add3A_124 = arith.addi %rem3A_116, %select_n3A_115 : i32
      %select_n3A_125 = arith.select %and3A_123, %add3A_124, %rem3A_116 : i32
      %add3A_126 = vector.broadcast %select_n3A_125 : i32 to vector<16xi32>
      %add3A_127 = arith.addi %add3A_126, %iota3A : vector<16xi32>
      %swap3A_128 = arith.index_cast %add3A_108 : i32 to index
      %swap3A_129 = tpu.vector_load %arg13[%swap3A_128] {strides = array<i32>} : memref<10080xi32, #tpu.memory_space<vmem>>, vector<16xi32>,
      tpu.vector_store %arg13[%swap3A_128], %add3A_127 {strides = array<i32>} : memref<10080xi32, #tpu.memory_space<vmem>>, vector<16xi32>,
      %add3A_130 = arith.addi %add3A_108, %add3A : i32
      %jit3A_131 = arith.constant 224 : i32
      %eq3A_132 = arith.constant 0 : i32
      %eq3A_133 = arith.cmpi eq, %jit3A_131, %eq3A_132 : i32
      %jit3A_134 = arith.constant 1 : i32
      %select_n3A_135 = arith.select %eq3A_133, %jit3A_134, %jit3A_131 : i32
      %rem3A_136 = arith.remsi %add3A_130, %select_n3A_135 : i32
      %ne3A_137 = arith.constant 0 : i32
      %ne3A_138 = arith.cmpi ne, %rem3A_136, %ne3A_137 : i32
      %lt3A_139 = arith.constant 0 : i32
      %lt3A_140 = arith.cmpi slt, %rem3A_136, %lt3A_139 : i32
      %lt3A_141 = arith.constant 0 : i32
      %lt3A_142 = arith.cmpi slt, %select_n3A_135, %lt3A_141 : i32
      %ne3A_143 = arith.xori %lt3A_140, %lt3A_142 : i1
      %and3A_144 = arith.andi %ne3A_143, %ne3A_138 : i1
      %add3A_145 = arith.addi %rem3A_136, %select_n3A_135 : i32
      %select_n3A_146 = arith.select %and3A_144, %add3A_145, %rem3A_136 : i32
      %add3A_147 = arith.constant 10000 : i32
      %add3A_148 = arith.addi %add3A_147, %select_n3A_146 : i32
      %add3A_149 = vector.broadcast %add3A_148 : i32 to vector<16xi32>
      %add3A_150 = arith.addi %add3A_149, %iota3A : vector<16xi32>
      %swap3A_151 = arith.index_cast %add3A_108 : i32 to index
      %swap3A_152 = tpu.vector_load %arg14[%swap3A_151] {strides = array<i32>} : memref<10080xi32, #tpu.memory_space<vmem>>, vector<16xi32>,
      tpu.vector_store %arg14[%swap3A_151], %add3A_150 {strides = array<i32>} : memref<10080xi32, #tpu.memory_space<vmem>>, vector<16xi32>,
    }
    %jit3A_75 = arith.constant 80 : i32
    %div3A_76 = arith.divsi %mul3A_41, %jit3A_75 : i32
    %sign3A_77 = arith.constant 0 : i32
    %sign3A_78 = arith.cmpi sgt, %mul3A_41, %sign3A_77 : i32
    %sign3A_79 = arith.extui %sign3A_78 : i1 to i32
    %sign3A_80 = arith.constant 0 : i32
    %sign3A_81 = arith.cmpi slt, %mul3A_41, %sign3A_80 : i32
    %sign3A_82 = arith.extui %sign3A_81 : i1 to i32
    %sign3A_83 = arith.subi %sign3A_79, %sign3A_82 : i32
    %sign3A_84 = arith.constant 0 : i32
    %sign3A_85 = arith.cmpi sgt, %jit3A_75, %sign3A_84 : i32
    %sign3A_86 = arith.extui %sign3A_85 : i1 to i32
    %sign3A_87 = arith.constant 0 : i32
    %sign3A_88 = arith.cmpi slt, %jit3A_75, %sign3A_87 : i32
    %sign3A_89 = arith.extui %sign3A_88 : i1 to i32
    %sign3A_90 = arith.subi %sign3A_86, %sign3A_89 : i32
    %ne3A_91 = arith.cmpi ne, %sign3A_83, %sign3A_90 : i32
    %rem3A_92 = arith.remsi %mul3A_41, %jit3A_75 : i32
    %ne3A_93 = arith.constant 0 : i32
    %ne3A_94 = arith.cmpi ne, %rem3A_92, %ne3A_93 : i32
    %and3A_95 = arith.andi %ne3A_91, %ne3A_94 : i1
    %sub3A_96 = arith.constant 1 : i32
    %sub3A_97 = arith.subi %div3A_76, %sub3A_96 : i32
    %select_n3A_98 = arith.select %and3A_95, %sub3A_97, %div3A_76 : i32
    %broadcast_in_dim3A_99 = vector.broadcast %select_n3A_98 : i32 to vector<16xi32>
    %swap3A = arith.constant 0 : index
    %swap3A_100 = tpu.vector_load %arg15[%swap3A] {strides = array<i32>} : memref<16xi32, #tpu.memory_space<vmem>>, vector<16xi32>,
    tpu.vector_store %arg15[%swap3A], %broadcast_in_dim3A_99 {strides = array<i32>} : memref<16xi32, #tpu.memory_space<vmem>>, vector<16xi32>,
    %barrier3A = arith.constant 0 : index
    tpu.barrier barrier_id(%barrier3A)
    %run_scoped3A = arith.constant 0 : i32
    "tpu.region"() ({
      %run_scoped3A_105 = tpu.sem_alloc : memref<!tpu.dma_semaphore, #tpu.memory_space<semaphore_mem>>
      %dma_start3A = arith.constant 0 : i32
      %dma_start3A_106 = tpu.memref_slice %arg5[%add3A, %run_scoped3A, %dma_start3A] : memref<32x2x10240xf32, #tpu.memory_space<hbm>> -> memref<1x1x10240xf32, #tpu.memory_space<hbm>>
      %dma_start3A_107 = tpu.memref_squeeze %dma_start3A_106 : memref<1x1x10240xf32, #tpu.memory_space<hbm>> -> memref<10240xf32, #tpu.memory_space<hbm>>
      %dma_start3A_108 = arith.constant 0 : i32
      %dma_start3A_109 = tpu.memref_slice %arg5[%add3A, %run_scoped3A, %dma_start3A_108] : memref<32x2x10240xf32, #tpu.memory_space<hbm>> -> memref<1x1x10240xf32, #tpu.memory_space<hbm>>
      %dma_start3A_110 = tpu.memref_squeeze %dma_start3A_109 : memref<1x1x10240xf32, #tpu.memory_space<hbm>> -> memref<10240xf32, #tpu.memory_space<hbm>>
      tpu.enqueue_dma source(%arg11 : memref<10240xf32, #tpu.memory_space<vmem>>) target(%dma_start3A_110 : memref<10240xf32, #tpu.memory_space<hbm>>) target_semaphore(%run_scoped3A_105 : memref<!tpu.dma_semaphore, #tpu.memory_space<semaphore_mem>>)
      %dma_wait3A = arith.constant 0 : i32
      %dma_wait3A_111 = tpu.memref_slice %arg5[%add3A, %run_scoped3A, %dma_wait3A] : memref<32x2x10240xf32, #tpu.memory_space<hbm>> -> memref<1x1x10240xf32, #tpu.memory_space<hbm>>
      %dma_wait3A_112 = tpu.memref_squeeze %dma_wait3A_111 : memref<1x1x10240xf32, #tpu.memory_space<hbm>> -> memref<10240xf32, #tpu.memory_space<hbm>>
      %dma_wait3A_113 = arith.constant 0 : i32
      %dma_wait3A_114 = tpu.memref_slice %arg5[%add3A, %run_scoped3A, %dma_wait3A_113] : memref<32x2x10240xf32, #tpu.memory_space<hbm>> -> memref<1x1x10240xf32, #tpu.memory_space<hbm>>
      %dma_wait3A_115 = tpu.memref_squeeze %dma_wait3A_114 : memref<1x1x10240xf32, #tpu.memory_space<hbm>> -> memref<10240xf32, #tpu.memory_space<hbm>>
      tpu.wait_dma2 semaphore(%run_scoped3A_105 : memref<!tpu.dma_semaphore, #tpu.memory_space<semaphore_mem>>) src(%arg11 : memref<10240xf32, #tpu.memory_space<vmem>>) dst(%dma_wait3A_115 : memref<10240xf32, #tpu.memory_space<hbm>>)
      tpu.yield
    }) : () -> ()
    %run_scoped3A_101 = arith.constant 1 : i32
    "tpu.region"() ({
      %run_scoped3A_105 = tpu.sem_alloc : memref<!tpu.dma_semaphore, #tpu.memory_space<semaphore_mem>>
      %dma_start3A = arith.constant 0 : i32
      %dma_start3A_106 = tpu.memref_slice %arg5[%add3A, %run_scoped3A_101, %dma_start3A] : memref<32x2x10240xf32, #tpu.memory_space<hbm>> -> memref<1x1x10240xf32, #tpu.memory_space<hbm>>
      %dma_start3A_107 = tpu.memref_squeeze %dma_start3A_106 : memref<1x1x10240xf32, #tpu.memory_space<hbm>> -> memref<10240xf32, #tpu.memory_space<hbm>>
      %dma_start3A_108 = arith.constant 0 : i32
      %dma_start3A_109 = tpu.memref_slice %arg5[%add3A, %run_scoped3A_101, %dma_start3A_108] : memref<32x2x10240xf32, #tpu.memory_space<hbm>> -> memref<1x1x10240xf32, #tpu.memory_space<hbm>>
      %dma_start3A_110 = tpu.memref_squeeze %dma_start3A_109 : memref<1x1x10240xf32, #tpu.memory_space<hbm>> -> memref<10240xf32, #tpu.memory_space<hbm>>
      tpu.enqueue_dma source(%arg12 : memref<10240xf32, #tpu.memory_space<vmem>>) target(%dma_start3A_110 : memref<10240xf32, #tpu.memory_space<hbm>>) target_semaphore(%run_scoped3A_105 : memref<!tpu.dma_semaphore, #tpu.memory_space<semaphore_mem>>)
      %dma_wait3A = arith.constant 0 : i32
      %dma_wait3A_111 = tpu.memref_slice %arg5[%add3A, %run_scoped3A_101, %dma_wait3A] : memref<32x2x10240xf32, #tpu.memory_space<hbm>> -> memref<1x1x10240xf32, #tpu.memory_space<hbm>>
      %dma_wait3A_112 = tpu.memref_squeeze %dma_wait3A_111 : memref<1x1x10240xf32, #tpu.memory_space<hbm>> -> memref<10240xf32, #tpu.memory_space<hbm>>
      %dma_wait3A_113 = arith.constant 0 : i32
      %dma_wait3A_114 = tpu.memref_slice %arg5[%add3A, %run_scoped3A_101, %dma_wait3A_113] : memref<32x2x10240xf32, #tpu.memory_space<hbm>> -> memref<1x1x10240xf32, #tpu.memory_space<hbm>>
      %dma_wait3A_115 = tpu.memref_squeeze %dma_wait3A_114 : memref<1x1x10240xf32, #tpu.memory_space<hbm>> -> memref<10240xf32, #tpu.memory_space<hbm>>
      tpu.wait_dma2 semaphore(%run_scoped3A_105 : memref<!tpu.dma_semaphore, #tpu.memory_space<semaphore_mem>>) src(%arg12 : memref<10240xf32, #tpu.memory_space<vmem>>) dst(%dma_wait3A_115 : memref<10240xf32, #tpu.memory_space<hbm>>)
      tpu.yield
    }) : () -> ()
    %run_scoped3A_102 = arith.constant 0 : i32
    "tpu.region"() ({
      %run_scoped3A_105 = tpu.sem_alloc : memref<!tpu.dma_semaphore, #tpu.memory_space<semaphore_mem>>
      %dma_start3A = arith.constant 0 : i32
      %dma_start3A_106 = tpu.memref_slice %arg6[%add3A, %run_scoped3A_102, %dma_start3A] : memref<32x2x10080xi32, #tpu.memory_space<hbm>> -> memref<1x1x10080xi32, #tpu.memory_space<hbm>>
      %dma_start3A_107 = tpu.memref_squeeze %dma_start3A_106 : memref<1x1x10080xi32, #tpu.memory_space<hbm>> -> memref<10080xi32, #tpu.memory_space<hbm>>
      %dma_start3A_108 = arith.constant 0 : i32
      %dma_start3A_109 = tpu.memref_slice %arg6[%add3A, %run_scoped3A_102, %dma_start3A_108] : memref<32x2x10080xi32, #tpu.memory_space<hbm>> -> memref<1x1x10080xi32, #tpu.memory_space<hbm>>
      %dma_start3A_110 = tpu.memref_squeeze %dma_start3A_109 : memref<1x1x10080xi32, #tpu.memory_space<hbm>> -> memref<10080xi32, #tpu.memory_space<hbm>>
      tpu.enqueue_dma source(%arg13 : memref<10080xi32, #tpu.memory_space<vmem>>) target(%dma_start3A_110 : memref<10080xi32, #tpu.memory_space<hbm>>) target_semaphore(%run_scoped3A_105 : memref<!tpu.dma_semaphore, #tpu.memory_space<semaphore_mem>>)
      %dma_wait3A = arith.constant 0 : i32
      %dma_wait3A_111 = tpu.memref_slice %arg6[%add3A, %run_scoped3A_102, %dma_wait3A] : memref<32x2x10080xi32, #tpu.memory_space<hbm>> -> memref<1x1x10080xi32, #tpu.memory_space<hbm>>
      %dma_wait3A_112 = tpu.memref_squeeze %dma_wait3A_111 : memref<1x1x10080xi32, #tpu.memory_space<hbm>> -> memref<10080xi32, #tpu.memory_space<hbm>>
      %dma_wait3A_113 = arith.constant 0 : i32
      %dma_wait3A_114 = tpu.memref_slice %arg6[%add3A, %run_scoped3A_102, %dma_wait3A_113] : memref<32x2x10080xi32, #tpu.memory_space<hbm>> -> memref<1x1x10080xi32, #tpu.memory_space<hbm>>
      %dma_wait3A_115 = tpu.memref_squeeze %dma_wait3A_114 : memref<1x1x10080xi32, #tpu.memory_space<hbm>> -> memref<10080xi32, #tpu.memory_space<hbm>>
      tpu.wait_dma2 semaphore(%run_scoped3A_105 : memref<!tpu.dma_semaphore, #tpu.memory_space<semaphore_mem>>) src(%arg13 : memref<10080xi32, #tpu.memory_space<vmem>>) dst(%dma_wait3A_115 : memref<10080xi32, #tpu.memory_space<hbm>>)
      tpu.yield
    }) : () -> ()
    %run_scoped3A_103 = arith.constant 1 : i32
    "tpu.region"() ({
      %run_scoped3A_105 = tpu.sem_alloc : memref<!tpu.dma_semaphore, #tpu.memory_space<semaphore_mem>>
      %dma_start3A = arith.constant 0 : i32
      %dma_start3A_106 = tpu.memref_slice %arg6[%add3A, %run_scoped3A_103, %dma_start3A] : memref<32x2x10080xi32, #tpu.memory_space<hbm>> -> memref<1x1x10080xi32, #tpu.memory_space<hbm>>
      %dma_start3A_107 = tpu.memref_squeeze %dma_start3A_106 : memref<1x1x10080xi32, #tpu.memory_space<hbm>> -> memref<10080xi32, #tpu.memory_space<hbm>>
      %dma_start3A_108 = arith.constant 0 : i32
      %dma_start3A_109 = tpu.memref_slice %arg6[%add3A, %run_scoped3A_103, %dma_start3A_108] : memref<32x2x10080xi32, #tpu.memory_space<hbm>> -> memref<1x1x10080xi32, #tpu.memory_space<hbm>>
      %dma_start3A_110 = tpu.memref_squeeze %dma_start3A_109 : memref<1x1x10080xi32, #tpu.memory_space<hbm>> -> memref<10080xi32, #tpu.memory_space<hbm>>
      tpu.enqueue_dma source(%arg14 : memref<10080xi32, #tpu.memory_space<vmem>>) target(%dma_start3A_110 : memref<10080xi32, #tpu.memory_space<hbm>>) target_semaphore(%run_scoped3A_105 : memref<!tpu.dma_semaphore, #tpu.memory_space<semaphore_mem>>)
      %dma_wait3A = arith.constant 0 : i32
      %dma_wait3A_111 = tpu.memref_slice %arg6[%add3A, %run_scoped3A_103, %dma_wait3A] : memref<32x2x10080xi32, #tpu.memory_space<hbm>> -> memref<1x1x10080xi32, #tpu.memory_space<hbm>>
      %dma_wait3A_112 = tpu.memref_squeeze %dma_wait3A_111 : memref<1x1x10080xi32, #tpu.memory_space<hbm>> -> memref<10080xi32, #tpu.memory_space<hbm>>
      %dma_wait3A_113 = arith.constant 0 : i32
      %dma_wait3A_114 = tpu.memref_slice %arg6[%add3A, %run_scoped3A_103, %dma_wait3A_113] : memref<32x2x10080xi32, #tpu.memory_space<hbm>> -> memref<1x1x10080xi32, #tpu.memory_space<hbm>>
      %dma_wait3A_115 = tpu.memref_squeeze %dma_wait3A_114 : memref<1x1x10080xi32, #tpu.memory_space<hbm>> -> memref<10080xi32, #tpu.memory_space<hbm>>
      tpu.wait_dma2 semaphore(%run_scoped3A_105 : memref<!tpu.dma_semaphore, #tpu.memory_space<semaphore_mem>>) src(%arg14 : memref<10080xi32, #tpu.memory_space<vmem>>) dst(%dma_wait3A_115 : memref<10080xi32, #tpu.memory_space<hbm>>)
      tpu.yield
    }) : () -> ()
    %run_scoped3A_104 = arith.constant 0 : i32
    "tpu.region"() ({
      %run_scoped3A_105 = tpu.sem_alloc : memref<!tpu.dma_semaphore, #tpu.memory_space<semaphore_mem>>
      %dma_start3A = arith.constant 0 : i32
      %dma_start3A_106 = tpu.memref_slice %arg7[%add3A, %run_scoped3A_104, %dma_start3A] : memref<32x1x16xi32, #tpu.memory_space<hbm>> -> memref<1x1x16xi32, #tpu.memory_space<hbm>>
      %dma_start3A_107 = tpu.memref_squeeze %dma_start3A_106 : memref<1x1x16xi32, #tpu.memory_space<hbm>> -> memref<16xi32, #tpu.memory_space<hbm>>
      %dma_start3A_108 = arith.constant 0 : i32
      %dma_start3A_109 = tpu.memref_slice %arg7[%add3A, %run_scoped3A_104, %dma_start3A_108] : memref<32x1x16xi32, #tpu.memory_space<hbm>> -> memref<1x1x16xi32, #tpu.memory_space<hbm>>
      %dma_start3A_110 = tpu.memref_squeeze %dma_start3A_109 : memref<1x1x16xi32, #tpu.memory_space<hbm>> -> memref<16xi32, #tpu.memory_space<hbm>>
      tpu.enqueue_dma source(%arg15 : memref<16xi32, #tpu.memory_space<vmem>>) target(%dma_start3A_110 : memref<16xi32, #tpu.memory_space<hbm>>) target_semaphore(%run_scoped3A_105 : memref<!tpu.dma_semaphore, #tpu.memory_space<semaphore_mem>>)
      %dma_wait3A = arith.constant 0 : i32
      %dma_wait3A_111 = tpu.memref_slice %arg7[%add3A, %run_scoped3A_104, %dma_wait3A] : memref<32x1x16xi32, #tpu.memory_space<hbm>> -> memref<1x1x16xi32, #tpu.memory_space<hbm>>
      %dma_wait3A_112 = tpu.memref_squeeze %dma_wait3A_111 : memref<1x1x16xi32, #tpu.memory_space<hbm>> -> memref<16xi32, #tpu.memory_space<hbm>>
      %dma_wait3A_113 = arith.constant 0 : i32
      %dma_wait3A_114 = tpu.memref_slice %arg7[%add3A, %run_scoped3A_104, %dma_wait3A_113] : memref<32x1x16xi32, #tpu.memory_space<hbm>> -> memref<1x1x16xi32, #tpu.memory_space<hbm>>
      %dma_wait3A_115 = tpu.memref_squeeze %dma_wait3A_114 : memref<1x1x16xi32, #tpu.memory_space<hbm>> -> memref<16xi32, #tpu.memory_space<hbm>>
      tpu.wait_dma2 semaphore(%run_scoped3A_105 : memref<!tpu.dma_semaphore, #tpu.memory_space<semaphore_mem>>) src(%arg15 : memref<16xi32, #tpu.memory_space<vmem>>) dst(%dma_wait3A_115 : memref<16xi32, #tpu.memory_space<hbm>>)
      tpu.yield
    }) : () -> ()
    return
  }
}

module attributes {stable_mosaic.version = 14 : i64} {
  func.func @_scale_mul_body(%arg0: i32, %arg1: memref<32x2x512xf32, #tpu.memory_space<vmem>>, %arg2: memref<512x1xf32, #tpu.memory_space<vmem>>, %arg3: memref<512x128xf32, #tpu.memory_space<vmem>>, %arg4: memref<512x64xf32, #tpu.memory_space<vmem>>, %arg5: memref<512x64xf32, #tpu.memory_space<vmem>>, %arg6: memref<512x1xf32, #tpu.memory_space<vmem>>) attributes {dimension_semantics = [#tpu.dimension_semantics<arbitrary>], iteration_bounds = array<i64: 20>, scalar_prefetch = 0 : i64, scratch_operands = 0 : i64, tpu.core_type = #tpu.core_type<tc>, window_params = [{transform_indices = @transform_0, window_bounds = array<i64: 32, 2, 512>}, {transform_indices = @transform_1, window_bounds = array<i64: 512, 1>}, {transform_indices = @transform_2, window_bounds = array<i64: 512, 128>}, {transform_indices = @transform_3, window_bounds = array<i64: 512, 64>}, {transform_indices = @transform_4, window_bounds = array<i64: 512, 64>}, {transform_indices = @transform_5, window_bounds = array<i64: 512, 1>}]} {
    %get3A = arith.constant 0 : index
    %get3A_0 = arith.constant 0 : index
    %get3A_1 = arith.constant 0 : index
    %get3A_2 = vector.load %arg1[%get3A, %get3A_0, %get3A_1] : memref<32x2x512xf32, #tpu.memory_space<vmem>>, vector<32x2x512xf32>
    %reduce_sum3A = arith.constant dense<0.000000e+00> : vector<2x512xf32>
    %reduce_sum3A_3 = vector.multi_reduction <add>, %get3A_2, %reduce_sum3A [0] : vector<32x2x512xf32> to vector<2x512xf32>
    %get3A_4 = arith.constant 0 : index
    %get3A_5 = arith.constant 0 : index
    %get3A_6 = vector.load %arg2[%get3A_4, %get3A_5] : memref<512x1xf32, #tpu.memory_space<vmem>>, vector<512x1xf32>
    %squeeze3A = vector.shape_cast %get3A_6 : vector<512x1xf32> to vector<512xf32>
    %broadcast_in_dim3A = vector.shape_cast %squeeze3A : vector<512xf32> to vector<1x512xf32>
    %max3A = arith.constant 1.000000e+00 : f32
    %max3A_7 = vector.broadcast %max3A : f32 to vector<2x512xf32>
    %max3A_8 = arith.maximumf %reduce_sum3A_3, %max3A_7 : vector<2x512xf32>
    %rsqrt3A = math.rsqrt %max3A_8 : vector<2x512xf32>
    %mul3A = vector.broadcast %broadcast_in_dim3A : vector<1x512xf32> to vector<2x512xf32>
    %mul3A_9 = arith.mulf %rsqrt3A, %mul3A : vector<2x512xf32>
    %get3A_10 = arith.constant 0 : index
    %get3A_11 = arith.constant 0 : index
    %get3A_12 = vector.load %arg3[%get3A_10, %get3A_11] : memref<512x128xf32, #tpu.memory_space<vmem>>, vector<512x128xf32>
    %slice3A = vector.extract_strided_slice %mul3A_9 {offsets = [0, 0], sizes = [1, 512], strides = [1, 1]} : vector<2x512xf32> to vector<1x512xf32>
    %squeeze3A_13 = vector.shape_cast %slice3A : vector<1x512xf32> to vector<512xf32>
    %broadcast_in_dim3A_14 = vector.shape_cast %squeeze3A_13 : vector<512xf32> to vector<512x1xf32>
    %mul3A_15 = vector.broadcast %broadcast_in_dim3A_14 : vector<512x1xf32> to vector<512x128xf32>
    %mul3A_16 = arith.mulf %get3A_12, %mul3A_15 : vector<512x128xf32>
    %slice3A_17 = vector.extract_strided_slice %mul3A_16 {offsets = [0, 0], sizes = [512, 64], strides = [1, 1]} : vector<512x128xf32> to vector<512x64xf32>
    %swap3A = arith.constant 0 : index
    %swap3A_18 = arith.constant 0 : index
    %swap3A_19 = vector.load %arg4[%swap3A, %swap3A_18] : memref<512x64xf32, #tpu.memory_space<vmem>>, vector<512x64xf32>
    tpu.vector_store %arg4[%swap3A, %swap3A_18], %slice3A_17 {strides = array<i32>} : memref<512x64xf32, #tpu.memory_space<vmem>>, vector<512x64xf32>,
    %slice3A_20 = vector.extract_strided_slice %mul3A_16 {offsets = [0, 64], sizes = [512, 64], strides = [1, 1]} : vector<512x128xf32> to vector<512x64xf32>
    %swap3A_21 = arith.constant 0 : index
    %swap3A_22 = arith.constant 0 : index
    %swap3A_23 = vector.load %arg5[%swap3A_21, %swap3A_22] : memref<512x64xf32, #tpu.memory_space<vmem>>, vector<512x64xf32>
    tpu.vector_store %arg5[%swap3A_21, %swap3A_22], %slice3A_20 {strides = array<i32>} : memref<512x64xf32, #tpu.memory_space<vmem>>, vector<512x64xf32>,
    %slice3A_24 = vector.extract_strided_slice %mul3A_9 {offsets = [1, 0], sizes = [1, 512], strides = [1, 1]} : vector<2x512xf32> to vector<1x512xf32>
    %squeeze3A_25 = vector.shape_cast %slice3A_24 : vector<1x512xf32> to vector<512xf32>
    %broadcast_in_dim3A_26 = vector.shape_cast %squeeze3A_25 : vector<512xf32> to vector<512x1xf32>
    %swap3A_27 = arith.constant 0 : index
    %swap3A_28 = arith.constant 0 : index
    %swap3A_29 = vector.load %arg6[%swap3A_27, %swap3A_28] : memref<512x1xf32, #tpu.memory_space<vmem>>, vector<512x1xf32>
    tpu.vector_store %arg6[%swap3A_27, %swap3A_28], %broadcast_in_dim3A_26 {strides = array<i32>} : memref<512x1xf32, #tpu.memory_space<vmem>>, vector<512x1xf32>,
    return
  }
  func.func @transform_0(%arg0: i32) -> (i32, i32, i32) {
    %c0_i32 = arith.constant 0 : i32
    %c0_i32_0 = arith.constant 0 : i32
    %c0_i32_1 = arith.constant 0 : i32
    return %c0_i32, %c0_i32_0, %arg0 : i32, i32, i32
  }
  func.func @transform_1(%arg0: i32) -> (i32, i32) {
    %c0_i32 = arith.constant 0 : i32
    %c0_i32_0 = arith.constant 0 : i32
    return %arg0, %c0_i32 : i32, i32
  }
  func.func @transform_2(%arg0: i32) -> (i32, i32) {
    %c0_i32 = arith.constant 0 : i32
    %c0_i32_0 = arith.constant 0 : i32
    return %arg0, %c0_i32 : i32, i32
  }
  func.func @transform_3(%arg0: i32) -> (i32, i32) {
    %c0_i32 = arith.constant 0 : i32
    %c0_i32_0 = arith.constant 0 : i32
    return %arg0, %c0_i32 : i32, i32
  }
  func.func @transform_4(%arg0: i32) -> (i32, i32) {
    %c0_i32 = arith.constant 0 : i32
    %c0_i32_0 = arith.constant 0 : i32
    return %arg0, %c0_i32 : i32, i32
  }
  func.func @transform_5(%arg0: i32) -> (i32, i32) {
    %c0_i32 = arith.constant 0 : i32
    %c0_i32_0 = arith.constant 0 : i32
    return %arg0, %c0_i32 : i32, i32
  }
}

module attributes {stable_mosaic.version = 14 : i64} {
  func.func @_out_body(%arg0: i32, %arg1: memref<2x400x64xf32, #tpu.memory_space<vmem>>, %arg2: memref<2x400x64xf32, #tpu.memory_space<vmem>>, %arg3: memref<400x1xf32, #tpu.memory_space<vmem>>, %arg4: memref<64x128xf32, #tpu.memory_space<vmem>>, %arg5: memref<64x128xf32, #tpu.memory_space<vmem>>, %arg6: memref<1x128xf32, #tpu.memory_space<vmem>>, %arg7: memref<400x128xf32, #tpu.memory_space<vmem>>) attributes {dimension_semantics = [#tpu.dimension_semantics<arbitrary>], iteration_bounds = array<i64: 25>, scalar_prefetch = 0 : i64, scratch_operands = 0 : i64, tpu.core_type = #tpu.core_type<tc>, window_params = [{transform_indices = @transform_0, window_bounds = array<i64: 2, 400, 64>}, {transform_indices = @transform_1, window_bounds = array<i64: 2, 400, 64>}, {transform_indices = @transform_2, window_bounds = array<i64: 400, 1>}, {pipeline_mode = #tpu.pipeline_mode<synchronous>, transform_indices = @transform_3, window_bounds = array<i64: 64, 128>}, {pipeline_mode = #tpu.pipeline_mode<synchronous>, transform_indices = @transform_4, window_bounds = array<i64: 64, 128>}, {pipeline_mode = #tpu.pipeline_mode<synchronous>, transform_indices = @transform_5, window_bounds = array<i64: 1, 128>}, {transform_indices = @transform_6, window_bounds = array<i64: 400, 128>}]} {
    %get3A = arith.constant 0 : index
    %get3A_0 = arith.constant 0 : index
    %get3A_1 = vector.load %arg3[%get3A, %get3A_0] : memref<400x1xf32, #tpu.memory_space<vmem>>, vector<400x1xf32>
    %get3A_2 = arith.constant 0 : index
    %get3A_3 = arith.constant 0 : index
    %get3A_4 = arith.constant 0 : index
    %get3A_5 = vector.load %arg1[%get3A_2, %get3A_3, %get3A_4] : memref<2x400x64xf32, #tpu.memory_space<vmem>>, vector<1x400x64xf32>
    %get3A_6 = vector.shape_cast %get3A_5 : vector<1x400x64xf32> to vector<400x64xf32>
    %get3A_7 = arith.constant 1 : index
    %get3A_8 = arith.constant 0 : index
    %get3A_9 = arith.constant 0 : index
    %get3A_10 = vector.load %arg1[%get3A_7, %get3A_8, %get3A_9] : memref<2x400x64xf32, #tpu.memory_space<vmem>>, vector<1x400x64xf32>
    %get3A_11 = vector.shape_cast %get3A_10 : vector<1x400x64xf32> to vector<400x64xf32>
    %add3A = arith.addf %get3A_6, %get3A_11 : vector<400x64xf32>
    %mul3A = vector.broadcast %get3A_1 : vector<400x1xf32> to vector<400x64xf32>
    %mul3A_12 = arith.mulf %add3A, %mul3A : vector<400x64xf32>
    %get3A_13 = arith.constant 0 : index
    %get3A_14 = arith.constant 0 : index
    %get3A_15 = arith.constant 0 : index
    %get3A_16 = vector.load %arg2[%get3A_13, %get3A_14, %get3A_15] : memref<2x400x64xf32, #tpu.memory_space<vmem>>, vector<1x400x64xf32>
    %get3A_17 = vector.shape_cast %get3A_16 : vector<1x400x64xf32> to vector<400x64xf32>
    %get3A_18 = arith.constant 1 : index
    %get3A_19 = arith.constant 0 : index
    %get3A_20 = arith.constant 0 : index
    %get3A_21 = vector.load %arg2[%get3A_18, %get3A_19, %get3A_20] : memref<2x400x64xf32, #tpu.memory_space<vmem>>, vector<1x400x64xf32>
    %get3A_22 = vector.shape_cast %get3A_21 : vector<1x400x64xf32> to vector<400x64xf32>
    %add3A_23 = arith.addf %get3A_17, %get3A_22 : vector<400x64xf32>
    %mul3A_24 = vector.broadcast %get3A_1 : vector<400x1xf32> to vector<400x64xf32>
    %mul3A_25 = arith.mulf %add3A_23, %mul3A_24 : vector<400x64xf32>
    %get3A_26 = arith.constant 0 : index
    %get3A_27 = arith.constant 0 : index
    %get3A_28 = vector.load %arg4[%get3A_26, %get3A_27] : memref<64x128xf32, #tpu.memory_space<vmem>>, vector<64x128xf32>
    %dot_general3A = arith.constant dense<0.000000e+00> : vector<400x128xf32>
    %dot_general3A_29 = tpu.matmul %mul3A_12, %get3A_28, %dot_general3A {dimension_numbers = #tpu.dot_dimension_numbers<[1], [0], [0], [1], [0, 0, 1, 1], [], []>, transpose_lhs_hint = false} : vector<400x64xf32>, vector<64x128xf32>, vector<400x128xf32> -> vector<400x128xf32>
    %get3A_30 = arith.constant 0 : index
    %get3A_31 = arith.constant 0 : index
    %get3A_32 = vector.load %arg5[%get3A_30, %get3A_31] : memref<64x128xf32, #tpu.memory_space<vmem>>, vector<64x128xf32>
    %dot_general3A_33 = arith.constant dense<0.000000e+00> : vector<400x128xf32>
    %dot_general3A_34 = tpu.matmul %mul3A_25, %get3A_32, %dot_general3A_33 {dimension_numbers = #tpu.dot_dimension_numbers<[1], [0], [0], [1], [0, 0, 1, 1], [], []>, transpose_lhs_hint = false} : vector<400x64xf32>, vector<64x128xf32>, vector<400x128xf32> -> vector<400x128xf32>
    %add3A_35 = arith.addf %dot_general3A_29, %dot_general3A_34 : vector<400x128xf32>
    %get3A_36 = arith.constant 0 : index
    %get3A_37 = arith.constant 0 : index
    %get3A_38 = vector.load %arg6[%get3A_36, %get3A_37] : memref<1x128xf32, #tpu.memory_space<vmem>>, vector<1x128xf32>
    %add3A_39 = vector.broadcast %get3A_38 : vector<1x128xf32> to vector<400x128xf32>
    %add3A_40 = arith.addf %add3A_35, %add3A_39 : vector<400x128xf32>
    %swap3A = arith.constant 0 : index
    %swap3A_41 = arith.constant 0 : index
    %swap3A_42 = vector.load %arg7[%swap3A, %swap3A_41] : memref<400x128xf32, #tpu.memory_space<vmem>>, vector<400x128xf32>
    tpu.vector_store %arg7[%swap3A, %swap3A_41], %add3A_40 {strides = array<i32>} : memref<400x128xf32, #tpu.memory_space<vmem>>, vector<400x128xf32>,
    return
  }
  func.func @transform_0(%arg0: i32) -> (i32, i32, i32) {
    %c0_i32 = arith.constant 0 : i32
    %c0_i32_0 = arith.constant 0 : i32
    %c0_i32_1 = arith.constant 0 : i32
    return %c0_i32, %arg0, %c0_i32_0 : i32, i32, i32
  }
  func.func @transform_1(%arg0: i32) -> (i32, i32, i32) {
    %c0_i32 = arith.constant 0 : i32
    %c0_i32_0 = arith.constant 0 : i32
    %c0_i32_1 = arith.constant 0 : i32
    return %c0_i32, %arg0, %c0_i32_0 : i32, i32, i32
  }
  func.func @transform_2(%arg0: i32) -> (i32, i32) {
    %c0_i32 = arith.constant 0 : i32
    %c0_i32_0 = arith.constant 0 : i32
    return %arg0, %c0_i32 : i32, i32
  }
  func.func @transform_3(%arg0: i32) -> (i32, i32) {
    %c0_i32 = arith.constant 0 : i32
    %c0_i32_0 = arith.constant 0 : i32
    %c0_i32_1 = arith.constant 0 : i32
    return %c0_i32, %c0_i32_0 : i32, i32
  }
  func.func @transform_4(%arg0: i32) -> (i32, i32) {
    %c0_i32 = arith.constant 0 : i32
    %c0_i32_0 = arith.constant 0 : i32
    %c0_i32_1 = arith.constant 0 : i32
    return %c0_i32, %c0_i32_0 : i32, i32
  }
  func.func @transform_5(%arg0: i32) -> (i32, i32) {
    %c0_i32 = arith.constant 0 : i32
    %c0_i32_0 = arith.constant 0 : i32
    %c0_i32_1 = arith.constant 0 : i32
    return %c0_i32, %c0_i32_0 : i32, i32
  }
  func.func @transform_6(%arg0: i32) -> (i32, i32) {
    %c0_i32 = arith.constant 0 : i32
    %c0_i32_0 = arith.constant 0 : i32
    return %arg0, %c0_i32 : i32, i32
  }
}

</mosaic_0001>

<sc_bundles>
// kernel: kernel.6.cloned.1.call-start
scs
__scs_entry_jumppad:
0x0: {  	(pc) =	sbr.rel $0x88, $3  }
0x1: {  	(tag) =	ssettag $0x0;
	lr =	simm.s32 $0x1  }
0x2: {  	[smem:$0x3F9C] =	sst lr;
	_ =	strace $0xD0000000  }
0x3: {  	_ = 	snop  }
0x4: {  	_ = 	snop  }
0x5: {  	_ = 	snop  }
0x6: {  	_ = 	snop  }
0x7: {  	_ = 	snop  }
__scs_overlays_trampoline_lowered:
0x8: {  	[smem:$0x3FAB] =	sst s0  }
0x9: {  	[smem:$0x3FAC] =	sst s1  }
0xa: {  	[smem:$0x3FAD] =	sst s2  }
0xb: {  	[smem:$0x3FAE] =	sst s3  }
0xc: {  	[smem:$0x3FAF] =	sst s4  }
0xd: {  	[smem:$0x3FB0] =	sst s5  }
0xe: {  	[smem:$0x3FB1] =	sst s6  }
0xf: {  	[smem:$0x3FB2] =	sst s7  }
0x10: {  	[smem:$0x3FB3] =	sst s8  }
0x11: {  	[smem:$0x3FB4] =	sst s9;
	s0 =	simm.s32 @!p0 $0x0  }
0x12: {  	s1 =	sld [smem:$0x3F9A];
	s0 =	simm.s32 @p0 $0x1  }
0x13: {  	[smem:$0x3FB5] =	sst s0;
	s0 =	simm.s32 @!p1 $0x0  }
0x14: {  	s2 =	sld [smem:$0x3F99];
	s0 =	simm.s32 @p1 $0x1  }
0x15: {  	[smem:$0x3FB6] =	sst s0;
	s0 =	simm.s32 @!p2 $0x0  }
0x16: {  	s3 =	sld [smem:$0x3FDB];
	s0 =	simm.s32 @p2 $0x1  }
0x17: {  	s4 =	simm.s32 $0x1BF5;
	[smem:$0x3FB8] =	sst s0  }
0x18: {  	s0 =	sld [smem:$0x3F9B];
	_ =	swait.ge [sflag:s4], $0x0  }
0x19: {  	s7 =	sld [smem:$0x3F9C]  }
0x1a: {  	s8 =	sadd.s32 $0xFFFFE003, lr  }
0x1b: {  	s9 =	sadd.s32 $0xFFFFFEF7, lr;
	s5 =	simm.s32 $0xFFFFFFFF;
	p2 =	slt.u32 s8, $0xFFFFF086  }
0x1c: {  	p1 =	slt.u32 s9, $0xF7A;
	s5 =	simm.s32 @!p2 $0x0  }
0x1d: {  	s5 =	simm.s32 @p1 $0x1;
	p0 =	seq.s32 s7, s2  }
0x1e: {  	s7 =	smul.u32 @!p0 $0xF7A, s2;
	p2 =	seq.s32 @!p0 s5, $0x0  }
0x1f: {  	s9 =	smul.u32 $0xF7A, s1;
	s8 =	simm.s32 @!p0 $0x1BF5;
	p2 =	por !p2, p0  }
0x20: {  	[sflag:s8] =	ssyncset.s32 @!p0 $0xFFFFF086;
	s6 =	sadd.s32 @!p0 s3, s7;
	s7 =	simm.s32 @!p0 $0x108  }
0x21: {  	s3 =	sadd.s32 s3, s9;
	s6 =	sadd.s32 @!p0 $0x88, s6;
	s7 =	simm.s32 @p2 $0x1082  }
0x22: {  	[simem:s7], [sflag:s8] =	dma.local @!p0 [hbm:s6], $0xF7A  }
0x23: {  	s9 =	sor.u32 $0xD0000000, s2;
	s6 =	simm.s32 $0x108;
	_ =	swait.ge @!p0 [sflag:s8], $0x0  }
0x24: {  	s3 =	sadd.s32 $0x88, s3;
	s6 =	simm.s32 @!p1 $0x1082;
	[sflag:s4] =	ssyncset.s32 $0xFFFFF086  }
0x25: {  	[simem:s6], [sflag:s4] =	dma.local [hbm:s3], $0xF7A  }
0x26: {  	[smem:$0x3F9C] =	sst s1;
	(tag) =	ssettag s2;
	_ =	strace s9  }
0x27: {  	s1 =	sld [smem:$0x3FAC]  }
0x28: {  	s2 =	sld [smem:$0x3FAD]  }
0x29: {  	s4 =	sld [smem:$0x3FAF]  }
0x2a: {  	p0 =	seq.s32 s5, $0x0;
	s5 =	sld [smem:$0x3FB0]  }
0x2b: {  	s6 =	sld [smem:$0x3FB1]  }
0x2c: {  	s7 =	sld [smem:$0x3FB2]  }
0x2d: {  	s3 =	simm.s32 $0x108;
	s8 =	sld [smem:$0x3FB3]  }
0x2e: {  	s3 =	simm.s32 @!p0 $0x1082;
	s9 =	sld [smem:$0x3FB4]  }
0x2f: {  	lr =	sadd.s32 s0, s3;
	s0 =	sld [smem:$0x3FAB]  }
0x30: {  	s3 =	sld [smem:$0x3FAE]  }
0x31: {  	[smem:$0x3FB7] =	sst s10  }
0x32: {  	s10 =	sld [smem:$0x3FB5];
	_ =	sdelay $0x3  }
0x33: {  	p0 =	seq.s32 s10, $0x1;
	s10 =	sld [smem:$0x3FB7];
	_ =	sdelay $0x3  }
0x34: {  	[smem:$0x3FB7] =	sst s10  }
0x35: {  	s10 =	sld [smem:$0x3FB6];
	_ =	sdelay $0x3  }
0x36: {  	p1 =	seq.s32 s10, $0x1;
	s10 =	sld [smem:$0x3FB7];
	_ =	sdelay $0x3  }
0x37: {  	[smem:$0x3FB7] =	sst s10  }
0x38: {  	s10 =	sld [smem:$0x3FB8]  }
0x39: {  	_ = 	snop;
	(pc) =	sbr.ind lr, $3  }
0x3a: {  	_ = 	snop  }
0x3b: {  	_ = 	snop  }
0x3c: {  	p2 =	seq.s32 s10, $0x1;
	s10 =	sld [smem:$0x3FB7]  }
0x3d: {  	_ =	shalt  }
0x3e: {  	_ =	shalt  }
0x3f: {  	_ =	shalt  }
0x40: {  	_ =	shalt  }
0x41: {  	_ =	shalt  }
0x42: {  	_ =	shalt  }
0x43: {  	_ =	shalt  }
0x44: {  	_ =	shalt  }
0x45: {  	_ =	shalt  }
0x46: {  	_ =	shalt  }
0x47: {  	_ =	shalt  }
0x48: {  	_ =	shalt  }
0x49: {  	_ =	shalt  }
0x4a: {  	_ =	shalt  }
0x4b: {  	_ =	shalt  }
0x4c: {  	_ =	shalt  }
0x4d: {  	_ =	shalt  }
0x4e: {  	_ =	shalt  }
0x4f: {  	_ =	shalt  }
0x50: {  	_ =	shalt  }
0x51: {  	_ =	shalt  }
0x52: {  	_ =	shalt  }
0x53: {  	_ =	shalt  }
0x54: {  	_ =	shalt  }
0x55: {  	_ =	shalt  }
0x56: {  	_ =	shalt  }
0x57: {  	_ =	shalt  }
0x58: {  	_ =	shalt  }
0x59: {  	_ =	shalt  }
0x5a: {  	_ =	shalt  }
0x5b: {  	_ =	shalt  }
0x5c: {  	_ =	shalt  }
0x5d: {  	_ =	shalt  }
0x5e: {  	_ =	shalt  }
0x5f: {  	_ =	shalt  }
0x60: {  	_ =	shalt  }
0x61: {  	_ =	shalt  }
0x62: {  	_ =	shalt  }
0x63: {  	_ =	shalt  }
0x64: {  	_ =	shalt  }
0x65: {  	_ =	shalt  }
0x66: {  	_ =	shalt  }
0x67: {  	_ =	shalt  }
0x68: {  	_ =	shalt  }
0x69: {  	_ =	shalt  }
0x6a: {  	_ =	shalt  }
0x6b: {  	_ =	shalt  }
0x6c: {  	_ =	shalt  }
0x6d: {  	_ =	shalt  }
0x6e: {  	_ =	shalt  }
0x6f: {  	_ =	shalt  }
0x70: {  	_ =	shalt  }
0x71: {  	_ =	shalt  }
0x72: {  	_ =	shalt  }
0x73: {  	_ =	shalt  }
0x74: {  	_ =	shalt  }
0x75: {  	_ =	shalt  }
0x76: {  	_ =	shalt  }
0x77: {  	_ =	shalt  }
0x78: {  	_ =	shalt  }
0x79: {  	_ =	shalt  }
0x7a: {  	_ =	shalt  }
0x7b: {  	_ =	shalt  }
0x7c: {  	_ =	shalt  }
0x7d: {  	_ =	shalt  }
0x7e: {  	_ =	shalt  }
0x7f: {  	_ =	shalt  }
0x80: {  	_ =	shalt  }
0x81: {  	_ =	shalt  }
0x82: {  	_ =	shalt  }
0x83: {  	_ =	shalt  }
0x84: {  	_ =	shalt  }
0x85: {  	_ =	shalt  }
0x86: {  	_ =	shalt  }
0x87: {  	_ =	shalt  }
.Lfunc_end0:
.L_simem_size_0:
called_computation_lowered:
.L_overlay_start_0:
0x88: {  	s2 =	sld [smem:$0x3FD9]  }
0x89: {  	s3 =	sld [smem:$0x3FFE];
	_ =	sdelay $0x1  }
0x8a: {  	s1 =	srdreg.scid  }
0x8b: {  	s0 =	sand.u32 $0x1, s1  }
0x8c: {  	s17 =	sshll.u32 s0, $0xA;
	s2 =	sadd.s32 s3, s2  }
0x8d: {  	s2 =	sadd.s32 s2, s17  }
0x8e: {  	[smem:$0x3FC3] =	sst s2  }
0x8f: {  	_ = 	snop  }
0x90: {  	s2 =	sld [smem:$0x3FD0];
	(tm) =	ssettm $0x1  }
0x91: {  	s18 =	sld [smem:$0x3FFB];
	_ =	sdelay $0x3  }
0x92: {  	_ =	strace s18  }
0x93: {  	s3 =	sld [smem:$0x3FFC];
	_ =	sdelay $0x3  }
0x94: {  	_ =	strace s3  }
0x95: {  	s3 =	sld [smem:$0x3FFD];
	_ =	sdelay $0x3  }
0x96: {  	_ =	strace s3  }
0x97: {  	_ =	strace $0x8FFFFFFF  }
0x98: {  	s19 =	sld [smem:$0x3FDB];
	_ =	sdelay $0x1  }
0x99: {  	s4 =	simm.s32 $_scs_section_size  }
0x9a: {  	s5 =	simm.s32 $_size__tile_overlayer_lowered;
	s6 =	simm.s32 $_tile_overlayer_lowered  }
0x9b: {  	s22 =	simm.s32 $0x1BFF;
	s21 =	sshll.u32 s6, $0x1;
	s3 =	sadd.s32 s4, s19  }
0x9c: {  	s7 =	simm.s32 $0x0;
	s20 =	sshll.u32 s5, $0x1;
	s5 =	sadd.s32 s21, s3  }
0x9d: {  	[timem:s7], [sflag:s22] =	dma.local [hbm:s5], s20  }
0x9e: {  	_ =	swait.ge [sflag:s22], s20  }
0x9f: {  	s4 =	ssub.s32 $0x0, s20;
	[sflag:s22] =	ssyncset.done $0x0  }
0xa0: {  	[sflag:s22] =	ssyncadd.s32 s4;
	_ =	sdelay $0x1  }
0xa1: {  	s23 =	simm.s32 $0x1B8B  }
0xa2: {  	_ =	swait.ge [sflag:s23], $0x1  }
0xa3: {  	[sflag:s23] =	ssyncset.done $0x0  }
0xa4: {  	s25 =	simm.s32 $0x1B8E;
	s24 =	sld [smem:$0x3FFE];
	[sflag:s23] =	ssyncadd.s32 $0xFFFFFFFF  }
0xa5: {  	s26 =	simm.s32 $execute0_lowered;
	[smem:$0x3FD2] =	sst s25  }
0xa6: {  	s5 =	sshll.u32 s26, $0x1;
	_ =	strace $0x80000046;
	[dreg:$0x1] =	wrdreg $0xFFFFFFFF  }
0xa7: {  	s28 =	simm.s32 $_size_execute0_lowered;
	s3 =	sadd.s32 s3, s5;
	[dreg:$0x0] =	wrdreg $0x0  }
0xa8: {  	s5 =	sshll.u32 s28, $0x1;
	[dreg:$0x2] =	wrdreg s3  }
0xa9: {  	[dreg:$0x3] =	wrdreg s5  }
0xaa: {  	[dreg:$0x4] =	wrdreg $0xC0  }
0xab: {  	_ =	task [dreg:s7], $0x5FFFF  }
0xac: {  	[dreg:$0x1] =	wrdreg $0xFFFFFFFF  }
0xad: {  	[dreg:$0x0] =	wrdreg $0x60  }
0xae: {  	[dreg:$0x2] =	wrdreg s24  }
0xaf: {  	[dreg:$0x3] =	wrdreg s2  }
0xb0: {  	[dreg:$0x4] =	wrdreg $0x9  }
0xb1: {  	_ =	task.clear_ibuf [dreg:s7], $0x5FFFF;
	_ =	strace $0x90000046  }
0xb2: {  	s29 =	simm.s32 $0x9;
	_ =	strace $0x80000048  }
0xb3: {  	_ =	swait.ge [sflag:s29], $0x1  }
0xb4: {  	[sflag:s29] =	ssyncadd.s32 $0xFFFFFFFF  }
0xb5: {  	_ =	strace $0x90000048  }
0xb6: {  	_ =	sfence  }
0xb7: {  	s30 =	sld [smem:$0x0];
	_ =	sdelay $0x2  }
0xb8: {  	s31 =	sshll.u32 s1, $0xD;
	s1 =	sshrl.u32 s1, $0x2  }
0xb9: {  	s3 =	sand.u32 $0x4000, s31;
	s1 =	sadd.s32 s1, s30  }
0xba: {  	s0 =	sor.u32 s3, s0;
	s1 =	sshll.u32 s1, $0x11  }
0xbb: {  	s0 =	sor.u32 s1, s0  }
0xbc: {  	s0 =	sadd.s32 $0x8F2B, s0  }
0xbd: {  	[sflag:s0] =	ssyncadd.remote.s32 $0x1  }
0xbe: {  	_ =	sfence.sel $0xFFFF  }
0xbf: {  	[dreg:$0x0] =	wrdreg $0xFFFFFFFF;
	(pc) =	sbr.abs _section_cstart, $3  }
0xc0: {  	[dreg:$0x1] =	wrdreg $0xFFFFFFFF  }
0xc1: {  	_ =	task.clear_ibuf [dreg:s7], $0x2FFFF;
	_ =	strace $0x9FFFFFFF  }
0xc2: {  	(tm) =	ssettm $0x7FFFFFFF  }
0xc3: {  	_ =	shalt  }
tec
execute0_lowered:
.L_overlay_start_1:
0x0: {  	(tag) =	ssettag $0x1  }
0x1: {  	s0 =	srdreg.scid  }
0x2: {  	s11 =	stileid.u32;
	s1 =	rddreg [dreg:$0x0]  }
0x3: {  	s4 =	rddreg [dreg:$0x1];
	s17 =	simm.s32 $0x80;
	s19 =	simm.s32 $0x1  }
0x4: {  	s31 =	simm.s32 $0x27F0;
	s0 =	sand.u32 $0x1, s0;
	s25 =	smul.u32 $0x265, s11  }
0x5: {  	s29 =	simm.s32 $0x0;
	s3 =	sshrl.u32 s11, $0x3;
	s2 =	smul.u32 $0x27800, s0  }
0x6: {  	s5 =	sshll.u32 s11, $0x7;
	s7 =	sadd.s32 $0x15000, s1;
	s3 =	smul.u32 $0x13C00, s3  }
0x7: {  	s6 =	sshll.u32 s0, $0x4;
	s21 =	ssub.s32 $0x2, s0;
	s0 =	smul.u32 $0x2650, s0  }
0x8: {  	s5 =	sand.u32 $0x380, s5;
	s9 =	sshrl.u32 s21, $0x1;
	s3 =	sadd.s32 s2, s3  }
0x9: {  	s2 =	simm.s32 $0x0;
	s22 =	ssub.s32 s21, s9;
	s13 =	sadd.s32 s25, s0  }
0xa: {  	s21 =	simm.s32 $0x4F00;
	s5 =	sor.u32 s5, s3;
	s3 =	sor.u32 s11, s6  }
0xb: {  	[smem:$0x7FF] =	sst s2;
	s12 =	smax.u32 s22, $0x1;
	s30 =	sor.u32 $0x80000000, s13  }
0xc: {  	s22 =	simm.s32 $0x7700;
	s5 =	sshrl.u32 s5, $0x3;
	s6 =	smul.u32 $0x9E0, s3  }
0xd: {  	_ =	strace $0x80000047;
	[dreg:$0x4] =	wrdreg s7;
	s8 =	sshll.u32 s3, $0x4  }
0xe: {  	s10 =	smul.u32 $0xA00, s3;
	s14 =	sadd.s32 $0x2710, s3;
	[dreg:$0xb] =	wrdreg s30  }
0xf: {  	s28 =	sor.u32 $0x80000000, s3;
	[dreg:$0x3] =	wrdreg s31;
	s5 =	sadd.s32 s5, s1  }
0x10: {  	[dreg:$0xa] =	wrdreg s28;
	s23 =	sadd.s32 $0x1400, s5;
	s5 =	sadd.s32 $0xB200, s5  }
.Ltmp0:
0x11: {  	s7 =	sadd.s32 s4, s10;
	[dreg:$0x5] =	wrdreg s23;
	(pc) =	sbr.rel .LBB2_1-.Ltmp0, $4  }
0x12: {  	s6 =	sadd.s32 s6, s1;
	[dreg:$0x6] =	wrdreg s5;
	s4 =	sadd.s32 $0x10, s7  }
0x13: {  	s1 =	sadd.s32 s8, s1;
	s24 =	sadd.s32 $0x15600, s6;
	[dreg:$0x7] =	wrdreg s4  }
0x14: {  	s26 =	sadd.s32 $0x15610, s6;
	s11 =	sadd.s32 $0x29200, s1;
	[dreg:$0x8] =	wrdreg s24  }
0x15: {  	v0 =	vimm.f32 $0.0e+00;
	v1 =	vlaneseq.u32;
	v2 =	vimm.f32 $1.000000000e+00;
	s23 =	simm.s32 $0x9F00;
	[dreg:$0x9] =	wrdreg s26;
	s24 =	simm.s32 $0x100  }
.LBB2_9:
0x16: {  	s1 =	smov.u32 s0;
	s31 =	smov.u32 s20  }
.LBB2_14:
0x17: {  	s9 =	ssub.s32 s15, s16;
	s8 =	smul.u32 $0x92492493, s8  }
0x18: {  	s18 =	ssub.s32 s28, s4;
	s5 =	sadd.s32 s5, s9  }
0x19: {  	s5 =	sadd.s32 s16, s5;
	s8 =	sadd.s32 s8, s18  }
0x1a: {  	s25 =	sshrl.u32 s5, $0x1F;
	s5 =	sshra.s32 s5, $0xD;
	s8 =	sadd.s32 s4, s8  }
0x1b: {  	s5 =	sadd.s32 s25, s5;
	s26 =	sshrl.u32 s8, $0x1F;
	s8 =	sshra.s32 s8, $0x7  }
0x1c: {  	s5 =	smul.u32 $0x2700, s5;
	s8 =	sadd.s32 s26, s8  }
0x1d: {  	s8 =	smul.u32 $0xE0, s8;
	_ =	sdelay $0x1  }
0x1e: {  	s9 =	rddreg [dreg:$0x3];
	s5 =	ssub.s32 s16, s5;
	s28 =	ssub.s32 s4, s8  }
0x1f: {  	p1 =	slt.s32 s5, $0x0;
	s8 =	sadd.s32 $0x2700, s5;
	p2 =	slt.s32 s28, $0x0  }
0x20: {  	[tilespmem:s1+$0x0] =	vst @p0 v3;
	v3 =	vadd.s32 @p0 s6, v1;
	s1 =	sadd.s32 @p0 $0x10, s1;
	s5 =	smov.u32 @p1 s8;
	s9 =	simm.s32 @!p2 $0x2710  }
0x21: {  	s6 =	sadd.s32 @p0 $0x10, s31;
	[tilespmem:s31+$0x0] =	vst @p0 v3;
	s0 =	smov.u32 @p0 s1;
	v3 =	vadd.s32 s5, v1;
	s4 =	sadd.s32 s28, s9  }
0x22: {  	s20 =	smov.u32 @p0 s6;
	[tilespmem:s0+$0x0] =	vst v3;
	v3 =	vadd.s32 s4, v1  }
0x23: {  	[tilespmem:s20+$0x0] =	vst v3  }
.LBB2_15:
0x24: {  	s0 =	smulhi.u32 $0x66666667, s30;
	s1 =	sshra.s32 s30, $0x1F  }
0x25: {  	s1 =	smul.u32 $0x66666667, s1;
	_ =	sdelay $0x1  }
0x26: {  	s0 =	sadd.s32 s1, s0  }
0x27: {  	s1 =	sshrl.u32 s0, $0x1F;
	s0 =	sshra.s32 s0, $0x5  }
0x28: {  	s0 =	sadd.s32 s1, s0  }
0x29: {  	s1 =	smul.u32 $0xFFFFFFB0, s0  }
0x2a: {  	s4 =	ssub.s32 $0x0, s30  }
0x2b: {  	p0 =	slt.s32 s30, $0x1;
	p1 =	sne.s32 s1, s4  }
0x2c: {  	p0 =	por !p0, !p1  }
0x2d: {  	s1 =	simm.s32 $0x1;
	p0 =	por !p0, !p0  }
0x2e: {  	s1 =	simm.s32 @!p0 $0x0  }
0x2f: {  	s0 =	ssub.s32 s0, s1  }
0x30: {  	v3 =	vmov s0  }
0x31: {  	[tilespmem:$0x11600] =	vst v3  }
0x32: {  	[bflag:$0x0] =	sbarrier.arrive $0xFFFF  }
0x33: {  	[hbm4b:s7+s17] =	stream.strided.scatter [tilespmem:s22], [sflag:$0x1], $0x2800, s24, s17, $0x38;
	[tilespmem:$0x11680] =	vst v63  }
0x34: {  	_ =	swait.ge [sflag:s19], $0x2800  }
0x35: {  	[sflag:s19] =	ssyncset.done $0x0  }
0x36: {  	s20 =	rddreg [dreg:$0x7];
	[sflag:s19] =	ssyncadd.s32 $0xFFFFD800  }
0x37: {  	[hbm4b:s20+s17] =	stream.strided.scatter [tilespmem:s23], [sflag:$0x1], $0x2800, s24, s17, $0x38;
	[tilespmem:$0x11680] =	vst v63  }
0x38: {  	_ =	swait.ge [sflag:s19], $0x2800  }
0x39: {  	[sflag:s19] =	ssyncset.done $0x0  }
0x3a: {  	s26 =	simm.s32 $0xC700;
	s25 =	rddreg [dreg:$0x8];
	[sflag:s19] =	ssyncadd.s32 $0xFFFFD800  }
0x3b: {  	[hbm4b:s25+s17] =	stream.strided.scatter [tilespmem:s26], [sflag:$0x1], $0x2780, s24, s17, $0x38;
	[tilespmem:$0x11680] =	vst v63  }
0x3c: {  	_ =	swait.ge [sflag:s19], $0x2780  }
0x3d: {  	[sflag:s19] =	ssyncset.done $0x0  }
0x3e: {  	s30 =	simm.s32 $0xEE80;
	s28 =	rddreg [dreg:$0x9];
	[sflag:s19] =	ssyncadd.s32 $0xFFFFD880  }
0x3f: {  	[hbm4b:s28+s17] =	stream.strided.scatter [tilespmem:s30], [sflag:$0x1], $0x2780, s24, s17, $0x38;
	[tilespmem:$0x11680] =	vst v63  }
0x40: {  	s29 =	sadd.s32 $0x1, s29;
	_ =	swait.ge [sflag:s19], $0x2780  }
0x41: {  	p0 =	sne.s32 s29, s12;
	[sflag:s19] =	ssyncset.done $0x0  }
.Ltmp1:
0x42: {  	s31 =	simm.s32 $0x11600;
	[sflag:s19] =	ssyncadd.s32 $0xFFFFD880;
	(pc) =	sbr.rel @!p0 .LBB2_16-.Ltmp1, $4  }
0x43: {  	[hbm4b:s11+s2] =	stream.linear.scatter [tilespmem:s31], [sflag:$0x1], $0x80, $0x38;
	[tilespmem:$0x11680] =	vst v63  }
0x44: {  	_ =	swait.ge [sflag:s19], $0x80  }
0x45: {  	[sflag:s19] =	ssyncset.done $0x0  }
0x46: {  	[sflag:s19] =	ssyncadd.s32 $0xFFFFFF80  }
.LBB2_1:
0x47: {  	s0 =	rddreg [dreg:$0x5];
	s1 =	simm.s32 $0x400  }
0x48: {  	[tilespmem:s2], [sflag:$0x1] =	stream.strided.gather [hbm4b:s0+s17], $0x2780, s1, s17, $0x38;
	[tilespmem:$0x11680] =	vst v63  }
0x49: {  	_ =	swait.ge [sflag:s19], $0x2780  }
0x4a: {  	[sflag:s19] =	ssyncset.done $0x0  }
0x4b: {  	s4 =	simm.s32 $0x2780;
	s30 =	rddreg [dreg:$0x6];
	[sflag:s19] =	ssyncadd.s32 $0xFFFFD880  }
0x4c: {  	[tilespmem:s4], [sflag:$0x1] =	stream.strided.gather [hbm4b:s30+s17], $0x2780, s1, s17, $0x38;
	[tilespmem:$0x11680] =	vst v63  }
0x4d: {  	_ =	swait.ge [sflag:s19], $0x2780  }
0x4e: {  	[sflag:s19] =	ssyncset.done $0x0  }
0x4f: {  	s31 =	rddreg [dreg:$0x4];
	[sflag:s19] =	ssyncadd.s32 $0xFFFFD880  }
0x50: {  	[tilespmem:s21], [sflag:$0x1] =	stream.linear.gather [hbm4b:s31+s2], $0x2800, $0x38;
	[tilespmem:$0x11680] =	vst v63  }
0x51: {  	_ =	swait.ge [sflag:s19], $0x2800  }
0x52: {  	[sflag:s19] =	ssyncset.done $0x0  }
0x53: {  	s0 =	simm.s32 $0x40;
	s1 =	simm.s32 $0x0;
	[sflag:s19] =	ssyncadd.s32 $0xFFFFD800  }
.LBB2_2:
0x54: {  	p0 =	sne.s32 s0, $0x9FC0;
	[tilespmem:s1+$0x7700] =	vst v0;
	s4 =	smov.u32 s0;
	s0 =	sadd.s32 $0x40, s0  }
.Ltmp2:
0x55: {  	[tilespmem:s1+$0x9F00] =	vst v0;
	(pc) =	sbr.rel @p0 .LBB2_2-.Ltmp2, $2  }
0x56: {  	_ =	sdelay $0x2  }
0x57: {  	s1 =	sshra.s32 s4, $0x2  }
0x58: {  	s0 =	sshrl.u32 s13, $0x8  }
0x59: {  	s4 =	sshrl.u32 s3, $0x5;
	s0 =	smulhi.u32 $0x6906907, s0  }
0x5a: {  	s5 =	smulhi.u32 $0x24924925, s4  }
0x5b: {  	s4 =	sadd.s32 $0x10, s13;
	s0 =	smul.u32 $0x2700, s0  }
0x5c: {  	s6 =	sshrl.u32 s4, $0x8;
	s5 =	smul.u32 $0xE0, s5  }
0x5d: {  	s8 =	smulhi.u32 $0x6906907, s6  }
0x5e: {  	[tilespmem:s1+$0x7700] =	vst v0;
	s15 =	simm.s32 $0x0;
	s31 =	ssub.s32 s13, s0;
	s0 =	sadd.s32 $0x10, s3  }
0x5f: {  	[tilespmem:s1+$0x9F00] =	vst v0;
	s5 =	ssub.s32 s14, s5;
	s20 =	smul.u32 $0x2700, s8;
	v3 =	vadd.s32 s31, v1;
	s16 =	sshrl.u32 s0, $0x5  }
0x60: {  	s1 =	simm.s32 $0x0;
	s6 =	simm.s32 $0x40;
	[tilespmem:s15+$0xC700] =	vst v3;
	v3 =	vadd.s32 s5, v1;
	s16 =	smulhi.u32 $0x24924925, s16  }
0x61: {  	s8 =	smov.u32 s14;
	s5 =	simm.s32 $0x80;
	[tilespmem:s15+$0xEE80] =	vst v3;
	s15 =	sadd.s32 $0x10, s4  }
.LBB2_4:
0x62: {  	s25 =	sshrl.u32 s15, $0x8;
	s16 =	smul.u32 $0xE0, s16  }
0x63: {  	s26 =	smov.u32 s5;
	p0 =	sne.s32 s5, $0x9D40;
	s25 =	smulhi.u32 $0x6906907, s25  }
.Ltmp3:
0x64: {  	s8 =	sadd.s32 $0x10, s8;
	s4 =	ssub.s32 s4, s20;
	(pc) =	sbr.rel @p0 .LBB2_4-.Ltmp3, $4  }
0x65: {  	s0 =	sadd.s32 $0x10, s0;
	s16 =	ssub.s32 s8, s16;
	v3 =	vadd.s32 s4, v1;
	s4 =	sshra.s32 s6, $0x2  }
0x66: {  	s5 =	sadd.s32 $0x40, s5;
	s6 =	sshrl.u32 s0, $0x5;
	[tilespmem:s4+$0xC700] =	vst v3;
	v3 =	vadd.s32 s16, v1  }
0x67: {  	s16 =	smulhi.u32 $0x24924925, s6;
	s6 =	smov.u32 s26;
	[tilespmem:s4+$0xEE80] =	vst v3;
	s4 =	smov.u32 s15  }
0x68: {  	s20 =	smul.u32 $0x2700, s25;
	s15 =	sadd.s32 $0x10, s15  }
0x69: {  	s0 =	smul.u32 $0xE0, s16  }
0x6a: {  	s5 =	sadd.s32 $0x10, s8;
	s4 =	ssub.s32 s4, s20  }
0x6b: {  	s28 =	sshra.s32 s6, $0x2;
	s0 =	ssub.s32 s5, s0;
	v3 =	vadd.s32 s4, v1  }
0x6c: {  	[tilespmem:s28+$0xC700] =	vst v3;
	v3 =	vadd.s32 s0, v1  }
0x6d: {  	s30 =	simm.s32 $0x0;
	[tilespmem:s28+$0xEE80] =	vst v3  }
0x6e: {  	v3 =	vld [tilespmem:s30+$0x0]  }
0x6f: {  	v4 =	vld [tilespmem:s30+$0x2780];
	_ =	sdelay $0x6  }
0x70: {  	[tilespmem:v3+s22+$0x0] =	vst.idx.add.f32.msk $0xffff, v2  }
0x71: {  	[tilespmem:v4+s23+$0x0] =	vst.idx.add.f32.msk $0xffff, v2  }
0x72: {  	v5 =	vld.idx.msk [tilespmem:v3+s21+$0x0], $0xffff  }
0x73: {  	v6 =	vld.idx.msk [tilespmem:v4+s21+$0x0], $0xffff;
	_ =	sdelay $0x4  }
0x74: {  	v5 =	vand.u32 v5, v6  }
0x75: {  	vm0 =	vne.s32 v5, $0x0  }
0x76: {  	v5 =	vmpcnt.ones.xlane vm0;
	_ =	sdelay $0x1  }
0x77: {  	v5 =	vxor.u32 $0x80000000, v5  }
0x78: {  	(xrf0) =	vmax.scan.msk.u32 $0xffff, v5;
	_ =	sdelay $0x1  }
0x79: {  	[tilespmem:s1+$0xC700] =	vst.msk vm0, v3  }
0x7a: {  	s31 =	simm.s32 $0x10;
	[tilespmem:s1+$0xEE80] =	vst.msk vm0, v4  }
0x7b: {  	v4 =	vld [tilespmem:s31+$0x0]  }
0x7c: {  	v3 =	vld [tilespmem:s31+$0x2780]  }
0x7d: {  	v5, _, _ =	vpop (xrf0)  }
0x7e: {  	(v2sf) =	vpush v5, $0xF;
	_ =	sdelay $0x4  }
0x7f: {  	[tilespmem:v4+s22+$0x0] =	vst.idx.add.f32.msk $0xffff, v2  }
0x80: {  	[tilespmem:v3+s23+$0x0] =	vst.idx.add.f32.msk $0xffff, v2  }
0x81: {  	v5 =	vld.idx.msk [tilespmem:v4+s21+$0x0], $0xffff  }
0x82: {  	v6 =	vld.idx.msk [tilespmem:v3+s21+$0x0], $0xffff;
	_ =	sdelay $0x4  }
0x83: {  	v5 =	vand.u32 v5, v6  }
0x84: {  	vm0 =	vne.s32 v5, $0x0  }
0x85: {  	s0 =	simm.s32 $0x80;
	v5 =	vmpcnt.ones.xlane vm0;
	s4 =	spop (v2sf)  }
.LBB2_6:
0x86: {  	p0 =	sne.s32 s0, $0x9C00  }
0x87: {  	s1 =	sadd.s32 s4, s1;
	s4 =	smov.u32 s0;
	s0 =	sadd.s32 $0x40, s0  }
0x88: {  	v5 =	vxor.u32 $0x80000000, v5;
	s1 =	sadd.s32 $0x80000000, s1  }
0x89: {  	[tilespmem:s1+$0xC700] =	vst.msk vm0, v4;
	(xrf0) =	vmax.scan.msk.u32 $0xffff, v5  }
0x8a: {  	[tilespmem:s1+$0xEE80] =	vst.msk vm0, v3  }
0x8b: {  	s4 =	sshra.s32 s4, $0x2  }
0x8c: {  	v4 =	vld [tilespmem:s4+$0x0]  }
0x8d: {  	v3 =	vld [tilespmem:s4+$0x2780];
	_ =	sdelay $0x1  }
0x8e: {  	v5, _, _ =	vpop (xrf0)  }
0x8f: {  	(v2sf) =	vpush v5, $0xF;
	_ =	sdelay $0x3  }
0x90: {  	[tilespmem:v4+s22+$0x0] =	vst.idx.add.f32.msk $0xffff, v2  }
0x91: {  	[tilespmem:v3+s23+$0x0] =	vst.idx.add.f32.msk $0xffff, v2  }
0x92: {  	v5 =	vld.idx.msk [tilespmem:v4+s21+$0x0], $0xffff  }
0x93: {  	v6 =	vld.idx.msk [tilespmem:v3+s21+$0x0], $0xffff;
	_ =	sdelay $0x3  }
.Ltmp4:
0x94: {  	(pc) =	sbr.rel @p0 .LBB2_6-.Ltmp4, $4  }
0x95: {  	_ = 	snop  }
0x96: {  	v5 =	vand.u32 v5, v6  }
0x97: {  	vm0 =	vne.s32 v5, $0x0  }
0x98: {  	v5 =	vmpcnt.ones.xlane vm0;
	s4 =	spop (v2sf)  }
0x99: {  	_ = 	snop  }
0x9a: {  	v5 =	vxor.u32 $0x80000000, v5  }
0x9b: {  	(xrf0) =	vmax.scan.msk.u32 $0xffff, v5;
	_ =	sdelay $0x5  }
0x9c: {  	v5, _, _ =	vpop (xrf0)  }
0x9d: {  	(v2sf) =	vpush v5, $0xF;
	_ =	sdelay $0xd  }
0x9e: {  	s0 =	sadd.s32 s4, s1  }
0x9f: {  	s0 =	sadd.s32 $0x80000000, s0;
	s1 =	spop (v2sf)  }
0xa0: {  	s25 =	sadd.s32 s1, s0  }
0xa1: {  	s4 =	sadd.s32 $0x80000000, s25  }
0xa2: {  	s5 =	sadd.s32 $0x9F, s4  }
0xa3: {  	s6 =	smulhi.u32 $0x66666667, s5;
	s8 =	sshra.s32 s5, $0x1F  }
0xa4: {  	s8 =	smul.u32 $0x66666667, s8;
	_ =	sdelay $0x1  }
0xa5: {  	s6 =	sadd.s32 s8, s6  }
0xa6: {  	s8 =	sshrl.u32 s6, $0x1F;
	s6 =	sshra.s32 s6, $0x6  }
0xa7: {  	s6 =	sadd.s32 s8, s6  }
0xa8: {  	s8 =	smul.u32 $0xFFFFFF60, s6  }
0xa9: {  	s15 =	ssub.s32 $0xFFFFFF61, s4  }
0xaa: {  	p0 =	slt.s32 s5, $0x1;
	p1 =	sne.s32 s8, s15  }
0xab: {  	p0 =	por !p0, !p1  }
0xac: {  	s5 =	simm.s32 $0x1;
	p0 =	por !p0, !p0  }
0xad: {  	s5 =	simm.s32 @!p0 $0x0  }
0xae: {  	s5 =	ssub.s32 s6, s5  }
0xaf: {  	s30 =	smul.u32 $0xA0, s5;
	_ =	sdelay $0x1  }
0xb0: {  	s5 =	ssub.s32 s30, s4;
	p0 =	sne.s32 s30, s4;
	s4 =	simm.s32 $0x1  }
0xb1: {  	s26 =	sshra.s32 s5, $0x1F;
	s4 =	simm.s32 @!p0 $0x0  }
0xb2: {  	s28 =	sand.u32 $0xF, s5;
	s4 =	sor.u32 s4, s26  }
0xb3: {  	p6 =	sne.s32 s28, $0x0;
	p5 =	sne.s32 s4, $0x1  }
0xb4: {  	s31 =	sshrl.u32 s26, $0x1C;
	p0 =	por !p6, !p5  }
0xb5: {  	s4 =	sadd.s32 s31, s5;
	s5 =	simm.s32 $0x1;
	p0 =	por !p0, !p0  }
0xb6: {  	s4 =	sshra.s32 s4, $0x4;
	s5 =	simm.s32 @!p0 $0x0  }
0xb7: {  	s6 =	ssub.s32 s4, s5  }
0xb8: {  	p0 =	slt.s32 s6, $0x1  }
.Ltmp5:
0xb9: {  	_ = 	snop;
	(pc) =	sbr.rel @p0 .LBB2_15-.Ltmp5, $3  }
0xba: {  	_ =	sdelay $0x1  }
0xbb: {  	[tilespmem:s0+$0xC700] =	vst.msk vm0, v4  }
0xbc: {  	[tilespmem:s0+$0xEE80] =	vst.msk vm0, v3  }
0xbd: {  	s1 =	sadd.s32 s0, s1;
	s25 =	rddreg [dreg:$0xb];
	p1 =	sne.s32 s6, $0x1  }
.Ltmp6:
0xbe: {  	s26 =	rddreg [dreg:$0xa];
	s0 =	sshll.u32 s1, $0x2;
	(pc) =	sbr.rel @!p1 .LBB2_9-.Ltmp6, $4  }
0xbf: {  	p0 =	por $0x0, $0x0;
	s16 =	sadd.s32 s25, s1;
	s4 =	sshra.s32 s0, $0x2  }
0xc0: {  	s15 =	smulhi.u32 $0xD20D20D3, s16;
	s31 =	sshra.s32 s16, $0x1F;
	s0 =	sadd.s32 $0xC700, s4  }
0xc1: {  	s20 =	sadd.s32 $0xEE80, s4;
	s4 =	sadd.s32 s26, s1;
	s5 =	smul.u32 $0xD20D20D3, s31  }
0xc2: {  	s1 =	sadd.s32 $0xFFFFFFFF, s6;
	s28 =	smulhi.u32 $0x92492493, s4;
	s8 =	sshra.s32 s4, $0x1F  }
0xc3: {  	s6 =	ssub.s32 s15, s16  }
0xc4: {  	s8 =	smul.u32 $0x92492493, s8;
	s26 =	sadd.s32 $0x10, s16;
	s5 =	sadd.s32 s5, s6  }
0xc5: {  	s25 =	sadd.s32 $0x10, s4;
	s9 =	ssub.s32 s28, s4;
	s5 =	sadd.s32 s16, s5  }
0xc6: {  	s6 =	sadd.s32 s8, s9;
	s10 =	sshrl.u32 s5, $0x1F;
	s5 =	sshra.s32 s5, $0xD  }
0xc7: {  	s28 =	smulhi.u32 $0x92492493, s25;
	s6 =	sadd.s32 s4, s6;
	s5 =	sadd.s32 s10, s5  }
0xc8: {  	s15 =	sshrl.u32 s6, $0x1F;
	s6 =	sshra.s32 s6, $0x7;
	s5 =	smul.u32 $0x2700, s5  }
0xc9: {  	p1 =	sne.s32 s1, $0x1;
	s6 =	sadd.s32 s15, s6;
	s15 =	smulhi.u32 $0xD20D20D3, s26  }
0xca: {  	s31 =	sshra.s32 s26, $0x1F;
	s9 =	rddreg [dreg:$0x3];
	s6 =	smul.u32 $0xE0, s6  }
.Ltmp7:
0xcb: {  	s8 =	sshra.s32 s25, $0x1F;
	s10 =	ssub.s32 s16, s5;
	(pc) =	sbr.rel @!p1 .LBB2_11-.Ltmp7, $4  }
0xcc: {  	s16 =	sadd.s32 $0xFFFFFFFF, s1;
	s1 =	smov.u32 s0;
	s18 =	ssub.s32 s4, s6  }
0xcd: {  	p0 =	slt.s32 s10, $0x0;
	s5 =	sadd.s32 $0x2700, s10;
	p2 =	slt.s32 s18, $0x0  }
0xce: {  	s10 =	smov.u32 @p0 s5;
	s5 =	smul.u32 $0xD20D20D3, s31;
	s9 =	simm.s32 @!p2 $0x2710  }
0xcf: {  	p0 =	por $0x1, $0x1;
	s31 =	smov.u32 s20;
	v3 =	vadd.s32 s10, v1;
	s6 =	sadd.s32 s18, s9  }
.LBB2_12:
0xd0: {  	p1 =	sne.s32 s16, $0x1;
	s8 =	smul.u32 $0x92492493, s8  }
0xd1: {  	[tilespmem:s1+$0x0] =	vst v3;
	v3 =	vadd.s32 s6, v1;
	s6 =	smov.u32 s25;
	s4 =	ssub.s32 s15, s26;
	s10 =	ssub.s32 s28, s25  }
0xd2: {  	s9 =	smov.u32 s26;
	s4 =	sadd.s32 s5, s4;
	s5 =	sadd.s32 s8, s10  }
0xd3: {  	s4 =	sadd.s32 s26, s4;
	s5 =	sadd.s32 s25, s5;
	s25 =	sadd.s32 $0x10, s25  }
0xd4: {  	s15 =	sshrl.u32 s4, $0x1F;
	s4 =	sshra.s32 s4, $0xD;
	s18 =	sshrl.u32 s5, $0x1F  }
0xd5: {  	s5 =	sshra.s32 s5, $0x7;
	s28 =	smulhi.u32 $0x92492493, s25;
	s4 =	sadd.s32 s15, s4  }
0xd6: {  	s1 =	sadd.s32 $0x10, s1;
	s5 =	sadd.s32 s18, s5;
	s4 =	smul.u32 $0x2700, s4  }
0xd7: {  	s16 =	sadd.s32 $0xFFFFFFFF, s16;
	s26 =	sadd.s32 $0x10, s26;
	s5 =	smul.u32 $0xE0, s5  }
.Ltmp8:
0xd8: {  	[tilespmem:s31+$0x0] =	vst v3;
	s31 =	sadd.s32 $0x10, s31;
	s10 =	sshra.s32 s26, $0x1F;
	(pc) =	sbr.rel @p1 .LBB2_12-.Ltmp8, $4  }
0xd9: {  	s18 =	rddreg [dreg:$0x3];
	s4 =	ssub.s32 s9, s4;
	s6 =	ssub.s32 s6, s5  }
0xda: {  	p2 =	slt.s32 s4, $0x0;
	s5 =	sadd.s32 $0x2700, s4;
	p3 =	slt.s32 s6, $0x0  }
0xdb: {  	s15 =	smulhi.u32 $0xD20D20D3, s26;
	s4 =	smov.u32 @p2 s5;
	s18 =	simm.s32 @!p3 $0x2710  }
0xdc: {  	s8 =	sshra.s32 s25, $0x1F;
	s5 =	smul.u32 $0xD20D20D3, s10;
	v3 =	vadd.s32 s4, v1;
	s6 =	sadd.s32 s6, s18  }
.Ltmp9:
0xdd: {  	(pc) =	sbr.rel .LBB2_14-.Ltmp9, $2  }
0xde: {  	_ =	sdelay $0x2  }
0xdf: {  	s16 =	smov.u32 s26;
	s4 =	smov.u32 s25  }
.LBB2_11:
.Ltmp10:
0xe0: {  	(pc) =	sbr.rel .LBB2_14-.Ltmp10, $3  }
0xe1: {  	_ =	sdelay $0x1  }
0xe2: {  	s16 =	smov.u32 s26  }
0xe3: {  	s1 =	smov.u32 s0;
	s4 =	smov.u32 s25;
	s31 =	smov.u32 s20  }
.LBB2_16:
0xe4: {  	_ =	sfence.sel $0x180000  }
0xe5: {  	[bflag:$0x0] =	sbarrier.arrive $0xFFFF  }
0xe6: {  	_ =	strace $0x90000047  }
0xe7: {  	s0 =	stileid.u32;
	[bflag:$0x2] =	sbarrier.arrive $0xFFFF  }
0xe8: {  	p0 =	sne.s32 s0, $0x0;
	s0 =	rddreg [dreg:$0x2]  }
0xe9: {  	s0 =	sadd.s32 @!p0 $0x100000, s0  }
0xea: {  	[sflag:s0] =	ssyncadd.tile.s32 @!p0 $0x1;
	_ =	shalt  }
.Lfunc_end2:
_tile_overlayer_lowered:
.L_overlay_start_2:
0xeb: {  	(tag) =	ssettag $0x2  }
0xec: {  	s0 =	rddreg [dreg:$0x0];
	s2 =	stileid.u32  }
0xed: {  	s1 =	rddreg [dreg:$0x1];
	p0 =	sne.s32 s2, $0x0  }
0xee: {  	s3 =	rddreg [dreg:$0x2];
	[bflag:$0x3] =	sbarrier.arrive $0xFFFF;
	s2 =	simm.s32 @!p0 $0x1C01  }
0xef: {  	[timem:s3], [sflag:s2] =	dma.local @!p0 [hbm:s0], s1  }
0xf0: {  	s0 =	simm.s32 @!p0 $0x1  }
0xf1: {  	_ =	swait.ge @!p0 [sflag:s0], s1  }
0xf2: {  	s1 =	ssub.s32 @!p0 $0x0, s1;
	[sflag:s0] =	ssyncset.done @!p0 $0x0  }
0xf3: {  	[sflag:s0] =	ssyncadd.s32 @!p0 s1  }
0xf4: {  	[bflag:$0x3] =	sbarrier.arrive $0xFFFF  }
0xf5: {  	_ =	shalt  }

// kernel: kernel.9.cloned.1.call-start
scs
__scs_entry_jumppad:
0x0: {  	(pc) =	sbr.rel $0x88, $3  }
0x1: {  	(tag) =	ssettag $0x0;
	lr =	simm.s32 $0x1  }
0x2: {  	[smem:$0x3F9C] =	sst lr;
	_ =	strace $0xD0000000  }
0x3: {  	_ = 	snop  }
0x4: {  	_ = 	snop  }
0x5: {  	_ = 	snop  }
0x6: {  	_ = 	snop  }
0x7: {  	_ = 	snop  }
__scs_overlays_trampoline_lowered:
0x8: {  	[smem:$0x3FAB] =	sst s0  }
0x9: {  	[smem:$0x3FAC] =	sst s1  }
0xa: {  	[smem:$0x3FAD] =	sst s2  }
0xb: {  	[smem:$0x3FAE] =	sst s3  }
0xc: {  	[smem:$0x3FAF] =	sst s4  }
0xd: {  	[smem:$0x3FB0] =	sst s5  }
0xe: {  	[smem:$0x3FB1] =	sst s6  }
0xf: {  	[smem:$0x3FB2] =	sst s7  }
0x10: {  	[smem:$0x3FB3] =	sst s8  }
0x11: {  	[smem:$0x3FB4] =	sst s9;
	s0 =	simm.s32 @!p0 $0x0  }
0x12: {  	s1 =	sld [smem:$0x3F9A];
	s0 =	simm.s32 @p0 $0x1  }
0x13: {  	[smem:$0x3FB5] =	sst s0;
	s0 =	simm.s32 @!p1 $0x0  }
0x14: {  	s2 =	sld [smem:$0x3F99];
	s0 =	simm.s32 @p1 $0x1  }
0x15: {  	[smem:$0x3FB6] =	sst s0;
	s0 =	simm.s32 @!p2 $0x0  }
0x16: {  	s3 =	sld [smem:$0x3FDB];
	s0 =	simm.s32 @p2 $0x1  }
0x17: {  	s4 =	simm.s32 $0x1BF5;
	[smem:$0x3FB8] =	sst s0  }
0x18: {  	s0 =	sld [smem:$0x3F9B];
	_ =	swait.ge [sflag:s4], $0x0  }
0x19: {  	s7 =	sld [smem:$0x3F9C]  }
0x1a: {  	s8 =	sadd.s32 $0xFFFFE003, lr  }
0x1b: {  	s9 =	sadd.s32 $0xFFFFFEF7, lr;
	s5 =	simm.s32 $0xFFFFFFFF;
	p2 =	slt.u32 s8, $0xFFFFF086  }
0x1c: {  	p1 =	slt.u32 s9, $0xF7A;
	s5 =	simm.s32 @!p2 $0x0  }
0x1d: {  	s5 =	simm.s32 @p1 $0x1;
	p0 =	seq.s32 s7, s2  }
0x1e: {  	s7 =	smul.u32 @!p0 $0xF7A, s2;
	p2 =	seq.s32 @!p0 s5, $0x0  }
0x1f: {  	s9 =	smul.u32 $0xF7A, s1;
	s8 =	simm.s32 @!p0 $0x1BF5;
	p2 =	por !p2, p0  }
0x20: {  	[sflag:s8] =	ssyncset.s32 @!p0 $0xFFFFF086;
	s6 =	sadd.s32 @!p0 s3, s7;
	s7 =	simm.s32 @!p0 $0x108  }
0x21: {  	s3 =	sadd.s32 s3, s9;
	s6 =	sadd.s32 @!p0 $0x88, s6;
	s7 =	simm.s32 @p2 $0x1082  }
0x22: {  	[simem:s7], [sflag:s8] =	dma.local @!p0 [hbm:s6], $0xF7A  }
0x23: {  	s9 =	sor.u32 $0xD0000000, s2;
	s6 =	simm.s32 $0x108;
	_ =	swait.ge @!p0 [sflag:s8], $0x0  }
0x24: {  	s3 =	sadd.s32 $0x88, s3;
	s6 =	simm.s32 @!p1 $0x1082;
	[sflag:s4] =	ssyncset.s32 $0xFFFFF086  }
0x25: {  	[simem:s6], [sflag:s4] =	dma.local [hbm:s3], $0xF7A  }
0x26: {  	[smem:$0x3F9C] =	sst s1;
	(tag) =	ssettag s2;
	_ =	strace s9  }
0x27: {  	s1 =	sld [smem:$0x3FAC]  }
0x28: {  	s2 =	sld [smem:$0x3FAD]  }
0x29: {  	s4 =	sld [smem:$0x3FAF]  }
0x2a: {  	p0 =	seq.s32 s5, $0x0;
	s5 =	sld [smem:$0x3FB0]  }
0x2b: {  	s6 =	sld [smem:$0x3FB1]  }
0x2c: {  	s7 =	sld [smem:$0x3FB2]  }
0x2d: {  	s3 =	simm.s32 $0x108;
	s8 =	sld [smem:$0x3FB3]  }
0x2e: {  	s3 =	simm.s32 @!p0 $0x1082;
	s9 =	sld [smem:$0x3FB4]  }
0x2f: {  	lr =	sadd.s32 s0, s3;
	s0 =	sld [smem:$0x3FAB]  }
0x30: {  	s3 =	sld [smem:$0x3FAE]  }
0x31: {  	[smem:$0x3FB7] =	sst s10  }
0x32: {  	s10 =	sld [smem:$0x3FB5];
	_ =	sdelay $0x3  }
0x33: {  	p0 =	seq.s32 s10, $0x1;
	s10 =	sld [smem:$0x3FB7];
	_ =	sdelay $0x3  }
0x34: {  	[smem:$0x3FB7] =	sst s10  }
0x35: {  	s10 =	sld [smem:$0x3FB6];
	_ =	sdelay $0x3  }
0x36: {  	p1 =	seq.s32 s10, $0x1;
	s10 =	sld [smem:$0x3FB7];
	_ =	sdelay $0x3  }
0x37: {  	[smem:$0x3FB7] =	sst s10  }
0x38: {  	s10 =	sld [smem:$0x3FB8]  }
0x39: {  	_ = 	snop;
	(pc) =	sbr.ind lr, $3  }
0x3a: {  	_ = 	snop  }
0x3b: {  	_ = 	snop  }
0x3c: {  	p2 =	seq.s32 s10, $0x1;
	s10 =	sld [smem:$0x3FB7]  }
0x3d: {  	_ =	shalt  }
0x3e: {  	_ =	shalt  }
0x3f: {  	_ =	shalt  }
0x40: {  	_ =	shalt  }
0x41: {  	_ =	shalt  }
0x42: {  	_ =	shalt  }
0x43: {  	_ =	shalt  }
0x44: {  	_ =	shalt  }
0x45: {  	_ =	shalt  }
0x46: {  	_ =	shalt  }
0x47: {  	_ =	shalt  }
0x48: {  	_ =	shalt  }
0x49: {  	_ =	shalt  }
0x4a: {  	_ =	shalt  }
0x4b: {  	_ =	shalt  }
0x4c: {  	_ =	shalt  }
0x4d: {  	_ =	shalt  }
0x4e: {  	_ =	shalt  }
0x4f: {  	_ =	shalt  }
0x50: {  	_ =	shalt  }
0x51: {  	_ =	shalt  }
0x52: {  	_ =	shalt  }
0x53: {  	_ =	shalt  }
0x54: {  	_ =	shalt  }
0x55: {  	_ =	shalt  }
0x56: {  	_ =	shalt  }
0x57: {  	_ =	shalt  }
0x58: {  	_ =	shalt  }
0x59: {  	_ =	shalt  }
0x5a: {  	_ =	shalt  }
0x5b: {  	_ =	shalt  }
0x5c: {  	_ =	shalt  }
0x5d: {  	_ =	shalt  }
0x5e: {  	_ =	shalt  }
0x5f: {  	_ =	shalt  }
0x60: {  	_ =	shalt  }
0x61: {  	_ =	shalt  }
0x62: {  	_ =	shalt  }
0x63: {  	_ =	shalt  }
0x64: {  	_ =	shalt  }
0x65: {  	_ =	shalt  }
0x66: {  	_ =	shalt  }
0x67: {  	_ =	shalt  }
0x68: {  	_ =	shalt  }
0x69: {  	_ =	shalt  }
0x6a: {  	_ =	shalt  }
0x6b: {  	_ =	shalt  }
0x6c: {  	_ =	shalt  }
0x6d: {  	_ =	shalt  }
0x6e: {  	_ =	shalt  }
0x6f: {  	_ =	shalt  }
0x70: {  	_ =	shalt  }
0x71: {  	_ =	shalt  }
0x72: {  	_ =	shalt  }
0x73: {  	_ =	shalt  }
0x74: {  	_ =	shalt  }
0x75: {  	_ =	shalt  }
0x76: {  	_ =	shalt  }
0x77: {  	_ =	shalt  }
0x78: {  	_ =	shalt  }
0x79: {  	_ =	shalt  }
0x7a: {  	_ =	shalt  }
0x7b: {  	_ =	shalt  }
0x7c: {  	_ =	shalt  }
0x7d: {  	_ =	shalt  }
0x7e: {  	_ =	shalt  }
0x7f: {  	_ =	shalt  }
0x80: {  	_ =	shalt  }
0x81: {  	_ =	shalt  }
0x82: {  	_ =	shalt  }
0x83: {  	_ =	shalt  }
0x84: {  	_ =	shalt  }
0x85: {  	_ =	shalt  }
0x86: {  	_ =	shalt  }
0x87: {  	_ =	shalt  }
.Lfunc_end0:
.L_simem_size_0:
called_computation.1_lowered:
.L_overlay_start_0:
0x88: {  	s2 =	sld [smem:$0x3FD9]  }
0x89: {  	s3 =	sld [smem:$0x3FFE];
	_ =	sdelay $0x1  }
0x8a: {  	s1 =	srdreg.scid  }
0x8b: {  	s0 =	sand.u32 $0x1, s1  }
0x8c: {  	s17 =	sshll.u32 s0, $0xA;
	s2 =	sadd.s32 s3, s2  }
0x8d: {  	s2 =	sadd.s32 s2, s17  }
0x8e: {  	[smem:$0x3FC3] =	sst s2  }
0x8f: {  	_ = 	snop  }
0x90: {  	s2 =	sld [smem:$0x3FD0];
	(tm) =	ssettm $0x1  }
0x91: {  	s18 =	sld [smem:$0x3FFB];
	_ =	sdelay $0x3  }
0x92: {  	_ =	strace s18  }
0x93: {  	s3 =	sld [smem:$0x3FFC];
	_ =	sdelay $0x3  }
0x94: {  	_ =	strace s3  }
0x95: {  	s3 =	sld [smem:$0x3FFD];
	_ =	sdelay $0x3  }
0x96: {  	_ =	strace s3  }
0x97: {  	_ =	strace $0x8FFFFFFF  }
0x98: {  	s19 =	sld [smem:$0x3FDB];
	_ =	sdelay $0x1  }
0x99: {  	s4 =	simm.s32 $_scs_section_size  }
0x9a: {  	s5 =	simm.s32 $_size__tile_overlayer_lowered;
	s6 =	simm.s32 $_tile_overlayer_lowered  }
0x9b: {  	s22 =	simm.s32 $0x1BFF;
	s21 =	sshll.u32 s6, $0x1;
	s3 =	sadd.s32 s4, s19  }
0x9c: {  	s7 =	simm.s32 $0x0;
	s20 =	sshll.u32 s5, $0x1;
	s5 =	sadd.s32 s21, s3  }
0x9d: {  	[timem:s7], [sflag:s22] =	dma.local [hbm:s5], s20  }
0x9e: {  	_ =	swait.ge [sflag:s22], s20  }
0x9f: {  	s4 =	ssub.s32 $0x0, s20;
	[sflag:s22] =	ssyncset.done $0x0  }
0xa0: {  	[sflag:s22] =	ssyncadd.s32 s4;
	_ =	sdelay $0x1  }
0xa1: {  	s23 =	simm.s32 $0x1B8B  }
0xa2: {  	_ =	swait.ge [sflag:s23], $0x1  }
0xa3: {  	[sflag:s23] =	ssyncset.done $0x0  }
0xa4: {  	s25 =	simm.s32 $0x1B8E;
	s24 =	sld [smem:$0x3FFE];
	[sflag:s23] =	ssyncadd.s32 $0xFFFFFFFF  }
0xa5: {  	s26 =	simm.s32 $execute0_lowered;
	[smem:$0x3FD2] =	sst s25  }
0xa6: {  	s5 =	sshll.u32 s26, $0x1;
	_ =	strace $0x80000049;
	[dreg:$0x1] =	wrdreg $0xFFFFFFFF  }
0xa7: {  	s28 =	simm.s32 $_size_execute0_lowered;
	s3 =	sadd.s32 s3, s5;
	[dreg:$0x0] =	wrdreg $0x0  }
0xa8: {  	s5 =	sshll.u32 s28, $0x1;
	[dreg:$0x2] =	wrdreg s3  }
0xa9: {  	[dreg:$0x3] =	wrdreg s5  }
0xaa: {  	[dreg:$0x4] =	wrdreg $0xC0  }
0xab: {  	_ =	task [dreg:s7], $0x5FFFF  }
0xac: {  	[dreg:$0x1] =	wrdreg $0xFFFFFFFF  }
0xad: {  	[dreg:$0x0] =	wrdreg $0x60  }
0xae: {  	[dreg:$0x2] =	wrdreg s2  }
0xaf: {  	[dreg:$0x3] =	wrdreg s24  }
0xb0: {  	[dreg:$0x4] =	wrdreg $0x96D00  }
0xb1: {  	[dreg:$0x5] =	wrdreg $0x9  }
0xb2: {  	_ =	task.clear_ibuf [dreg:s7], $0x6FFFF;
	_ =	strace $0x90000049  }
0xb3: {  	s29 =	simm.s32 $0x9;
	_ =	strace $0x8000004B  }
0xb4: {  	_ =	swait.ge [sflag:s29], $0x1  }
0xb5: {  	[sflag:s29] =	ssyncadd.s32 $0xFFFFFFFF  }
0xb6: {  	_ =	strace $0x9000004B  }
0xb7: {  	_ =	sfence  }
0xb8: {  	s30 =	sld [smem:$0x0];
	_ =	sdelay $0x2  }
0xb9: {  	s31 =	sshll.u32 s1, $0xD;
	s1 =	sshrl.u32 s1, $0x2  }
0xba: {  	s3 =	sand.u32 $0x4000, s31;
	s1 =	sadd.s32 s1, s30  }
0xbb: {  	s0 =	sor.u32 s3, s0;
	s1 =	sshll.u32 s1, $0x11  }
0xbc: {  	s0 =	sor.u32 s1, s0  }
0xbd: {  	s0 =	sadd.s32 $0x8F2B, s0  }
0xbe: {  	[sflag:s0] =	ssyncadd.remote.s32 $0x1  }
0xbf: {  	_ =	sfence.sel $0xFFFF  }
0xc0: {  	[dreg:$0x0] =	wrdreg $0xFFFFFFFF;
	(pc) =	sbr.abs _section_cstart, $3  }
0xc1: {  	[dreg:$0x1] =	wrdreg $0xFFFFFFFF  }
0xc2: {  	_ =	task.clear_ibuf [dreg:s7], $0x2FFFF;
	_ =	strace $0x9FFFFFFF  }
0xc3: {  	(tm) =	ssettm $0x7FFFFFFF  }
tec
execute0_lowered:
.L_overlay_start_1:
0x0: {  	(tag) =	ssettag $0x1  }
0x1: {  	s1 =	rddreg [dreg:$0x0]  }
0x2: {  	s0 =	srdreg.scid;
	s13 =	stileid.u32  }
0x3: {  	s2 =	rddreg [dreg:$0x1];
	s6 =	smul.u32 $0x2760, s13  }
0x4: {  	s3 =	rddreg [dreg:$0x2];
	s4 =	simm.s32 $0x0;
	s9 =	smul.u32 $0xA000, s13  }
0x5: {  	s0 =	sand.u32 $0x1, s0;
	[smem:$0x7FF] =	sst s4;
	s24 =	smul.u32 $0x28000, s13  }
0x6: {  	s7 =	sshll.u32 s13, $0x1;
	s10 =	sadd.s32 $0x51200, s2;
	s5 =	smul.u32 $0x27600, s0  }
0x7: {  	_ =	strace $0x8000004A;
	s7 =	sadd.s32 s7, s2;
	s8 =	ssub.s32 $0x2, s0  }
0x8: {  	s12 =	smul.u32 $0xA0000, s0;
	s0 =	sshll.u32 s0, $0x5;
	s11 =	sshrl.u32 s8, $0x1  }
0x9: {  	s14 =	sadd.s32 $0x2000, s9;
	s0 =	sadd.s32 s0, s7;
	s21 =	sadd.s32 $0x4000, s9  }
0xa: {  	s16 =	sadd.s32 $0x6000, s9;
	s31 =	sadd.s32 $0x8000, s9;
	s5 =	sadd.s32 s6, s5  }
0xb: {  	s8 =	ssub.s32 s8, s11;
	s25 =	sadd.s32 s9, s12;
	s19 =	sadd.s32 s12, s14  }
0xc: {  	s11 =	sshrl.u32 s24, $0x2;
	s17 =	sadd.s32 s12, s21;
	s18 =	sadd.s32 s12, s16  }
0xd: {  	s12 =	sadd.s32 s12, s31;
	s0 =	sadd.s32 $0x29000, s0;
	s30 =	sadd.s32 s14, s3  }
0xe: {  	s6 =	sshrl.u32 s5, $0x3;
	s5 =	sadd.s32 $0x1400, s2;
	s26 =	sshrl.u32 s25, $0x3  }
0xf: {  	s13 =	sshrl.u32 s19, $0x3;
	[dreg:$0x10] =	wrdreg s0;
	s15 =	sadd.s32 s10, s26  }
0x10: {  	s17 =	sshrl.u32 s17, $0x3;
	s20 =	sadd.s32 s10, s13;
	[dreg:$0x4] =	wrdreg s15  }
0x11: {  	s18 =	sshrl.u32 s18, $0x3;
	s19 =	sadd.s32 s10, s17;
	[dreg:$0x5] =	wrdreg s20  }
0x12: {  	s12 =	sshrl.u32 s12, $0x3;
	s23 =	sadd.s32 s10, s18;
	[dreg:$0x6] =	wrdreg s19  }
0x13: {  	s0 =	simm.s32 $0x3;
	s10 =	sadd.s32 s10, s12;
	[dreg:$0x7] =	wrdreg s23  }
0x14: {  	s6 =	sadd.s32 s6, s2;
	s2 =	sadd.s32 $0x29200, s2;
	[dreg:$0x8] =	wrdreg s10  }
0x15: {  	s7 =	sadd.s32 s2, s26;
	s24 =	sadd.s32 s2, s13;
	s25 =	sadd.s32 s2, s17  }
0x16: {  	s26 =	sadd.s32 s2, s18;
	s2 =	sadd.s32 s2, s12;
	[dreg:$0x9] =	wrdreg s7  }
0x17: {  	s10 =	sadd.s32 $0x1F200, s6;
	s12 =	sadd.s32 $0x15400, s6;
	[dreg:$0xa] =	wrdreg s24  }
0x18: {  	s13 =	sadd.s32 s11, s3;
	s19 =	sadd.s32 s9, s3;
	[dreg:$0xb] =	wrdreg s25  }
0x19: {  	s17 =	sadd.s32 s21, s3;
	s18 =	sadd.s32 s16, s3;
	[dreg:$0xc] =	wrdreg s26  }
0x1a: {  	s20 =	sadd.s32 s31, s3;
	s21 =	smax.u32 s8, $0x1;
	[dreg:$0xd] =	wrdreg s2  }
0x1b: {  	s6 =	simm.s32 $0x76D0;
	s8 =	simm.s32 $0x50;
	[dreg:$0xe] =	wrdreg s10  }
0x1c: {  	s9 =	simm.s32 $0x62D0;
	s11 =	simm.s32 $0x2;
	[dreg:$0xf] =	wrdreg s12  }
.Ltmp0:
0x1d: {  	s22 =	sadd.s32 $0x1400, s13;
	s23 =	sadd.s32 $0x2800, s13;
	(pc) =	sbr.rel .LBB2_1-.Ltmp0, $4  }
0x1e: {  	s24 =	sadd.s32 $0x3C00, s13;
	s25 =	sadd.s32 $0x5000, s13;
	[dreg:$0x11] =	wrdreg s18  }
0x1f: {  	s26 =	sadd.s32 $0x6400, s13;
	s28 =	sadd.s32 $0x7800, s13;
	[dreg:$0x12] =	wrdreg s20  }
0x20: {  	s29 =	sadd.s32 $0x8C00, s13;
	s31 =	smov.u32 s17;
	[dreg:$0x13] =	wrdreg s21  }
0x21: {  	v0 =	vimm.f32 $0.0e+00;
	s7 =	simm.s32 $0x1;
	s10 =	simm.s32 $0x4ED0;
	s12 =	simm.s32 $0x0  }
.LBB2_12:
0x22: {  	[sflag:s0] =	ssyncset.done $0x0  }
0x23: {  	[sflag:s0] =	ssyncadd.s32 $0xFFFFEC00  }
.LBB2_13:
0x24: {  	[bflag:$0x0] =	sbarrier.arrive $0xFFFF  }
0x25: {  	[tilespmem:s6], [sflag:$0x3] =	stream.linear.gather [spmem:s19], $0x2000, $0x38;
	[tilespmem:$0x136D0] =	vst v63  }
0x26: {  	_ =	swait.ge [sflag:s0], $0x2000  }
0x27: {  	[sflag:s0] =	ssyncset.done $0x0  }
0x28: {  	s2 =	rddreg [dreg:$0x9];
	[sflag:s0] =	ssyncadd.s32 $0xFFFFE000  }
0x29: {  	[hbm4b:s2+s4] =	stream.linear.scatter [tilespmem:s6], [sflag:$0x3], $0x2000, $0x38;
	[tilespmem:$0x136D0] =	vst v63  }
0x2a: {  	_ =	swait.ge [sflag:s0], $0x2000  }
0x2b: {  	[sflag:s0] =	ssyncset.done $0x0  }
0x2c: {  	[sflag:s0] =	ssyncadd.s32 $0xFFFFE000  }
0x2d: {  	[tilespmem:s6], [sflag:$0x3] =	stream.linear.gather [spmem:s30], $0x2000, $0x38;
	[tilespmem:$0x136D0] =	vst v63  }
0x2e: {  	_ =	swait.ge [sflag:s0], $0x2000  }
0x2f: {  	[sflag:s0] =	ssyncset.done $0x0  }
0x30: {  	s14 =	rddreg [dreg:$0xa];
	[sflag:s0] =	ssyncadd.s32 $0xFFFFE000  }
0x31: {  	[hbm4b:s14+s4] =	stream.linear.scatter [tilespmem:s6], [sflag:$0x3], $0x2000, $0x38;
	[tilespmem:$0x136D0] =	vst v63  }
0x32: {  	_ =	swait.ge [sflag:s0], $0x2000  }
0x33: {  	[sflag:s0] =	ssyncset.done $0x0  }
0x34: {  	[sflag:s0] =	ssyncadd.s32 $0xFFFFE000  }
0x35: {  	[tilespmem:s6], [sflag:$0x3] =	stream.linear.gather [spmem:s31], $0x2000, $0x38;
	[tilespmem:$0x136D0] =	vst v63  }
0x36: {  	_ =	swait.ge [sflag:s0], $0x2000  }
0x37: {  	[sflag:s0] =	ssyncset.done $0x0  }
0x38: {  	s15 =	rddreg [dreg:$0xb];
	[sflag:s0] =	ssyncadd.s32 $0xFFFFE000  }
0x39: {  	[hbm4b:s15+s4] =	stream.linear.scatter [tilespmem:s6], [sflag:$0x3], $0x2000, $0x38;
	[tilespmem:$0x136D0] =	vst v63  }
0x3a: {  	_ =	swait.ge [sflag:s0], $0x2000  }
0x3b: {  	[sflag:s0] =	ssyncset.done $0x0  }
0x3c: {  	s16 =	rddreg [dreg:$0x11];
	[sflag:s0] =	ssyncadd.s32 $0xFFFFE000  }
0x3d: {  	[tilespmem:s6], [sflag:$0x3] =	stream.linear.gather [spmem:s16], $0x2000, $0x38;
	[tilespmem:$0x136D0] =	vst v63  }
0x3e: {  	_ =	swait.ge [sflag:s0], $0x2000  }
0x3f: {  	[sflag:s0] =	ssyncset.done $0x0  }
0x40: {  	s17 =	rddreg [dreg:$0xc];
	[sflag:s0] =	ssyncadd.s32 $0xFFFFE000  }
0x41: {  	[hbm4b:s17+s4] =	stream.linear.scatter [tilespmem:s6], [sflag:$0x3], $0x2000, $0x38;
	[tilespmem:$0x136D0] =	vst v63  }
0x42: {  	_ =	swait.ge [sflag:s0], $0x2000  }
0x43: {  	[sflag:s0] =	ssyncset.done $0x0  }
0x44: {  	s18 =	rddreg [dreg:$0x12];
	[sflag:s0] =	ssyncadd.s32 $0xFFFFE000  }
0x45: {  	[tilespmem:s6], [sflag:$0x3] =	stream.linear.gather [spmem:s18], $0x2000, $0x38;
	[tilespmem:$0x136D0] =	vst v63  }
0x46: {  	_ =	swait.ge [sflag:s0], $0x2000  }
0x47: {  	[sflag:s0] =	ssyncset.done $0x0  }
0x48: {  	s20 =	rddreg [dreg:$0xd];
	[sflag:s0] =	ssyncadd.s32 $0xFFFFE000  }
0x49: {  	[hbm4b:s20+s4] =	stream.linear.scatter [tilespmem:s6], [sflag:$0x3], $0x2000, $0x38;
	[tilespmem:$0x136D0] =	vst v63  }
0x4a: {  	_ =	swait.ge [sflag:s0], $0x2000  }
0x4b: {  	s12 =	sadd.s32 $0x1, s12;
	s21 =	rddreg [dreg:$0x13]  }
0x4c: {  	p0 =	sne.s32 s12, s21  }
.Ltmp1:
0x4d: {  	_ = 	snop;
	(pc) =	sbr.rel @!p0 .LBB2_14-.Ltmp1, $3  }
0x4e: {  	[sflag:s0] =	ssyncset.done $0x0  }
0x4f: {  	[sflag:s0] =	ssyncadd.s32 $0xFFFFE000  }
0x50: {  	[bflag:$0x0] =	sbarrier.arrive $0xFFFF;
	_ =	sdelay $0x1  }
.LBB2_1:
0x51: {  	s2 =	rddreg [dreg:$0xe]  }
0x52: {  	[tilespmem:s4], [sflag:$0x3] =	stream.linear.gather [hbm4b:s2+s4], $0x2760, $0x38;
	[tilespmem:$0x136D0] =	vst v63  }
0x53: {  	_ =	swait.ge [sflag:s0], $0x2760  }
0x54: {  	[sflag:s0] =	ssyncset.done $0x0  }
0x55: {  	s13 =	simm.s32 $0x2760;
	s18 =	rddreg [dreg:$0xf];
	[sflag:s0] =	ssyncadd.s32 $0xFFFFD8A0  }
0x56: {  	[tilespmem:s13], [sflag:$0x3] =	stream.linear.gather [hbm4b:s18+s4], $0x2760, $0x38;
	[tilespmem:$0x136D0] =	vst v63  }
0x57: {  	_ =	swait.ge [sflag:s0], $0x2760  }
0x58: {  	[sflag:s0] =	ssyncset.done $0x0  }
0x59: {  	s21 =	simm.s32 $0x4EC0;
	s20 =	rddreg [dreg:$0x10];
	[sflag:s0] =	ssyncadd.s32 $0xFFFFD8A0  }
0x5a: {  	[tilespmem:s21], [sflag:$0x3] =	stream.linear.gather [hbm4b:s20+s4], $0x10, $0x38;
	[tilespmem:$0x136D0] =	vst v63  }
0x5b: {  	_ =	swait.ge [sflag:s0], $0x10  }
0x5c: {  	[sflag:s0] =	ssyncset.done $0x0  }
0x5d: {  	[sflag:s0] =	ssyncadd.s32 $0xFFFFFFF0  }
0x5e: {  	s14 =	simm.s32 $0x100;
	s13 =	simm.s32 $0x0;
	v1 =	vld [tilespmem:$0x4EC0]  }
.LBB2_2:
0x5f: {  	p0 =	sne.s32 s14, $0x7F00;
	[tilespmem:s13+$0x7700] =	vst v0;
	s15 =	smov.u32 s14;
	s14 =	sadd.s32 $0x100, s14  }
.Ltmp2:
0x60: {  	[tilespmem:s13+$0x76F0] =	vst v0;
	(pc) =	sbr.rel @p0 .LBB2_2-.Ltmp2, $3  }
0x61: {  	[tilespmem:s13+$0x76D0] =	vst v0  }
0x62: {  	[tilespmem:s13+$0x76E0] =	vst v0;
	_ =	sdelay $0x1  }
0x63: {  	s13 =	sshra.s32 s15, $0x2  }
0x64: {  	v1 =	vxor.u32 $0x80000000, v1  }
0x65: {  	(xrf0) =	vmax.scan.msk.u32 $0xffff, v1;
	_ =	sdelay $0x5  }
0x66: {  	v1, _, _ =	vpop (xrf0)  }
0x67: {  	(v2sf) =	vpush v1, $0xF;
	_ =	sdelay $0x9  }
0x68: {  	[tilespmem:s13+$0x7700] =	vst v0  }
0x69: {  	[tilespmem:s13+$0x76F0] =	vst v0  }
0x6a: {  	[tilespmem:s13+$0x76D0] =	vst v0  }
0x6b: {  	[tilespmem:s13+$0x76E0] =	vst v0  }
0x6c: {  	[spmem:s19] =	stream.linear.scatter [tilespmem:s6], [sflag:$0x3], $0x1400, $0x38;
	[tilespmem:$0x136D0] =	vst v63  }
0x6d: {  	s18 =	spop (v2sf)  }
0x6e: {  	_ =	swait.ge [sflag:s0], $0x1400  }
0x6f: {  	[sflag:s0] =	ssyncset.done $0x0  }
0x70: {  	[sflag:s0] =	ssyncadd.s32 $0xFFFFEC00  }
0x71: {  	[spmem:s22] =	stream.linear.scatter [tilespmem:s6], [sflag:$0x3], $0x1400, $0x38;
	[tilespmem:$0x136D0] =	vst v63  }
0x72: {  	_ =	swait.ge [sflag:s0], $0x1400  }
0x73: {  	[sflag:s0] =	ssyncset.done $0x0  }
0x74: {  	[sflag:s0] =	ssyncadd.s32 $0xFFFFEC00  }
0x75: {  	[spmem:s23] =	stream.linear.scatter [tilespmem:s6], [sflag:$0x3], $0x1400, $0x38;
	[tilespmem:$0x136D0] =	vst v63  }
0x76: {  	_ =	swait.ge [sflag:s0], $0x1400  }
0x77: {  	[sflag:s0] =	ssyncset.done $0x0  }
0x78: {  	[sflag:s0] =	ssyncadd.s32 $0xFFFFEC00  }
0x79: {  	[spmem:s24] =	stream.linear.scatter [tilespmem:s6], [sflag:$0x3], $0x1400, $0x38;
	[tilespmem:$0x136D0] =	vst v63  }
0x7a: {  	_ =	swait.ge [sflag:s0], $0x1400  }
0x7b: {  	[sflag:s0] =	ssyncset.done $0x0  }
0x7c: {  	[sflag:s0] =	ssyncadd.s32 $0xFFFFEC00  }
0x7d: {  	[spmem:s25] =	stream.linear.scatter [tilespmem:s6], [sflag:$0x3], $0x1400, $0x38;
	[tilespmem:$0x136D0] =	vst v63  }
0x7e: {  	_ =	swait.ge [sflag:s0], $0x1400  }
0x7f: {  	[sflag:s0] =	ssyncset.done $0x0  }
0x80: {  	[sflag:s0] =	ssyncadd.s32 $0xFFFFEC00  }
0x81: {  	[spmem:s26] =	stream.linear.scatter [tilespmem:s6], [sflag:$0x3], $0x1400, $0x38;
	[tilespmem:$0x136D0] =	vst v63  }
0x82: {  	_ =	swait.ge [sflag:s0], $0x1400  }
0x83: {  	[sflag:s0] =	ssyncset.done $0x0  }
0x84: {  	[sflag:s0] =	ssyncadd.s32 $0xFFFFEC00  }
0x85: {  	[spmem:s28] =	stream.linear.scatter [tilespmem:s6], [sflag:$0x3], $0x1400, $0x38;
	[tilespmem:$0x136D0] =	vst v63  }
0x86: {  	s14 =	sxor.u32 $0x80000000, s18;
	_ =	swait.ge [sflag:s0], $0x1400  }
0x87: {  	p0 =	sgt.s32 s14, $0x0;
	s13 =	smov.u32 s14;
	[sflag:s0] =	ssyncset.done $0x0  }
0x88: {  	s13 =	simm.s32 @!p0 $0x0;
	[sflag:s0] =	ssyncadd.s32 $0xFFFFEC00  }
0x89: {  	[spmem:s29] =	stream.linear.scatter [tilespmem:s6], [sflag:$0x3], $0x1400, $0x38;
	[tilespmem:$0x136D0] =	vst v63  }
0x8a: {  	p0 =	slt.s32 s14, $0x1;
	s13 =	smin.u32 s13, $0x7E;
	_ =	swait.ge [sflag:s0], $0x1400  }
0x8b: {  	s14 =	simm.s32 @!p0 $0x50;
	s20 =	sand.u32 $0x1, s13;
	[sflag:s0] =	ssyncset.done $0x0  }
0x8c: {  	s15 =	simm.s32 @!p0 $0x0;
	p1 =	seq.s32 s20, $0x1;
	[sflag:s0] =	ssyncadd.s32 $0xFFFFEC00  }
0x8d: {  	s16 =	simm.s32 @!p0 $0x4ED0;
	p1 =	por !p0, !p1;
	[bflag:$0x0] =	sbarrier.arrive $0xFFFF  }
0x8e: {  	[tilespmem:s16], [sflag:$0x1] =	stream.indirect.gather @!p0 [hbm4b:s1+s14], $0x40, s15, s14, $0xb8;
	[tilespmem:$0x136D0] =	vst v63  }
0x8f: {  	p1 =	por !p1, !p1;
	s14 =	simm.s32 $0x1  }
0x90: {  	s21 =	sshrl.u32 s13, $0x1;
	s14 =	simm.s32 @!p1 $0x0  }
0x91: {  	s14 =	ssub.s32 s21, s14  }
0x92: {  	p1 =	slt.s32 s14, $0x1  }
.Ltmp3:
0x93: {  	_ = 	snop;
	(pc) =	sbr.rel @p1 .LBB2_7-.Ltmp3, $1  }
0x94: {  	_ =	sdelay $0x3  }
0x95: {  	_ =	swait.ge [sflag:s7], $0x1400  }
0x96: {  	[sflag:s7] =	ssyncset.done $0x0  }
0x97: {  	s15 =	simm.s32 $0x50;
	[sflag:s7] =	ssyncadd.s32 $0xFFFFEC00  }
0x98: {  	[tilespmem:s9], [sflag:$0x2] =	stream.indirect.gather [hbm4b:s1+s8], $0x40, s15, s8, $0xb8;
	[tilespmem:$0x136D0] =	vst v63  }
0x99: {  	s15 =	simm.s32 $0x2760  }
0x9a: {  	[spmem:s3] =	stream.indirect.scatter.add.f32 [tilespmem:s10], [sflag:$0x3], $0x40, s15, s8, $0xb8;
	[tilespmem:$0x136D0] =	vst v63  }
0x9b: {  	_ =	swait.ge [sflag:s0], $0x1400  }
0x9c: {  	[sflag:s0] =	ssyncset.done $0x0  }
0x9d: {  	[sflag:s0] =	ssyncadd.s32 $0xFFFFEC00  }
0x9e: {  	p2 =	sle.u32 s13, $0x2;
	_ =	swait.ge [sflag:s11], $0x1400  }
0x9f: {  	s16 =	simm.s32 @!p2 $0xA0;
	[sflag:s11] =	ssyncset.done $0x0  }
0xa0: {  	s17 =	simm.s32 @!p2 $0x50;
	s18 =	simm.s32 @!p2 $0x4ED0;
	[sflag:s11] =	ssyncadd.s32 $0xFFFFEC00  }
0xa1: {  	[tilespmem:s18], [sflag:$0x1] =	stream.indirect.gather @!p2 [hbm4b:s1+s17], $0x40, s16, s17, $0xb8;
	[tilespmem:$0x136D0] =	vst v63  }
0xa2: {  	s16 =	sadd.s32 $0xFFFFFFFF, s14  }
0xa3: {  	s4 =	smov.u32 s31;
	s31 =	smov.u32 s30;
	p2 =	sne.s32 s16, $0x0  }
.Ltmp4:
0xa4: {  	s30 =	smov.u32 s29;
	s29 =	smov.u32 s28;
	(pc) =	sbr.rel @!p2 .LBB2_6-.Ltmp4, $4  }
0xa5: {  	s28 =	smov.u32 s26;
	s26 =	smov.u32 s25;
	s25 =	smov.u32 s24  }
0xa6: {  	s24 =	smov.u32 s23;
	s23 =	smov.u32 s22;
	s22 =	simm.s32 $0x27B0  }
0xa7: {  	[spmem:s3] =	stream.indirect.scatter.add.f32 [tilespmem:s9], [sflag:$0x3], $0x40, s22, s8, $0xb8;
	[tilespmem:$0x136D0] =	vst v63  }
0xa8: {  	s17 =	simm.s32 $0xF0;
	s18 =	simm.s32 $0x4;
	_ =	swait.ge [sflag:s0], $0x1400  }
.LBB2_5:
0xa9: {  	s16 =	sadd.s32 $0xFFFFFFFF, s16;
	[sflag:s0] =	ssyncset.done $0x0;
	s15 =	sadd.s32 $0xA0, s15  }
0xaa: {  	p2 =	sne.s32 s16, $0x0;
	[sflag:s0] =	ssyncadd.s32 $0xFFFFEC00  }
0xab: {  	_ =	swait.ge [sflag:s7], $0x1400  }
0xac: {  	[sflag:s7] =	ssyncset.done $0x0  }
0xad: {  	[sflag:s7] =	ssyncadd.s32 $0xFFFFEC00  }
0xae: {  	[tilespmem:s9], [sflag:$0x2] =	stream.indirect.gather [hbm4b:s1+s8], $0x40, s17, s8, $0xb8;
	[tilespmem:$0x136D0] =	vst v63  }
0xaf: {  	_ = 	snop  }
0xb0: {  	[spmem:s3] =	stream.indirect.scatter.add.f32 [tilespmem:s10], [sflag:$0x3], $0x40, s15, s8, $0xb8;
	[tilespmem:$0x136D0] =	vst v63  }
0xb1: {  	_ =	swait.ge [sflag:s0], $0x1400  }
0xb2: {  	[sflag:s0] =	ssyncset.done $0x0  }
0xb3: {  	[sflag:s0] =	ssyncadd.s32 $0xFFFFEC00  }
0xb4: {  	_ =	swait.ge [sflag:s11], $0x1400  }
0xb5: {  	p3 =	sge.u32 s18, s13;
	[sflag:s11] =	ssyncset.done $0x0  }
0xb6: {  	s2 =	sadd.s32 @!p3 $0x50, s17;
	s20 =	simm.s32 @!p3 $0x50;
	[sflag:s11] =	ssyncadd.s32 $0xFFFFEC00  }
.Ltmp5:
0xb7: {  	s21 =	simm.s32 @!p3 $0x4ED0;
	s22 =	sadd.s32 $0x50, s15;
	(pc) =	sbr.rel @p2 .LBB2_5-.Ltmp5, $4  }
0xb8: {  	[tilespmem:s21], [sflag:$0x1] =	stream.indirect.gather @!p3 [hbm4b:s1+s20], $0x40, s2, s20, $0xb8;
	[tilespmem:$0x136D0] =	vst v63  }
0xb9: {  	_ = 	snop  }
0xba: {  	[spmem:s3] =	stream.indirect.scatter.add.f32 [tilespmem:s9], [sflag:$0x3], $0x40, s22, s8, $0xb8;
	[tilespmem:$0x136D0] =	vst v63  }
0xbb: {  	s18 =	sadd.s32 $0x2, s18;
	s17 =	sadd.s32 $0xA0, s17;
	_ =	swait.ge [sflag:s0], $0x1400  }
.LBB2_6:
0xbc: {  	[sflag:s0] =	ssyncset.done $0x0;
	s22 =	smov.u32 s23;
	s23 =	smov.u32 s24  }
0xbd: {  	s24 =	smov.u32 s25;
	s25 =	smov.u32 s26;
	s26 =	smov.u32 s28  }
0xbe: {  	s28 =	smov.u32 s29;
	s29 =	smov.u32 s30;
	s30 =	smov.u32 s31  }
0xbf: {  	s31 =	smov.u32 s4;
	s4 =	simm.s32 $0x0;
	[sflag:s0] =	ssyncadd.s32 $0xFFFFEC00  }
.LBB2_7:
0xc0: {  	[bflag:$0x0] =	sbarrier.arrive $0xFFFF  }
0xc1: {  	[tilespmem:s6], [sflag:$0x3] =	stream.linear.gather [spmem:s19], $0x2000, $0x38;
	[tilespmem:$0x136D0] =	vst v63  }
0xc2: {  	_ =	swait.ge [sflag:s0], $0x2000  }
0xc3: {  	[sflag:s0] =	ssyncset.done $0x0  }
0xc4: {  	s2 =	simm.s32 $0x0;
	s15 =	rddreg [dreg:$0x4];
	[sflag:s0] =	ssyncadd.s32 $0xFFFFE000  }
0xc5: {  	[hbm4b:s15+s2] =	stream.linear.scatter [tilespmem:s6], [sflag:$0x3], $0x2000, $0x38;
	[tilespmem:$0x136D0] =	vst v63  }
0xc6: {  	_ =	swait.ge [sflag:s0], $0x2000  }
0xc7: {  	[sflag:s0] =	ssyncset.done $0x0  }
0xc8: {  	[sflag:s0] =	ssyncadd.s32 $0xFFFFE000  }
0xc9: {  	[tilespmem:s6], [sflag:$0x3] =	stream.linear.gather [spmem:s30], $0x2000, $0x38;
	[tilespmem:$0x136D0] =	vst v63  }
0xca: {  	_ =	swait.ge [sflag:s0], $0x2000  }
0xcb: {  	[sflag:s0] =	ssyncset.done $0x0  }
0xcc: {  	s21 =	rddreg [dreg:$0x5];
	[sflag:s0] =	ssyncadd.s32 $0xFFFFE000  }
0xcd: {  	[hbm4b:s21+s2] =	stream.linear.scatter [tilespmem:s6], [sflag:$0x3], $0x2000, $0x38;
	[tilespmem:$0x136D0] =	vst v63  }
0xce: {  	_ =	swait.ge [sflag:s0], $0x2000  }
0xcf: {  	[sflag:s0] =	ssyncset.done $0x0  }
0xd0: {  	[sflag:s0] =	ssyncadd.s32 $0xFFFFE000  }
0xd1: {  	[tilespmem:s6], [sflag:$0x3] =	stream.linear.gather [spmem:s31], $0x2000, $0x38;
	[tilespmem:$0x136D0] =	vst v63  }
0xd2: {  	_ =	swait.ge [sflag:s0], $0x2000  }
0xd3: {  	[sflag:s0] =	ssyncset.done $0x0  }
0xd4: {  	s16 =	rddreg [dreg:$0x6];
	[sflag:s0] =	ssyncadd.s32 $0xFFFFE000  }
0xd5: {  	[hbm4b:s16+s2] =	stream.linear.scatter [tilespmem:s6], [sflag:$0x3], $0x2000, $0x38;
	[tilespmem:$0x136D0] =	vst v63  }
0xd6: {  	_ =	swait.ge [sflag:s0], $0x2000  }
0xd7: {  	[sflag:s0] =	ssyncset.done $0x0  }
0xd8: {  	s17 =	rddreg [dreg:$0x11];
	[sflag:s0] =	ssyncadd.s32 $0xFFFFE000  }
0xd9: {  	[tilespmem:s6], [sflag:$0x3] =	stream.linear.gather [spmem:s17], $0x2000, $0x38;
	[tilespmem:$0x136D0] =	vst v63  }
0xda: {  	_ =	swait.ge [sflag:s0], $0x2000  }
0xdb: {  	[sflag:s0] =	ssyncset.done $0x0  }
0xdc: {  	s18 =	rddreg [dreg:$0x7];
	[sflag:s0] =	ssyncadd.s32 $0xFFFFE000  }
0xdd: {  	[hbm4b:s18+s2] =	stream.linear.scatter [tilespmem:s6], [sflag:$0x3], $0x2000, $0x38;
	[tilespmem:$0x136D0] =	vst v63  }
0xde: {  	_ =	swait.ge [sflag:s0], $0x2000  }
0xdf: {  	[sflag:s0] =	ssyncset.done $0x0  }
0xe0: {  	s20 =	rddreg [dreg:$0x12];
	[sflag:s0] =	ssyncadd.s32 $0xFFFFE000  }
0xe1: {  	[tilespmem:s6], [sflag:$0x3] =	stream.linear.gather [spmem:s20], $0x2000, $0x38;
	[tilespmem:$0x136D0] =	vst v63  }
0xe2: {  	_ =	swait.ge [sflag:s0], $0x2000  }
0xe3: {  	[sflag:s0] =	ssyncset.done $0x0  }
0xe4: {  	s21 =	rddreg [dreg:$0x8];
	[sflag:s0] =	ssyncadd.s32 $0xFFFFE000  }
0xe5: {  	[hbm4b:s21+s2] =	stream.linear.scatter [tilespmem:s6], [sflag:$0x3], $0x2000, $0x38;
	[tilespmem:$0x136D0] =	vst v63  }
0xe6: {  	_ =	swait.ge [sflag:s0], $0x2000  }
0xe7: {  	[sflag:s0] =	ssyncset.done $0x0  }
0xe8: {  	[sflag:s0] =	ssyncadd.s32 $0xFFFFE000  }
0xe9: {  	s15 =	simm.s32 $0x0;
	s16 =	simm.s32 $0x100;
	[bflag:$0x0] =	sbarrier.arrive $0xFFFF  }
.LBB2_8:
0xea: {  	p2 =	sne.s32 s16, $0x7F00;
	[tilespmem:s15+$0x7700] =	vst v0;
	s2 =	smov.u32 s16;
	s16 =	sadd.s32 $0x100, s16  }
.Ltmp6:
0xeb: {  	[tilespmem:s15+$0x76F0] =	vst v0;
	(pc) =	sbr.rel @p2 .LBB2_8-.Ltmp6, $3  }
0xec: {  	[tilespmem:s15+$0x76D0] =	vst v0  }
0xed: {  	[tilespmem:s15+$0x76E0] =	vst v0;
	_ =	sdelay $0x1  }
0xee: {  	s15 =	sshra.s32 s2, $0x2  }
0xef: {  	[tilespmem:s15+$0x7700] =	vst v0  }
0xf0: {  	[tilespmem:s15+$0x76F0] =	vst v0  }
0xf1: {  	[tilespmem:s15+$0x76D0] =	vst v0  }
0xf2: {  	[tilespmem:s15+$0x76E0] =	vst v0  }
0xf3: {  	[spmem:s19] =	stream.linear.scatter [tilespmem:s6], [sflag:$0x3], $0x1400, $0x38;
	[tilespmem:$0x136D0] =	vst v63  }
0xf4: {  	_ =	swait.ge [sflag:s0], $0x1400  }
0xf5: {  	[sflag:s0] =	ssyncset.done $0x0  }
0xf6: {  	[sflag:s0] =	ssyncadd.s32 $0xFFFFEC00  }
0xf7: {  	[spmem:s22] =	stream.linear.scatter [tilespmem:s6], [sflag:$0x3], $0x1400, $0x38;
	[tilespmem:$0x136D0] =	vst v63  }
0xf8: {  	_ =	swait.ge [sflag:s0], $0x1400  }
0xf9: {  	[sflag:s0] =	ssyncset.done $0x0  }
0xfa: {  	[sflag:s0] =	ssyncadd.s32 $0xFFFFEC00  }
0xfb: {  	[spmem:s23] =	stream.linear.scatter [tilespmem:s6], [sflag:$0x3], $0x1400, $0x38;
	[tilespmem:$0x136D0] =	vst v63  }
0xfc: {  	_ =	swait.ge [sflag:s0], $0x1400  }
0xfd: {  	[sflag:s0] =	ssyncset.done $0x0  }
0xfe: {  	[sflag:s0] =	ssyncadd.s32 $0xFFFFEC00  }
0xff: {  	[spmem:s24] =	stream.linear.scatter [tilespmem:s6], [sflag:$0x3], $0x1400, $0x38;
	[tilespmem:$0x136D0] =	vst v63  }
0x100: {  	_ =	swait.ge [sflag:s0], $0x1400  }
0x101: {  	[sflag:s0] =	ssyncset.done $0x0  }
0x102: {  	[sflag:s0] =	ssyncadd.s32 $0xFFFFEC00  }
0x103: {  	[spmem:s25] =	stream.linear.scatter [tilespmem:s6], [sflag:$0x3], $0x1400, $0x38;
	[tilespmem:$0x136D0] =	vst v63  }
0x104: {  	_ =	swait.ge [sflag:s0], $0x1400  }
0x105: {  	[sflag:s0] =	ssyncset.done $0x0  }
0x106: {  	[sflag:s0] =	ssyncadd.s32 $0xFFFFEC00  }
0x107: {  	[spmem:s26] =	stream.linear.scatter [tilespmem:s6], [sflag:$0x3], $0x1400, $0x38;
	[tilespmem:$0x136D0] =	vst v63  }
0x108: {  	_ =	swait.ge [sflag:s0], $0x1400  }
0x109: {  	[sflag:s0] =	ssyncset.done $0x0  }
0x10a: {  	[sflag:s0] =	ssyncadd.s32 $0xFFFFEC00  }
0x10b: {  	[spmem:s28] =	stream.linear.scatter [tilespmem:s6], [sflag:$0x3], $0x1400, $0x38;
	[tilespmem:$0x136D0] =	vst v63  }
0x10c: {  	_ =	swait.ge [sflag:s0], $0x1400  }
0x10d: {  	[sflag:s0] =	ssyncset.done $0x0  }
0x10e: {  	[sflag:s0] =	ssyncadd.s32 $0xFFFFEC00  }
0x10f: {  	[spmem:s29] =	stream.linear.scatter [tilespmem:s6], [sflag:$0x3], $0x1400, $0x38;
	[tilespmem:$0x136D0] =	vst v63  }
.Ltmp7:
0x110: {  	_ =	swait.ge [sflag:s0], $0x1400;
	(pc) =	sbr.rel @p1 .LBB2_13-.Ltmp7, $4  }
0x111: {  	[sflag:s0] =	ssyncset.done $0x0  }
0x112: {  	s2 =	simm.s32 @!p0 $0x50;
	[sflag:s0] =	ssyncadd.s32 $0xFFFFEC00  }
0x113: {  	s15 =	simm.s32 @!p0 $0x0;
	s16 =	simm.s32 @!p0 $0x4ED0;
	[bflag:$0x0] =	sbarrier.arrive $0xFFFF  }
0x114: {  	[tilespmem:s16], [sflag:$0x1] =	stream.indirect.gather @!p0 [hbm4b:s5+s2], $0x40, s15, s2, $0xb8;
	[tilespmem:$0x136D0] =	vst v63  }
0x115: {  	_ =	swait.ge [sflag:s7], $0x1400  }
0x116: {  	[sflag:s7] =	ssyncset.done $0x0  }
0x117: {  	s2 =	simm.s32 $0x50;
	[sflag:s7] =	ssyncadd.s32 $0xFFFFEC00  }
0x118: {  	[tilespmem:s9], [sflag:$0x2] =	stream.indirect.gather [hbm4b:s5+s8], $0x40, s2, s8, $0xb8;
	[tilespmem:$0x136D0] =	vst v63  }
0x119: {  	s15 =	simm.s32 $0x2760  }
0x11a: {  	[spmem:s3] =	stream.indirect.scatter.add.f32 [tilespmem:s10], [sflag:$0x3], $0x40, s15, s8, $0xb8;
	[tilespmem:$0x136D0] =	vst v63  }
0x11b: {  	_ =	swait.ge [sflag:s0], $0x1400  }
0x11c: {  	[sflag:s0] =	ssyncset.done $0x0  }
0x11d: {  	[sflag:s0] =	ssyncadd.s32 $0xFFFFEC00  }
0x11e: {  	p0 =	sle.u32 s13, $0x2;
	_ =	swait.ge [sflag:s11], $0x1400  }
0x11f: {  	s14 =	sadd.s32 $0xFFFFFFFF, s14;
	s16 =	simm.s32 @!p0 $0x50;
	[sflag:s11] =	ssyncset.done $0x0  }
0x120: {  	s17 =	simm.s32 @!p0 $0x4ED0;
	s2 =	simm.s32 @!p0 $0xA0;
	[sflag:s11] =	ssyncadd.s32 $0xFFFFEC00  }
0x121: {  	[tilespmem:s17], [sflag:$0x1] =	stream.indirect.gather @!p0 [hbm4b:s5+s16], $0x40, s2, s16, $0xb8;
	[tilespmem:$0x136D0] =	vst v63  }
0x122: {  	p0 =	sne.s32 s14, $0x0  }
.Ltmp8:
0x123: {  	_ = 	snop;
	(pc) =	sbr.rel @!p0 .LBB2_12-.Ltmp8, $4  }
0x124: {  	_ = 	snop  }
0x125: {  	s21 =	simm.s32 $0x27B0  }
0x126: {  	[spmem:s3] =	stream.indirect.scatter.add.f32 [tilespmem:s9], [sflag:$0x3], $0x40, s21, s8, $0xb8;
	[tilespmem:$0x136D0] =	vst v63  }
0x127: {  	s16 =	simm.s32 $0xF0;
	s17 =	simm.s32 $0x4;
	_ =	swait.ge [sflag:s0], $0x1400  }
.LBB2_11:
0x128: {  	s14 =	sadd.s32 $0xFFFFFFFF, s14;
	[sflag:s0] =	ssyncset.done $0x0;
	s15 =	sadd.s32 $0xA0, s15  }
0x129: {  	p0 =	sne.s32 s14, $0x0;
	[sflag:s0] =	ssyncadd.s32 $0xFFFFEC00  }
0x12a: {  	_ =	swait.ge [sflag:s7], $0x1400  }
0x12b: {  	[sflag:s7] =	ssyncset.done $0x0  }
0x12c: {  	[sflag:s7] =	ssyncadd.s32 $0xFFFFEC00  }
0x12d: {  	[tilespmem:s9], [sflag:$0x2] =	stream.indirect.gather [hbm4b:s5+s8], $0x40, s16, s8, $0xb8;
	[tilespmem:$0x136D0] =	vst v63  }
0x12e: {  	_ = 	snop  }
0x12f: {  	[spmem:s3] =	stream.indirect.scatter.add.f32 [tilespmem:s10], [sflag:$0x3], $0x40, s15, s8, $0xb8;
	[tilespmem:$0x136D0] =	vst v63  }
0x130: {  	_ =	swait.ge [sflag:s0], $0x1400  }
0x131: {  	[sflag:s0] =	ssyncset.done $0x0  }
0x132: {  	[sflag:s0] =	ssyncadd.s32 $0xFFFFEC00  }
0x133: {  	_ =	swait.ge [sflag:s11], $0x1400  }
0x134: {  	p1 =	sge.u32 s17, s13;
	[sflag:s11] =	ssyncset.done $0x0  }
0x135: {  	s2 =	sadd.s32 @!p1 $0x50, s16;
	s18 =	simm.s32 @!p1 $0x50;
	[sflag:s11] =	ssyncadd.s32 $0xFFFFEC00  }
.Ltmp9:
0x136: {  	s20 =	simm.s32 @!p1 $0x4ED0;
	s21 =	sadd.s32 $0x50, s15;
	(pc) =	sbr.rel @p0 .LBB2_11-.Ltmp9, $4  }
0x137: {  	[tilespmem:s20], [sflag:$0x1] =	stream.indirect.gather @!p1 [hbm4b:s5+s18], $0x40, s2, s18, $0xb8;
	[tilespmem:$0x136D0] =	vst v63  }
0x138: {  	_ = 	snop  }
0x139: {  	[spmem:s3] =	stream.indirect.scatter.add.f32 [tilespmem:s9], [sflag:$0x3], $0x40, s21, s8, $0xb8;
	[tilespmem:$0x136D0] =	vst v63  }
0x13a: {  	s17 =	sadd.s32 $0x2, s17;
	s16 =	sadd.s32 $0xA0, s16;
	_ =	swait.ge [sflag:s0], $0x1400  }
.Ltmp10:
0x13b: {  	_ = 	snop;
	(pc) =	sbr.rel .LBB2_12-.Ltmp10, $1  }
0x13c: {  	_ =	sdelay $0x3  }
.LBB2_14:
0x13d: {  	_ =	sfence.sel $0x180000  }
0x13e: {  	[bflag:$0x0] =	sbarrier.arrive $0xFFFF  }
0x13f: {  	_ =	strace $0x9000004A  }
0x140: {  	s0 =	stileid.u32;
	[bflag:$0x2] =	sbarrier.arrive $0xFFFF  }
0x141: {  	p0 =	sne.s32 s0, $0x0;
	s0 =	rddreg [dreg:$0x3]  }
0x142: {  	s0 =	sadd.s32 @!p0 $0x100000, s0  }
0x143: {  	[sflag:s0] =	ssyncadd.tile.s32 @!p0 $0x1;
	_ =	shalt  }
.Lfunc_end2:
_tile_overlayer_lowered:
.L_overlay_start_2:
0x144: {  	(tag) =	ssettag $0x2  }
0x145: {  	s0 =	rddreg [dreg:$0x0];
	s2 =	stileid.u32  }
0x146: {  	s1 =	rddreg [dreg:$0x1];
	p0 =	sne.s32 s2, $0x0  }
0x147: {  	s3 =	rddreg [dreg:$0x2];
	[bflag:$0x3] =	sbarrier.arrive $0xFFFF;
	s2 =	simm.s32 @!p0 $0x1C03  }
0x148: {  	[timem:s3], [sflag:s2] =	dma.local @!p0 [hbm:s0], s1  }
0x149: {  	s0 =	simm.s32 @!p0 $0x3  }
0x14a: {  	_ =	swait.ge @!p0 [sflag:s0], s1  }
0x14b: {  	s1 =	ssub.s32 @!p0 $0x0, s1;
	[sflag:s0] =	ssyncset.done @!p0 $0x0  }
0x14c: {  	[sflag:s0] =	ssyncadd.s32 @!p0 s1  }
0x14d: {  	[bflag:$0x3] =	sbarrier.arrive $0xFFFF  }
0x14e: {  	_ =	shalt  }

</sc_bundles>
